<compile_context>
chip_gen: v7x
topology: tpu7x:2x2x1
jax: 0.10.2.dev20260603
libtpu: 0.0.44.dev20260713+nightly
codegen_flags: <defaults>
</compile_context>

<pallas_src>
import functools
import math

import jax
import jax.numpy as jnp
from jax import lax
from jax.experimental import pallas as pl
from jax.experimental.pallas import tpu as pltpu
from jax.experimental.pallas import tpu_sc as plsc

NC = 2
NS = 16
L = 16

COL_TF = 24
COL_DL = 14
COL_PR = 129
COL_IL = 127
COL_OL = 128
COL_AVG = 16
STRIPS = (
    (3, ((0, 0),)),
    (2, ()),
    (1, ((6, 1),)),
    (16, ((0, 4), (1, 2))),
    (15, ((7, 3),)),
)


@functools.partial(jax.jit, static_argnums=(4,))
def _sc_rank(idx, gf_t, fresh, params, n_docs):
    B = idx.shape[0]
    NW = NC * NS
    b_per_w = B // NW
    s_iter = b_per_w // L
    n_tiles = (n_docs + 127) // 128
    n_pad = n_tiles * 128
    t_hi = n_tiles // NS + 1
    n_hi = n_tiles - (n_tiles // NS) * NS
    chunk_hi = t_hi * 128
    chunk_lo = (t_hi - 1) * 128
    m_buf = chunk_hi

    mesh = plsc.VectorSubcoreMesh(core_axis_name="c", subcore_axis_name="s")

    @functools.partial(
        pl.kernel,
        mesh=mesh,
        out_type=jax.ShapeDtypeStruct((B,), jnp.float32),
        scratch_types=[
            pltpu.VMEM((8, L), jnp.float32),
            pltpu.VMEM((2, 8, m_buf // 2 + 64), jnp.float32),
            pltpu.VMEM((5 * b_per_w,), jnp.int32),
            pltpu.VMEM((5 * b_per_w,), jnp.float32),
            pltpu.VMEM((b_per_w,), jnp.int32),
            pltpu.VMEM((b_per_w,), jnp.float32),
            pltpu.VMEM((b_per_w,), jnp.float32),
            pltpu.VMEM((L,), jnp.float32),
            pltpu.VMEM((NS, L), jnp.float32),
            pltpu.VMEM_SHARED((5 * n_pad,), jnp.float32),
            pltpu.VMEM_SHARED((NS, L), jnp.float32),
            pltpu.SemaphoreType.DMA,
            pltpu.SemaphoreType.DMA,
            pltpu.SemaphoreType.DMA,
        ],
    )
    def k(idx_hbm, gft_hbm, fresh_hbm, par_hbm, out_hbm,
          par_v, strip_v, sidx_v, sval_v, bidx_v, fresh_v, out_v,
          acc_v, part_v, cols_sh, shared_v, sem_m, sem_g, sem_s):
        c = lax.axis_index("c")
        s = lax.axis_index("s")
        wid = c * NS + s
        base = wid * b_per_w
        lane = lax.iota(jnp.int32, L)

        m_off = jnp.where(s < n_hi, s * chunk_hi,
                          n_hi * chunk_hi + (s - n_hi) * chunk_lo)
        m_len = jnp.where(s < n_hi, chunk_hi, chunk_lo)
        m_iters = m_len // L

        h0_len = jnp.where(s < n_hi, chunk_hi // 2 + 64, chunk_lo // 2)
        h1_len = m_len - h0_len
        halves = [(0, h0_len), (h0_len, h1_len)]
        sems = (sem_m, sem_g)
        steps = []
        for strip, extracts in STRIPS:
            for h_off, h_len in halves:
                steps.append((strip, extracts, h_off, h_len))
        copies = [
            pltpu.make_async_copy(
                gft_hbm.at[pl.ds(strip * 8, 8), pl.ds(m_off + h_off, h_len)],
                strip_v.at[i % 2, :, pl.ds(0, h_len)], sems[i % 2])
            for i, (strip, _, h_off, h_len) in enumerate(steps)
        ]
        copies[0].start()
        copies[1].start()

        pltpu.sync_copy(idx_hbm.at[pl.ds(base, b_per_w)], bidx_v)
        pltpu.sync_copy(fresh_hbm.at[pl.ds(base, b_per_w)], fresh_v)
        pltpu.sync_copy(par_hbm, par_v)

        def sbody(i, carry):
            v = bidx_v[pl.ds(i * L, L)]
            for j in range(5):
                sidx_v[pl.ds(j * b_per_w + i * L, L)] = v + j * n_pad
            return carry

        lax.fori_loop(0, s_iter, sbody, 0)

        acc = jnp.zeros((L,), jnp.float32)
        for i, (strip, extracts, h_off, h_len) in enumerate(steps):
            copies[i].wait()
            buf = strip_v.at[i % 2]
            for sub, slot in extracts:
                pltpu.sync_copy(
                    buf.at[sub, pl.ds(0, h_len)],
                    cols_sh.at[pl.ds(slot * n_pad + m_off + h_off, h_len)])
            if strip == COL_AVG // 8:
                sub = COL_AVG % 8
                h_iters = h_len // L
                h_base = m_off + h_off

                def rbody(ii, a, buf=buf, h_base=h_base):
                    v = buf[sub, pl.ds(ii * L, L)]
                    ok = (h_base + ii * L + lane) < n_docs
                    return a + jnp.where(ok, v, 0.0)

                acc = lax.fori_loop(0, h_iters, rbody, acc)
            if i + 2 < len(steps):
                copies[i + 2].start()

        acc_v[...] = acc
        pltpu.sync_copy(acc_v, shared_v.at[s])
        plsc.subcore_barrier()

        pltpu.sync_copy(shared_v, part_v)
        tot = part_v[0]
        for j in range(1, NS):
            tot = tot + part_v[j]
        tot_s = tot[0]
        for j in range(1, L):
            tot_s = tot_s + tot[j]
        inv_avg = jnp.full((L,), float(n_docs), jnp.float32) / jnp.broadcast_to(tot_s, (L,))

        gcopy = pltpu.make_async_copy(cols_sh.at[sidx_v], sval_v, sem_s)
        gcopy.start()

        a_c = par_v[0]
        k1_1mb = par_v[1]
        k1b = par_v[2]
        pr_c = par_v[3]
        il_c = par_v[4]
        ol_c = par_v[5]
        f_c = par_v[6]
        gcopy.wait()

        def cbody(i, carry):
            tf = sval_v[pl.ds(i * L, L)]
            dl = sval_v[pl.ds(b_per_w + i * L, L)]
            prv = sval_v[pl.ds(2 * b_per_w + i * L, L)]
            ilv = sval_v[pl.ds(3 * b_per_w + i * L, L)]
            olv = sval_v[pl.ds(4 * b_per_w + i * L, L)]
            fu = fresh_v[pl.ds(i * L, L)]
            denom = tf + k1_1mb + k1b * (dl * inv_avg)
            score = a_c * tf / denom + pr_c * prv + il_c * ilv + ol_c * olv + f_c * fu
            out_v[pl.ds(i * L, L)] = score
            return carry

        lax.fori_loop(0, s_iter, cbody, 0)
        pltpu.sync_copy(out_v, out_hbm.at[pl.ds(base, b_per_w)])

    return k(idx, gf_t, fresh, params)


def kernel(batch_indices, global_features, fresh_u, bm25_k1, bm25_b,
           bm25_weight, page_rank, in_link, out_link, freshness):
    n_docs, _ = global_features.shape
    idf = math.log(0.5 / (n_docs + 0.5) + 1.0)
    a_c = bm25_weight * idf * (bm25_k1 + 1.0)
    params = jnp.stack([
        a_c.astype(jnp.float32),
        (bm25_k1 * (1.0 - bm25_b)).astype(jnp.float32),
        (bm25_k1 * bm25_b).astype(jnp.float32),
        page_rank.astype(jnp.float32),
        in_link.astype(jnp.float32),
        out_link.astype(jnp.float32),
        freshness.astype(jnp.float32),
        jnp.zeros((), jnp.float32),
    ])
    params = jnp.broadcast_to(params[:, None], (8, L))
    out = _sc_rank(batch_indices.astype(jnp.int32), global_features.T,
                   fresh_u.astype(jnp.float32), params, n_docs)
    return out[:, None]

# --- scband reference (transcript-rebuilt; emitter-appended) ---
"""Pipeline reference for scband-weighted-rank-net-36687610643030 (READ-ONLY COPY).

The authoritative reference and input builder live on the scoring server;
editing this copy changes nothing except your own understanding.
"""

import jax, jax.numpy as jnp
import numpy as np

NUM_DOCS = 100000
FEAT_DIM = 136
BATCH = 16384


def setup_inputs(seed: int = 0) -> dict:
    key = jax.random.key(seed)
    k1, k2, k3 = jax.random.split(key, 3)
    # global MSLR-style feature table (corpus); values kept positive like real count/length features
    global_features = jax.random.uniform(k1, (NUM_DOCS, FEAT_DIM), dtype=jnp.float32) * 10.0 + 0.1
    batch_indices = jax.random.randint(k2, (BATCH,), 0, NUM_DOCS, dtype=jnp.int64) if jax.config.jax_enable_x64 else jax.random.randint(k2, (BATCH,), 0, NUM_DOCS, dtype=jnp.int32)
    # freshness randomness: torch uses torch.rand(1).item() per doc (a detached constant); we pre-sample it
    fresh_u = jax.random.uniform(k3, (BATCH,), dtype=jnp.float32)
    # learned scalar parameters (the nn.Sequential MLP is defined but unused in forward)
    return {
        'batch_indices': batch_indices,
        'global_features': global_features,
        'fresh_u': fresh_u,
        'bm25_k1': jnp.array(3.5, jnp.float32),
        'bm25_b': jnp.array(0.5, jnp.float32),
        'bm25_weight': jnp.array(1.0, jnp.float32),
        'page_rank': jnp.array(0.2, jnp.float32),
        'in_link': jnp.array(0.1, jnp.float32),
        'out_link': jnp.array(0.1, jnp.float32),
        'freshness': jnp.array(1.0, jnp.float32),
    }


def reference(batch_indices, global_features, fresh_u, bm25_k1, bm25_b, bm25_weight, page_rank, in_link, out_link, freshness):
    # global corpus statistics (fetch_total_doc_statistics_mslr)
    avg_doc_len = global_features[:, 16].mean()
    total_docs = jnp.array(float(global_features.shape[0]), jnp.float32)

    # gather per-doc feature vectors (vectorized over the python loop)
    fv = jnp.take(global_features, batch_indices, axis=0)  # [B, 136]
    term_freq = fv[:, 24]
    doc_length = fv[:, 14]          # metadata['docLength'] uses index 14
    pagerank_v = fv[:, 129]
    in_link_v = fv[:, 127]
    out_link_v = fv[:, 128]

    # num_docs_with_term = len(global_features) in the original code
    num_docs_with_term = total_docs
    idf_term = jnp.log((total_docs - num_docs_with_term + 0.5) / (num_docs_with_term + 0.5) + 1.0)

    numerator = term_freq * (bm25_k1 + 1.0)
    denominator = term_freq + bm25_k1 * (1.0 - bm25_b + bm25_b * (doc_length / avg_doc_len))
    bm25_score = idf_term * (numerator / denominator)

    pagerank_score = page_rank * pagerank_v + in_link * in_link_v + out_link * out_link_v
    freshness_score = fresh_u * freshness

    combined = bm25_weight * bm25_score + pagerank_score + freshness_score
    return combined[:, None]  # [B, 1]

if __name__ == "__main__":
    import jax
    _d = setup_inputs()
    print(jax.jit(kernel)(*tuple(_d.values())))

</pallas_src>

<mosaic_0001>
#map = affine_map<(d0, d1) -> (0)>
#map1 = affine_map<(d0, d1) -> (0, 0)>
module attributes {stable_mosaic.version = 14 : i64} {
  func.func @k(%arg0: i32, %arg1: i32, %arg2: memref<16384xi32, #tpu.memory_space<hbm>>, %arg3: memref<136x100000xf32, #tpu.memory_space<hbm>>, %arg4: memref<16384xf32, #tpu.memory_space<hbm>>, %arg5: memref<8x16xf32, #tpu.memory_space<hbm>>, %arg6: memref<16384xf32, #tpu.memory_space<hbm>>, %arg7: memref<8x16xf32, #tpu.memory_space<vmem>>, %arg8: memref<2x8x3200xf32, #tpu.memory_space<vmem>>, %arg9: memref<2560xi32, #tpu.memory_space<vmem>>, %arg10: memref<2560xf32, #tpu.memory_space<vmem>>, %arg11: memref<512xi32, #tpu.memory_space<vmem>>, %arg12: memref<512xf32, #tpu.memory_space<vmem>>, %arg13: memref<512xf32, #tpu.memory_space<vmem>>, %arg14: memref<16xf32, #tpu.memory_space<vmem>>, %arg15: memref<16x16xf32, #tpu.memory_space<vmem>>, %arg16: memref<500480xf32, #tpu.memory_space<vmem_shared>>, %arg17: memref<16x16xf32, #tpu.memory_space<vmem_shared>>, %arg18: memref<!tpu.dma_semaphore, #tpu.memory_space<semaphore_mem>>, %arg19: memref<!tpu.dma_semaphore, #tpu.memory_space<semaphore_mem>>, %arg20: memref<!tpu.dma_semaphore, #tpu.memory_space<semaphore_mem>>) attributes {dimension_semantics = [#tpu.dimension_semantics<core_parallel>, #tpu.dimension_semantics<subcore_parallel>], iteration_bounds = array<i64: 2, 16>, scalar_prefetch = 0 : i64, scratch_operands = 14 : i64, tpu.core_type = #tpu.core_type<sc_vector_subcore>, window_params = [{transform_indices = #map}, {transform_indices = #map1}, {transform_indices = #map}, {transform_indices = #map1}, {transform_indices = #map}]} {
    %mul3A = arith.constant 16 : i32
    %mul3A_0 = arith.muli %arg0, %mul3A : i32
    %add3A = arith.addi %mul3A_0, %arg1 : i32
    %mul3A_1 = arith.constant 512 : i32
    %mul3A_2 = arith.muli %add3A, %mul3A_1 : i32
    %iota3A = tpu.iota {dimensions = array<i32: 0>} : vector<16xi32>
    %lt3A = arith.constant 14 : i32
    %lt3A_3 = arith.cmpi slt, %arg1, %lt3A : i32
    %mul3A_4 = arith.constant 6272 : i32
    %mul3A_5 = arith.muli %arg1, %mul3A_4 : i32
    %sub3A = arith.constant 14 : i32
    %sub3A_6 = arith.subi %arg1, %sub3A : i32
    %mul3A_7 = arith.constant 6144 : i32
    %mul3A_8 = arith.muli %sub3A_6, %mul3A_7 : i32
    %add3A_9 = arith.constant 87808 : i32
    %add3A_10 = arith.addi %add3A_9, %mul3A_8 : i32
    %select_n3A = arith.select %lt3A_3, %mul3A_5, %add3A_10 : i32
    %lt3A_11 = arith.constant 14 : i32
    %lt3A_12 = arith.cmpi slt, %arg1, %lt3A_11 : i32
    %jit3A = arith.constant 6272 : i32
    %jit3A_13 = arith.constant 6144 : i32
    %select_n3A_14 = arith.select %lt3A_12, %jit3A, %jit3A_13 : i32
    %jit3A_15 = arith.constant 16 : i32
    %div3A = arith.divsi %select_n3A_14, %jit3A_15 : i32
    %sign3A = arith.constant 0 : i32
    %sign3A_16 = arith.cmpi sgt, %select_n3A_14, %sign3A : i32
    %sign3A_17 = arith.extui %sign3A_16 : i1 to i32
    %sign3A_18 = arith.constant 0 : i32
    %sign3A_19 = arith.cmpi slt, %select_n3A_14, %sign3A_18 : i32
    %sign3A_20 = arith.extui %sign3A_19 : i1 to i32
    %sign3A_21 = arith.subi %sign3A_17, %sign3A_20 : i32
    %sign3A_22 = arith.constant 0 : i32
    %sign3A_23 = arith.cmpi sgt, %jit3A_15, %sign3A_22 : i32
    %sign3A_24 = arith.extui %sign3A_23 : i1 to i32
    %sign3A_25 = arith.constant 0 : i32
    %sign3A_26 = arith.cmpi slt, %jit3A_15, %sign3A_25 : i32
    %sign3A_27 = arith.extui %sign3A_26 : i1 to i32
    %sign3A_28 = arith.subi %sign3A_24, %sign3A_27 : i32
    %ne3A = arith.cmpi ne, %sign3A_21, %sign3A_28 : i32
    %rem3A = arith.remsi %select_n3A_14, %jit3A_15 : i32
    %ne3A_29 = arith.constant 0 : i32
    %ne3A_30 = arith.cmpi ne, %rem3A, %ne3A_29 : i32
    %and3A = arith.andi %ne3A, %ne3A_30 : i1
    %sub3A_31 = arith.constant 1 : i32
    %sub3A_32 = arith.subi %div3A, %sub3A_31 : i32
    %select_n3A_33 = arith.select %and3A, %sub3A_32, %div3A : i32
    %lt3A_34 = arith.constant 14 : i32
    %lt3A_35 = arith.cmpi slt, %arg1, %lt3A_34 : i32
    %jit3A_36 = arith.constant 3200 : i32
    %jit3A_37 = arith.constant 3072 : i32
    %select_n3A_38 = arith.select %lt3A_35, %jit3A_36, %jit3A_37 : i32
    %sub3A_39 = arith.subi %select_n3A_14, %select_n3A_38 : i32
    %add3A_40 = arith.constant 0 : i32
    %add3A_41 = arith.addi %select_n3A, %add3A_40 : i32
    %add3A_42 = arith.addi %select_n3A, %select_n3A_38 : i32
    %add3A_43 = arith.constant 0 : i32
    %add3A_44 = arith.addi %select_n3A, %add3A_43 : i32
    %add3A_45 = arith.addi %select_n3A, %select_n3A_38 : i32
    %add3A_46 = arith.constant 0 : i32
    %add3A_47 = arith.addi %select_n3A, %add3A_46 : i32
    %add3A_48 = arith.addi %select_n3A, %select_n3A_38 : i32
    %add3A_49 = arith.constant 0 : i32
    %add3A_50 = arith.addi %select_n3A, %add3A_49 : i32
    %add3A_51 = arith.addi %select_n3A, %select_n3A_38 : i32
    %add3A_52 = arith.constant 0 : i32
    %add3A_53 = arith.addi %select_n3A, %add3A_52 : i32
    %add3A_54 = arith.addi %select_n3A, %select_n3A_38 : i32
    %dma_start3A = arith.constant 0 : i32
    %dma_start3A_55 = arith.constant 0 : i32
    %dma_start3A_56 = arith.constant 0 : i32
    %dma_start3A_57 = tpu.memref_slice %arg8[%dma_start3A, %dma_start3A_55, %dma_start3A_56] <%select_n3A_38> : memref<2x8x3200xf32, #tpu.memory_space<vmem>> -> memref<1x8x?xf32, #tpu.memory_space<vmem>>
    %dma_start3A_58 = tpu.memref_squeeze %dma_start3A_57 : memref<1x8x?xf32, #tpu.memory_space<vmem>> -> memref<8x?xf32, #tpu.memory_space<vmem>>
    %dma_start3A_59 = arith.constant 24 : i32
    %dma_start3A_60 = tpu.memref_slice %arg3[%dma_start3A_59, %add3A_41] <%select_n3A_38> : memref<136x100000xf32, #tpu.memory_space<hbm>> -> memref<8x?xf32, #tpu.memory_space<hbm>>
    %dma_start3A_61 = arith.constant 0 : i32
    %dma_start3A_62 = arith.constant 0 : i32
    %dma_start3A_63 = tpu.memref_slice %arg8[%dma_start3A, %dma_start3A_61, %dma_start3A_62] <%select_n3A_38> : memref<2x8x3200xf32, #tpu.memory_space<vmem>> -> memref<1x8x?xf32, #tpu.memory_space<vmem>>
    %dma_start3A_64 = tpu.memref_squeeze %dma_start3A_63 : memref<1x8x?xf32, #tpu.memory_space<vmem>> -> memref<8x?xf32, #tpu.memory_space<vmem>>
    %dma_start3A_65 = arith.constant 24 : i32
    %dma_start3A_66 = tpu.memref_slice %arg3[%dma_start3A_65, %add3A_41] <%select_n3A_38> : memref<136x100000xf32, #tpu.memory_space<hbm>> -> memref<8x?xf32, #tpu.memory_space<hbm>>
    tpu.enqueue_dma source(%dma_start3A_66 : memref<8x?xf32, #tpu.memory_space<hbm>>) target(%dma_start3A_64 : memref<8x?xf32, #tpu.memory_space<vmem>>) target_semaphore(%arg18 : memref<!tpu.dma_semaphore, #tpu.memory_space<semaphore_mem>>)
    %dma_start3A_67 = arith.constant 1 : i32
    %dma_start3A_68 = arith.constant 0 : i32
    %dma_start3A_69 = arith.constant 0 : i32
    %dma_start3A_70 = tpu.memref_slice %arg8[%dma_start3A_67, %dma_start3A_68, %dma_start3A_69] <%sub3A_39> : memref<2x8x3200xf32, #tpu.memory_space<vmem>> -> memref<1x8x?xf32, #tpu.memory_space<vmem>>
    %dma_start3A_71 = tpu.memref_squeeze %dma_start3A_70 : memref<1x8x?xf32, #tpu.memory_space<vmem>> -> memref<8x?xf32, #tpu.memory_space<vmem>>
    %dma_start3A_72 = arith.constant 24 : i32
    %dma_start3A_73 = tpu.memref_slice %arg3[%dma_start3A_72, %add3A_42] <%sub3A_39> : memref<136x100000xf32, #tpu.memory_space<hbm>> -> memref<8x?xf32, #tpu.memory_space<hbm>>
    %dma_start3A_74 = arith.constant 0 : i32
    %dma_start3A_75 = arith.constant 0 : i32
    %dma_start3A_76 = tpu.memref_slice %arg8[%dma_start3A_67, %dma_start3A_74, %dma_start3A_75] <%sub3A_39> : memref<2x8x3200xf32, #tpu.memory_space<vmem>> -> memref<1x8x?xf32, #tpu.memory_space<vmem>>
    %dma_start3A_77 = tpu.memref_squeeze %dma_start3A_76 : memref<1x8x?xf32, #tpu.memory_space<vmem>> -> memref<8x?xf32, #tpu.memory_space<vmem>>
    %dma_start3A_78 = arith.constant 24 : i32
    %dma_start3A_79 = tpu.memref_slice %arg3[%dma_start3A_78, %add3A_42] <%sub3A_39> : memref<136x100000xf32, #tpu.memory_space<hbm>> -> memref<8x?xf32, #tpu.memory_space<hbm>>
    tpu.enqueue_dma source(%dma_start3A_79 : memref<8x?xf32, #tpu.memory_space<hbm>>) target(%dma_start3A_77 : memref<8x?xf32, #tpu.memory_space<vmem>>) target_semaphore(%arg19 : memref<!tpu.dma_semaphore, #tpu.memory_space<semaphore_mem>>)
    "tpu.region"() ({
      %run_scoped3A_638 = tpu.sem_alloc : memref<!tpu.dma_semaphore, #tpu.memory_space<semaphore_mem>>
      %dma_start3A_639 = tpu.memref_slice %arg2[%mul3A_2] : memref<16384xi32, #tpu.memory_space<hbm>> -> memref<512xi32, #tpu.memory_space<hbm>>
      %dma_start3A_640 = tpu.memref_slice %arg2[%mul3A_2] : memref<16384xi32, #tpu.memory_space<hbm>> -> memref<512xi32, #tpu.memory_space<hbm>>
      tpu.enqueue_dma source(%dma_start3A_640 : memref<512xi32, #tpu.memory_space<hbm>>) target(%arg11 : memref<512xi32, #tpu.memory_space<vmem>>) target_semaphore(%run_scoped3A_638 : memref<!tpu.dma_semaphore, #tpu.memory_space<semaphore_mem>>)
      %dma_wait3A_641 = tpu.memref_slice %arg2[%mul3A_2] : memref<16384xi32, #tpu.memory_space<hbm>> -> memref<512xi32, #tpu.memory_space<hbm>>
      %dma_wait3A_642 = tpu.memref_slice %arg2[%mul3A_2] : memref<16384xi32, #tpu.memory_space<hbm>> -> memref<512xi32, #tpu.memory_space<hbm>>
      tpu.wait_dma2 semaphore(%run_scoped3A_638 : memref<!tpu.dma_semaphore, #tpu.memory_space<semaphore_mem>>) src(%dma_wait3A_642 : memref<512xi32, #tpu.memory_space<hbm>>) dst(%arg11 : memref<512xi32, #tpu.memory_space<vmem>>)
      tpu.yield
    }) : () -> ()
    "tpu.region"() ({
      %run_scoped3A_638 = tpu.sem_alloc : memref<!tpu.dma_semaphore, #tpu.memory_space<semaphore_mem>>
      %dma_start3A_639 = tpu.memref_slice %arg4[%mul3A_2] : memref<16384xf32, #tpu.memory_space<hbm>> -> memref<512xf32, #tpu.memory_space<hbm>>
      %dma_start3A_640 = tpu.memref_slice %arg4[%mul3A_2] : memref<16384xf32, #tpu.memory_space<hbm>> -> memref<512xf32, #tpu.memory_space<hbm>>
      tpu.enqueue_dma source(%dma_start3A_640 : memref<512xf32, #tpu.memory_space<hbm>>) target(%arg12 : memref<512xf32, #tpu.memory_space<vmem>>) target_semaphore(%run_scoped3A_638 : memref<!tpu.dma_semaphore, #tpu.memory_space<semaphore_mem>>)
      %dma_wait3A_641 = tpu.memref_slice %arg4[%mul3A_2] : memref<16384xf32, #tpu.memory_space<hbm>> -> memref<512xf32, #tpu.memory_space<hbm>>
      %dma_wait3A_642 = tpu.memref_slice %arg4[%mul3A_2] : memref<16384xf32, #tpu.memory_space<hbm>> -> memref<512xf32, #tpu.memory_space<hbm>>
      tpu.wait_dma2 semaphore(%run_scoped3A_638 : memref<!tpu.dma_semaphore, #tpu.memory_space<semaphore_mem>>) src(%dma_wait3A_642 : memref<512xf32, #tpu.memory_space<hbm>>) dst(%arg12 : memref<512xf32, #tpu.memory_space<vmem>>)
      tpu.yield
    }) : () -> ()
    "tpu.region"() ({
      %run_scoped3A_638 = tpu.sem_alloc : memref<!tpu.dma_semaphore, #tpu.memory_space<semaphore_mem>>
      tpu.enqueue_dma source(%arg5 : memref<8x16xf32, #tpu.memory_space<hbm>>) target(%arg7 : memref<8x16xf32, #tpu.memory_space<vmem>>) target_semaphore(%run_scoped3A_638 : memref<!tpu.dma_semaphore, #tpu.memory_space<semaphore_mem>>)
      tpu.wait_dma2 semaphore(%run_scoped3A_638 : memref<!tpu.dma_semaphore, #tpu.memory_space<semaphore_mem>>) src(%arg5 : memref<8x16xf32, #tpu.memory_space<hbm>>) dst(%arg7 : memref<8x16xf32, #tpu.memory_space<vmem>>)
      tpu.yield
    }) : () -> ()
    %scan3A = arith.constant 0 : i32
    %scan3A_80 = arith.constant 0 : i32
    %scan3A_81 = arith.constant 32 : i32
    %scan3A_82 = arith.addi %scan3A_80, %scan3A_81 : i32
    %scan3A_83 = arith.constant 1 : i32
    scf.for %scan3A_638 = %scan3A_80 to %scan3A_82 step %scan3A_83  : i32 {
      %mul3A_639 = arith.constant 16 : i32
      %mul3A_640 = arith.muli %scan3A_638, %mul3A_639 : i32
      %get3A_641 = arith.index_cast %mul3A_640 : i32 to index
      %get3A_642 = tpu.vector_load %arg11[%get3A_641] {strides = array<i32>} : memref<512xi32, #tpu.memory_space<vmem>>, vector<16xi32>,
      %get3A_643 = vector.shape_cast %get3A_642 : vector<16xi32> to vector<16xi32>
      %add3A_644 = arith.constant 0 : i32
      %add3A_645 = vector.broadcast %add3A_644 : i32 to vector<16xi32>
      %add3A_646 = arith.addi %get3A_643, %add3A_645 : vector<16xi32>
      %mul3A_647 = arith.constant 16 : i32
      %mul3A_648 = arith.muli %scan3A_638, %mul3A_647 : i32
      %add3A_649 = arith.constant 0 : i32
      %add3A_650 = arith.addi %add3A_649, %mul3A_648 : i32
      %swap3A_651 = arith.index_cast %add3A_650 : i32 to index
      %swap3A_652 = tpu.vector_load %arg9[%swap3A_651] {strides = array<i32>} : memref<2560xi32, #tpu.memory_space<vmem>>, vector<16xi32>,
      %swap3A_653 = vector.shape_cast %swap3A_652 : vector<16xi32> to vector<16xi32>
      %swap3A_654 = vector.shape_cast %add3A_646 : vector<16xi32> to vector<16xi32>
      tpu.vector_store %arg9[%swap3A_651], %swap3A_654 {strides = array<i32>} : memref<2560xi32, #tpu.memory_space<vmem>>, vector<16xi32>,
      %add3A_655 = arith.constant 100096 : i32
      %add3A_656 = vector.broadcast %add3A_655 : i32 to vector<16xi32>
      %add3A_657 = arith.addi %get3A_643, %add3A_656 : vector<16xi32>
      %mul3A_658 = arith.constant 16 : i32
      %mul3A_659 = arith.muli %scan3A_638, %mul3A_658 : i32
      %add3A_660 = arith.constant 512 : i32
      %add3A_661 = arith.addi %add3A_660, %mul3A_659 : i32
      %swap3A_662 = arith.index_cast %add3A_661 : i32 to index
      %swap3A_663 = tpu.vector_load %arg9[%swap3A_662] {strides = array<i32>} : memref<2560xi32, #tpu.memory_space<vmem>>, vector<16xi32>,
      %swap3A_664 = vector.shape_cast %swap3A_663 : vector<16xi32> to vector<16xi32>
      %swap3A_665 = vector.shape_cast %add3A_657 : vector<16xi32> to vector<16xi32>
      tpu.vector_store %arg9[%swap3A_662], %swap3A_665 {strides = array<i32>} : memref<2560xi32, #tpu.memory_space<vmem>>, vector<16xi32>,
      %add3A_666 = arith.constant 200192 : i32
      %add3A_667 = vector.broadcast %add3A_666 : i32 to vector<16xi32>
      %add3A_668 = arith.addi %get3A_643, %add3A_667 : vector<16xi32>
      %mul3A_669 = arith.constant 16 : i32
      %mul3A_670 = arith.muli %scan3A_638, %mul3A_669 : i32
      %add3A_671 = arith.constant 1024 : i32
      %add3A_672 = arith.addi %add3A_671, %mul3A_670 : i32
      %swap3A_673 = arith.index_cast %add3A_672 : i32 to index
      %swap3A_674 = tpu.vector_load %arg9[%swap3A_673] {strides = array<i32>} : memref<2560xi32, #tpu.memory_space<vmem>>, vector<16xi32>,
      %swap3A_675 = vector.shape_cast %swap3A_674 : vector<16xi32> to vector<16xi32>
      %swap3A_676 = vector.shape_cast %add3A_668 : vector<16xi32> to vector<16xi32>
      tpu.vector_store %arg9[%swap3A_673], %swap3A_676 {strides = array<i32>} : memref<2560xi32, #tpu.memory_space<vmem>>, vector<16xi32>,
      %add3A_677 = arith.constant 300288 : i32
      %add3A_678 = vector.broadcast %add3A_677 : i32 to vector<16xi32>
      %add3A_679 = arith.addi %get3A_643, %add3A_678 : vector<16xi32>
      %mul3A_680 = arith.constant 16 : i32
      %mul3A_681 = arith.muli %scan3A_638, %mul3A_680 : i32
      %add3A_682 = arith.constant 1536 : i32
      %add3A_683 = arith.addi %add3A_682, %mul3A_681 : i32
      %swap3A_684 = arith.index_cast %add3A_683 : i32 to index
      %swap3A_685 = tpu.vector_load %arg9[%swap3A_684] {strides = array<i32>} : memref<2560xi32, #tpu.memory_space<vmem>>, vector<16xi32>,
      %swap3A_686 = vector.shape_cast %swap3A_685 : vector<16xi32> to vector<16xi32>
      %swap3A_687 = vector.shape_cast %add3A_679 : vector<16xi32> to vector<16xi32>
      tpu.vector_store %arg9[%swap3A_684], %swap3A_687 {strides = array<i32>} : memref<2560xi32, #tpu.memory_space<vmem>>, vector<16xi32>,
      %add3A_688 = arith.constant 400384 : i32
      %add3A_689 = vector.broadcast %add3A_688 : i32 to vector<16xi32>
      %add3A_690 = arith.addi %get3A_643, %add3A_689 : vector<16xi32>
      %mul3A_691 = arith.constant 16 : i32
      %mul3A_692 = arith.muli %scan3A_638, %mul3A_691 : i32
      %add3A_693 = arith.constant 2048 : i32
      %add3A_694 = arith.addi %add3A_693, %mul3A_692 : i32
      %swap3A_695 = arith.index_cast %add3A_694 : i32 to index
      %swap3A_696 = tpu.vector_load %arg9[%swap3A_695] {strides = array<i32>} : memref<2560xi32, #tpu.memory_space<vmem>>, vector<16xi32>,
      %swap3A_697 = vector.shape_cast %swap3A_696 : vector<16xi32> to vector<16xi32>
      %swap3A_698 = vector.shape_cast %add3A_690 : vector<16xi32> to vector<16xi32>
      tpu.vector_store %arg9[%swap3A_695], %swap3A_698 {strides = array<i32>} : memref<2560xi32, #tpu.memory_space<vmem>>, vector<16xi32>,
    }
    %scan3A_84 = arith.constant 32 : i32
    %broadcast_in_dim3A = arith.constant 0.000000e+00 : f32
    %broadcast_in_dim3A_85 = vector.broadcast %broadcast_in_dim3A : f32 to vector<16xf32>
    %dma_wait3A = arith.constant 0 : i32
    %dma_wait3A_86 = arith.constant 0 : i32
    %dma_wait3A_87 = arith.constant 0 : i32
    %dma_wait3A_88 = tpu.memref_slice %arg8[%dma_wait3A, %dma_wait3A_86, %dma_wait3A_87] <%select_n3A_38> : memref<2x8x3200xf32, #tpu.memory_space<vmem>> -> memref<1x8x?xf32, #tpu.memory_space<vmem>>
    %dma_wait3A_89 = tpu.memref_squeeze %dma_wait3A_88 : memref<1x8x?xf32, #tpu.memory_space<vmem>> -> memref<8x?xf32, #tpu.memory_space<vmem>>
    %dma_wait3A_90 = arith.constant 24 : i32
    %dma_wait3A_91 = tpu.memref_slice %arg3[%dma_wait3A_90, %add3A_41] <%select_n3A_38> : memref<136x100000xf32, #tpu.memory_space<hbm>> -> memref<8x?xf32, #tpu.memory_space<hbm>>
    %dma_wait3A_92 = arith.constant 0 : i32
    %dma_wait3A_93 = arith.constant 0 : i32
    %dma_wait3A_94 = tpu.memref_slice %arg8[%dma_wait3A, %dma_wait3A_92, %dma_wait3A_93] <%select_n3A_38> : memref<2x8x3200xf32, #tpu.memory_space<vmem>> -> memref<1x8x?xf32, #tpu.memory_space<vmem>>
    %dma_wait3A_95 = tpu.memref_squeeze %dma_wait3A_94 : memref<1x8x?xf32, #tpu.memory_space<vmem>> -> memref<8x?xf32, #tpu.memory_space<vmem>>
    %dma_wait3A_96 = arith.constant 24 : i32
    %dma_wait3A_97 = tpu.memref_slice %arg3[%dma_wait3A_96, %add3A_41] <%select_n3A_38> : memref<136x100000xf32, #tpu.memory_space<hbm>> -> memref<8x?xf32, #tpu.memory_space<hbm>>
    tpu.wait_dma2 semaphore(%arg18 : memref<!tpu.dma_semaphore, #tpu.memory_space<semaphore_mem>>) src(%dma_wait3A_97 : memref<8x?xf32, #tpu.memory_space<hbm>>) dst(%dma_wait3A_95 : memref<8x?xf32, #tpu.memory_space<vmem>>)
    %add3A_98 = arith.constant 0 : i32
    %add3A_99 = arith.addi %add3A_98, %select_n3A : i32
    %add3A_100 = arith.constant 0 : i32
    %add3A_101 = arith.addi %add3A_99, %add3A_100 : i32
    %run_scoped3A = arith.constant 0 : i32
    %run_scoped3A_102 = arith.constant 0 : i32
    "tpu.region"() ({
      %run_scoped3A_638 = tpu.sem_alloc : memref<!tpu.dma_semaphore, #tpu.memory_space<semaphore_mem>>
      %dma_start3A_639 = arith.constant 0 : i32
      %dma_start3A_640 = arith.constant 0 : i32
      %dma_start3A_641 = tpu.memref_slice %arg8[%run_scoped3A, %dma_start3A_639, %dma_start3A_640] : memref<2x8x3200xf32, #tpu.memory_space<vmem>> -> memref<1x8x3200xf32, #tpu.memory_space<vmem>>
      %dma_start3A_642 = tpu.memref_squeeze %dma_start3A_641 : memref<1x8x3200xf32, #tpu.memory_space<vmem>> -> memref<8x3200xf32, #tpu.memory_space<vmem>>
      %dma_start3A_643 = arith.constant 0 : i32
      %dma_start3A_644 = tpu.memref_slice %dma_start3A_642[%run_scoped3A_102, %dma_start3A_643] <%select_n3A_38> : memref<8x3200xf32, #tpu.memory_space<vmem>> -> memref<1x?xf32, #tpu.memory_space<vmem>>
      %dma_start3A_645 = tpu.memref_squeeze %dma_start3A_644 : memref<1x?xf32, #tpu.memory_space<vmem>> -> memref<?xf32, #tpu.memory_space<vmem>>
      %dma_start3A_646 = tpu.memref_slice %arg16[%add3A_101] <%select_n3A_38> : memref<500480xf32, #tpu.memory_space<vmem_shared>> -> memref<?xf32, #tpu.memory_space<vmem_shared>>
      %dma_start3A_647 = tpu.memref_slice %arg16[%add3A_101] <%select_n3A_38> : memref<500480xf32, #tpu.memory_space<vmem_shared>> -> memref<?xf32, #tpu.memory_space<vmem_shared>>
      %dma_start3A_648 = arith.constant 0 : i32
      %dma_start3A_649 = arith.constant 0 : i32
      %dma_start3A_650 = tpu.memref_slice %arg8[%run_scoped3A, %dma_start3A_648, %dma_start3A_649] : memref<2x8x3200xf32, #tpu.memory_space<vmem>> -> memref<1x8x3200xf32, #tpu.memory_space<vmem>>
      %dma_start3A_651 = tpu.memref_squeeze %dma_start3A_650 : memref<1x8x3200xf32, #tpu.memory_space<vmem>> -> memref<8x3200xf32, #tpu.memory_space<vmem>>
      %dma_start3A_652 = arith.constant 0 : i32
      %dma_start3A_653 = tpu.memref_slice %dma_start3A_651[%run_scoped3A_102, %dma_start3A_652] <%select_n3A_38> : memref<8x3200xf32, #tpu.memory_space<vmem>> -> memref<1x?xf32, #tpu.memory_space<vmem>>
      %dma_start3A_654 = tpu.memref_squeeze %dma_start3A_653 : memref<1x?xf32, #tpu.memory_space<vmem>> -> memref<?xf32, #tpu.memory_space<vmem>>
      tpu.enqueue_dma source(%dma_start3A_654 : memref<?xf32, #tpu.memory_space<vmem>>) target(%dma_start3A_647 : memref<?xf32, #tpu.memory_space<vmem_shared>>) target_semaphore(%run_scoped3A_638 : memref<!tpu.dma_semaphore, #tpu.memory_space<semaphore_mem>>)
      %dma_wait3A_655 = arith.constant 0 : i32
      %dma_wait3A_656 = arith.constant 0 : i32
      %dma_wait3A_657 = tpu.memref_slice %arg8[%run_scoped3A, %dma_wait3A_655, %dma_wait3A_656] : memref<2x8x3200xf32, #tpu.memory_space<vmem>> -> memref<1x8x3200xf32, #tpu.memory_space<vmem>>
      %dma_wait3A_658 = tpu.memref_squeeze %dma_wait3A_657 : memref<1x8x3200xf32, #tpu.memory_space<vmem>> -> memref<8x3200xf32, #tpu.memory_space<vmem>>
      %dma_wait3A_659 = arith.constant 0 : i32
      %dma_wait3A_660 = tpu.memref_slice %dma_wait3A_658[%run_scoped3A_102, %dma_wait3A_659] <%select_n3A_38> : memref<8x3200xf32, #tpu.memory_space<vmem>> -> memref<1x?xf32, #tpu.memory_space<vmem>>
      %dma_wait3A_661 = tpu.memref_squeeze %dma_wait3A_660 : memref<1x?xf32, #tpu.memory_space<vmem>> -> memref<?xf32, #tpu.memory_space<vmem>>
      %dma_wait3A_662 = tpu.memref_slice %arg16[%add3A_101] <%select_n3A_38> : memref<500480xf32, #tpu.memory_space<vmem_shared>> -> memref<?xf32, #tpu.memory_space<vmem_shared>>
      %dma_wait3A_663 = tpu.memref_slice %arg16[%add3A_101] <%select_n3A_38> : memref<500480xf32, #tpu.memory_space<vmem_shared>> -> memref<?xf32, #tpu.memory_space<vmem_shared>>
      %dma_wait3A_664 = arith.constant 0 : i32
      %dma_wait3A_665 = arith.constant 0 : i32
      %dma_wait3A_666 = tpu.memref_slice %arg8[%run_scoped3A, %dma_wait3A_664, %dma_wait3A_665] : memref<2x8x3200xf32, #tpu.memory_space<vmem>> -> memref<1x8x3200xf32, #tpu.memory_space<vmem>>
      %dma_wait3A_667 = tpu.memref_squeeze %dma_wait3A_666 : memref<1x8x3200xf32, #tpu.memory_space<vmem>> -> memref<8x3200xf32, #tpu.memory_space<vmem>>
      %dma_wait3A_668 = arith.constant 0 : i32
      %dma_wait3A_669 = tpu.memref_slice %dma_wait3A_667[%run_scoped3A_102, %dma_wait3A_668] <%select_n3A_38> : memref<8x3200xf32, #tpu.memory_space<vmem>> -> memref<1x?xf32, #tpu.memory_space<vmem>>
      %dma_wait3A_670 = tpu.memref_squeeze %dma_wait3A_669 : memref<1x?xf32, #tpu.memory_space<vmem>> -> memref<?xf32, #tpu.memory_space<vmem>>
      tpu.wait_dma2 semaphore(%run_scoped3A_638 : memref<!tpu.dma_semaphore, #tpu.memory_space<semaphore_mem>>) src(%dma_wait3A_670 : memref<?xf32, #tpu.memory_space<vmem>>) dst(%dma_wait3A_663 : memref<?xf32, #tpu.memory_space<vmem_shared>>)
      tpu.yield
    }) : () -> ()
    %dma_start3A_103 = arith.constant 0 : i32
    %dma_start3A_104 = arith.constant 0 : i32
    %dma_start3A_105 = arith.constant 0 : i32
    %dma_start3A_106 = tpu.memref_slice %arg8[%dma_start3A_103, %dma_start3A_104, %dma_start3A_105] <%select_n3A_38> : memref<2x8x3200xf32, #tpu.memory_space<vmem>> -> memref<1x8x?xf32, #tpu.memory_space<vmem>>
    %dma_start3A_107 = tpu.memref_squeeze %dma_start3A_106 : memref<1x8x?xf32, #tpu.memory_space<vmem>> -> memref<8x?xf32, #tpu.memory_space<vmem>>
    %dma_start3A_108 = arith.constant 16 : i32
    %dma_start3A_109 = tpu.memref_slice %arg3[%dma_start3A_108, %add3A_44] <%select_n3A_38> : memref<136x100000xf32, #tpu.memory_space<hbm>> -> memref<8x?xf32, #tpu.memory_space<hbm>>
    %dma_start3A_110 = arith.constant 0 : i32
    %dma_start3A_111 = arith.constant 0 : i32
    %dma_start3A_112 = tpu.memref_slice %arg8[%dma_start3A_103, %dma_start3A_110, %dma_start3A_111] <%select_n3A_38> : memref<2x8x3200xf32, #tpu.memory_space<vmem>> -> memref<1x8x?xf32, #tpu.memory_space<vmem>>
    %dma_start3A_113 = tpu.memref_squeeze %dma_start3A_112 : memref<1x8x?xf32, #tpu.memory_space<vmem>> -> memref<8x?xf32, #tpu.memory_space<vmem>>
    %dma_start3A_114 = arith.constant 16 : i32
    %dma_start3A_115 = tpu.memref_slice %arg3[%dma_start3A_114, %add3A_44] <%select_n3A_38> : memref<136x100000xf32, #tpu.memory_space<hbm>> -> memref<8x?xf32, #tpu.memory_space<hbm>>
    tpu.enqueue_dma source(%dma_start3A_115 : memref<8x?xf32, #tpu.memory_space<hbm>>) target(%dma_start3A_113 : memref<8x?xf32, #tpu.memory_space<vmem>>) target_semaphore(%arg18 : memref<!tpu.dma_semaphore, #tpu.memory_space<semaphore_mem>>)
    %dma_wait3A_116 = arith.constant 1 : i32
    %dma_wait3A_117 = arith.constant 0 : i32
    %dma_wait3A_118 = arith.constant 0 : i32
    %dma_wait3A_119 = tpu.memref_slice %arg8[%dma_wait3A_116, %dma_wait3A_117, %dma_wait3A_118] <%sub3A_39> : memref<2x8x3200xf32, #tpu.memory_space<vmem>> -> memref<1x8x?xf32, #tpu.memory_space<vmem>>
    %dma_wait3A_120 = tpu.memref_squeeze %dma_wait3A_119 : memref<1x8x?xf32, #tpu.memory_space<vmem>> -> memref<8x?xf32, #tpu.memory_space<vmem>>
    %dma_wait3A_121 = arith.constant 24 : i32
    %dma_wait3A_122 = tpu.memref_slice %arg3[%dma_wait3A_121, %add3A_42] <%sub3A_39> : memref<136x100000xf32, #tpu.memory_space<hbm>> -> memref<8x?xf32, #tpu.memory_space<hbm>>
    %dma_wait3A_123 = arith.constant 0 : i32
    %dma_wait3A_124 = arith.constant 0 : i32
    %dma_wait3A_125 = tpu.memref_slice %arg8[%dma_wait3A_116, %dma_wait3A_123, %dma_wait3A_124] <%sub3A_39> : memref<2x8x3200xf32, #tpu.memory_space<vmem>> -> memref<1x8x?xf32, #tpu.memory_space<vmem>>
    %dma_wait3A_126 = tpu.memref_squeeze %dma_wait3A_125 : memref<1x8x?xf32, #tpu.memory_space<vmem>> -> memref<8x?xf32, #tpu.memory_space<vmem>>
    %dma_wait3A_127 = arith.constant 24 : i32
    %dma_wait3A_128 = tpu.memref_slice %arg3[%dma_wait3A_127, %add3A_42] <%sub3A_39> : memref<136x100000xf32, #tpu.memory_space<hbm>> -> memref<8x?xf32, #tpu.memory_space<hbm>>
    tpu.wait_dma2 semaphore(%arg19 : memref<!tpu.dma_semaphore, #tpu.memory_space<semaphore_mem>>) src(%dma_wait3A_128 : memref<8x?xf32, #tpu.memory_space<hbm>>) dst(%dma_wait3A_126 : memref<8x?xf32, #tpu.memory_space<vmem>>)
    %add3A_129 = arith.constant 0 : i32
    %add3A_130 = arith.addi %add3A_129, %select_n3A : i32
    %add3A_131 = arith.addi %add3A_130, %select_n3A_38 : i32
    %run_scoped3A_132 = arith.constant 1 : i32
    %run_scoped3A_133 = arith.constant 0 : i32
    "tpu.region"() ({
      %run_scoped3A_638 = tpu.sem_alloc : memref<!tpu.dma_semaphore, #tpu.memory_space<semaphore_mem>>
      %dma_start3A_639 = arith.constant 0 : i32
      %dma_start3A_640 = arith.constant 0 : i32
      %dma_start3A_641 = tpu.memref_slice %arg8[%run_scoped3A_132, %dma_start3A_639, %dma_start3A_640] : memref<2x8x3200xf32, #tpu.memory_space<vmem>> -> memref<1x8x3200xf32, #tpu.memory_space<vmem>>
      %dma_start3A_642 = tpu.memref_squeeze %dma_start3A_641 : memref<1x8x3200xf32, #tpu.memory_space<vmem>> -> memref<8x3200xf32, #tpu.memory_space<vmem>>
      %dma_start3A_643 = arith.constant 0 : i32
      %dma_start3A_644 = tpu.memref_slice %dma_start3A_642[%run_scoped3A_133, %dma_start3A_643] <%sub3A_39> : memref<8x3200xf32, #tpu.memory_space<vmem>> -> memref<1x?xf32, #tpu.memory_space<vmem>>
      %dma_start3A_645 = tpu.memref_squeeze %dma_start3A_644 : memref<1x?xf32, #tpu.memory_space<vmem>> -> memref<?xf32, #tpu.memory_space<vmem>>
      %dma_start3A_646 = tpu.memref_slice %arg16[%add3A_131] <%sub3A_39> : memref<500480xf32, #tpu.memory_space<vmem_shared>> -> memref<?xf32, #tpu.memory_space<vmem_shared>>
      %dma_start3A_647 = tpu.memref_slice %arg16[%add3A_131] <%sub3A_39> : memref<500480xf32, #tpu.memory_space<vmem_shared>> -> memref<?xf32, #tpu.memory_space<vmem_shared>>
      %dma_start3A_648 = arith.constant 0 : i32
      %dma_start3A_649 = arith.constant 0 : i32
      %dma_start3A_650 = tpu.memref_slice %arg8[%run_scoped3A_132, %dma_start3A_648, %dma_start3A_649] : memref<2x8x3200xf32, #tpu.memory_space<vmem>> -> memref<1x8x3200xf32, #tpu.memory_space<vmem>>
      %dma_start3A_651 = tpu.memref_squeeze %dma_start3A_650 : memref<1x8x3200xf32, #tpu.memory_space<vmem>> -> memref<8x3200xf32, #tpu.memory_space<vmem>>
      %dma_start3A_652 = arith.constant 0 : i32
      %dma_start3A_653 = tpu.memref_slice %dma_start3A_651[%run_scoped3A_133, %dma_start3A_652] <%sub3A_39> : memref<8x3200xf32, #tpu.memory_space<vmem>> -> memref<1x?xf32, #tpu.memory_space<vmem>>
      %dma_start3A_654 = tpu.memref_squeeze %dma_start3A_653 : memref<1x?xf32, #tpu.memory_space<vmem>> -> memref<?xf32, #tpu.memory_space<vmem>>
      tpu.enqueue_dma source(%dma_start3A_654 : memref<?xf32, #tpu.memory_space<vmem>>) target(%dma_start3A_647 : memref<?xf32, #tpu.memory_space<vmem_shared>>) target_semaphore(%run_scoped3A_638 : memref<!tpu.dma_semaphore, #tpu.memory_space<semaphore_mem>>)
      %dma_wait3A_655 = arith.constant 0 : i32
      %dma_wait3A_656 = arith.constant 0 : i32
      %dma_wait3A_657 = tpu.memref_slice %arg8[%run_scoped3A_132, %dma_wait3A_655, %dma_wait3A_656] : memref<2x8x3200xf32, #tpu.memory_space<vmem>> -> memref<1x8x3200xf32, #tpu.memory_space<vmem>>
      %dma_wait3A_658 = tpu.memref_squeeze %dma_wait3A_657 : memref<1x8x3200xf32, #tpu.memory_space<vmem>> -> memref<8x3200xf32, #tpu.memory_space<vmem>>
      %dma_wait3A_659 = arith.constant 0 : i32
      %dma_wait3A_660 = tpu.memref_slice %dma_wait3A_658[%run_scoped3A_133, %dma_wait3A_659] <%sub3A_39> : memref<8x3200xf32, #tpu.memory_space<vmem>> -> memref<1x?xf32, #tpu.memory_space<vmem>>
      %dma_wait3A_661 = tpu.memref_squeeze %dma_wait3A_660 : memref<1x?xf32, #tpu.memory_space<vmem>> -> memref<?xf32, #tpu.memory_space<vmem>>
      %dma_wait3A_662 = tpu.memref_slice %arg16[%add3A_131] <%sub3A_39> : memref<500480xf32, #tpu.memory_space<vmem_shared>> -> memref<?xf32, #tpu.memory_space<vmem_shared>>
      %dma_wait3A_663 = tpu.memref_slice %arg16[%add3A_131] <%sub3A_39> : memref<500480xf32, #tpu.memory_space<vmem_shared>> -> memref<?xf32, #tpu.memory_space<vmem_shared>>
      %dma_wait3A_664 = arith.constant 0 : i32
      %dma_wait3A_665 = arith.constant 0 : i32
      %dma_wait3A_666 = tpu.memref_slice %arg8[%run_scoped3A_132, %dma_wait3A_664, %dma_wait3A_665] : memref<2x8x3200xf32, #tpu.memory_space<vmem>> -> memref<1x8x3200xf32, #tpu.memory_space<vmem>>
      %dma_wait3A_667 = tpu.memref_squeeze %dma_wait3A_666 : memref<1x8x3200xf32, #tpu.memory_space<vmem>> -> memref<8x3200xf32, #tpu.memory_space<vmem>>
      %dma_wait3A_668 = arith.constant 0 : i32
      %dma_wait3A_669 = tpu.memref_slice %dma_wait3A_667[%run_scoped3A_133, %dma_wait3A_668] <%sub3A_39> : memref<8x3200xf32, #tpu.memory_space<vmem>> -> memref<1x?xf32, #tpu.memory_space<vmem>>
      %dma_wait3A_670 = tpu.memref_squeeze %dma_wait3A_669 : memref<1x?xf32, #tpu.memory_space<vmem>> -> memref<?xf32, #tpu.memory_space<vmem>>
      tpu.wait_dma2 semaphore(%run_scoped3A_638 : memref<!tpu.dma_semaphore, #tpu.memory_space<semaphore_mem>>) src(%dma_wait3A_670 : memref<?xf32, #tpu.memory_space<vmem>>) dst(%dma_wait3A_663 : memref<?xf32, #tpu.memory_space<vmem_shared>>)
      tpu.yield
    }) : () -> ()
    %dma_start3A_134 = arith.constant 1 : i32
    %dma_start3A_135 = arith.constant 0 : i32
    %dma_start3A_136 = arith.constant 0 : i32
    %dma_start3A_137 = tpu.memref_slice %arg8[%dma_start3A_134, %dma_start3A_135, %dma_start3A_136] <%sub3A_39> : memref<2x8x3200xf32, #tpu.memory_space<vmem>> -> memref<1x8x?xf32, #tpu.memory_space<vmem>>
    %dma_start3A_138 = tpu.memref_squeeze %dma_start3A_137 : memref<1x8x?xf32, #tpu.memory_space<vmem>> -> memref<8x?xf32, #tpu.memory_space<vmem>>
    %dma_start3A_139 = arith.constant 16 : i32
    %dma_start3A_140 = tpu.memref_slice %arg3[%dma_start3A_139, %add3A_45] <%sub3A_39> : memref<136x100000xf32, #tpu.memory_space<hbm>> -> memref<8x?xf32, #tpu.memory_space<hbm>>
    %dma_start3A_141 = arith.constant 0 : i32
    %dma_start3A_142 = arith.constant 0 : i32
    %dma_start3A_143 = tpu.memref_slice %arg8[%dma_start3A_134, %dma_start3A_141, %dma_start3A_142] <%sub3A_39> : memref<2x8x3200xf32, #tpu.memory_space<vmem>> -> memref<1x8x?xf32, #tpu.memory_space<vmem>>
    %dma_start3A_144 = tpu.memref_squeeze %dma_start3A_143 : memref<1x8x?xf32, #tpu.memory_space<vmem>> -> memref<8x?xf32, #tpu.memory_space<vmem>>
    %dma_start3A_145 = arith.constant 16 : i32
    %dma_start3A_146 = tpu.memref_slice %arg3[%dma_start3A_145, %add3A_45] <%sub3A_39> : memref<136x100000xf32, #tpu.memory_space<hbm>> -> memref<8x?xf32, #tpu.memory_space<hbm>>
    tpu.enqueue_dma source(%dma_start3A_146 : memref<8x?xf32, #tpu.memory_space<hbm>>) target(%dma_start3A_144 : memref<8x?xf32, #tpu.memory_space<vmem>>) target_semaphore(%arg19 : memref<!tpu.dma_semaphore, #tpu.memory_space<semaphore_mem>>)
    %dma_wait3A_147 = arith.constant 0 : i32
    %dma_wait3A_148 = arith.constant 0 : i32
    %dma_wait3A_149 = arith.constant 0 : i32
    %dma_wait3A_150 = tpu.memref_slice %arg8[%dma_wait3A_147, %dma_wait3A_148, %dma_wait3A_149] <%select_n3A_38> : memref<2x8x3200xf32, #tpu.memory_space<vmem>> -> memref<1x8x?xf32, #tpu.memory_space<vmem>>
    %dma_wait3A_151 = tpu.memref_squeeze %dma_wait3A_150 : memref<1x8x?xf32, #tpu.memory_space<vmem>> -> memref<8x?xf32, #tpu.memory_space<vmem>>
    %dma_wait3A_152 = arith.constant 16 : i32
    %dma_wait3A_153 = tpu.memref_slice %arg3[%dma_wait3A_152, %add3A_44] <%select_n3A_38> : memref<136x100000xf32, #tpu.memory_space<hbm>> -> memref<8x?xf32, #tpu.memory_space<hbm>>
    %dma_wait3A_154 = arith.constant 0 : i32
    %dma_wait3A_155 = arith.constant 0 : i32
    %dma_wait3A_156 = tpu.memref_slice %arg8[%dma_wait3A_147, %dma_wait3A_154, %dma_wait3A_155] <%select_n3A_38> : memref<2x8x3200xf32, #tpu.memory_space<vmem>> -> memref<1x8x?xf32, #tpu.memory_space<vmem>>
    %dma_wait3A_157 = tpu.memref_squeeze %dma_wait3A_156 : memref<1x8x?xf32, #tpu.memory_space<vmem>> -> memref<8x?xf32, #tpu.memory_space<vmem>>
    %dma_wait3A_158 = arith.constant 16 : i32
    %dma_wait3A_159 = tpu.memref_slice %arg3[%dma_wait3A_158, %add3A_44] <%select_n3A_38> : memref<136x100000xf32, #tpu.memory_space<hbm>> -> memref<8x?xf32, #tpu.memory_space<hbm>>
    tpu.wait_dma2 semaphore(%arg18 : memref<!tpu.dma_semaphore, #tpu.memory_space<semaphore_mem>>) src(%dma_wait3A_159 : memref<8x?xf32, #tpu.memory_space<hbm>>) dst(%dma_wait3A_157 : memref<8x?xf32, #tpu.memory_space<vmem>>)
    %jit3A_160 = arith.constant 16 : i32
    %div3A_161 = arith.divsi %select_n3A_38, %jit3A_160 : i32
    %sign3A_162 = arith.constant 0 : i32
    %sign3A_163 = arith.cmpi sgt, %select_n3A_38, %sign3A_162 : i32
    %sign3A_164 = arith.extui %sign3A_163 : i1 to i32
    %sign3A_165 = arith.constant 0 : i32
    %sign3A_166 = arith.cmpi slt, %select_n3A_38, %sign3A_165 : i32
    %sign3A_167 = arith.extui %sign3A_166 : i1 to i32
    %sign3A_168 = arith.subi %sign3A_164, %sign3A_167 : i32
    %sign3A_169 = arith.constant 0 : i32
    %sign3A_170 = arith.cmpi sgt, %jit3A_160, %sign3A_169 : i32
    %sign3A_171 = arith.extui %sign3A_170 : i1 to i32
    %sign3A_172 = arith.constant 0 : i32
    %sign3A_173 = arith.cmpi slt, %jit3A_160, %sign3A_172 : i32
    %sign3A_174 = arith.extui %sign3A_173 : i1 to i32
    %sign3A_175 = arith.subi %sign3A_171, %sign3A_174 : i32
    %ne3A_176 = arith.cmpi ne, %sign3A_168, %sign3A_175 : i32
    %rem3A_177 = arith.remsi %select_n3A_38, %jit3A_160 : i32
    %ne3A_178 = arith.constant 0 : i32
    %ne3A_179 = arith.cmpi ne, %rem3A_177, %ne3A_178 : i32
    %and3A_180 = arith.andi %ne3A_176, %ne3A_179 : i1
    %sub3A_181 = arith.constant 1 : i32
    %sub3A_182 = arith.subi %div3A_161, %sub3A_181 : i32
    %select_n3A_183 = arith.select %and3A_180, %sub3A_182, %div3A_161 : i32
    %add3A_184 = arith.constant 0 : i32
    %add3A_185 = arith.addi %select_n3A, %add3A_184 : i32
    %while3A = arith.constant 0 : i32
    %while3A_186 = arith.constant 0 : i32
    %while3A_187 = arith.subi %select_n3A_183, %while3A_186 : i32
    %while3A_188 = arith.addi %while3A_186, %while3A_187 : i32
    %while3A_189 = arith.constant 1 : i32
    %while3A_190 = arith.divsi %while3A_187, %while3A_189 : i32
    %while3A_191 = arith.muli %while3A_190, %while3A_189 : i32
    %while3A_192 = arith.addi %while3A_186, %while3A_191 : i32
    %while3A_193 = arith.constant 1 : i32
    %while3A_194 = scf.for %while3A_638 = %while3A_186 to %while3A_192 step %while3A_193 iter_args(%while3A_639 = %broadcast_in_dim3A_85) -> (vector<16xf32>)  : i32 {
      %mul3A_640 = arith.constant 16 : i32
      %mul3A_641 = arith.muli %while3A_638, %mul3A_640 : i32
      %get3A_642 = arith.constant 0 : i32
      %get3A_643 = arith.constant 0 : i32
      %get3A_644 = arith.constant 0 : i32
      %get3A_645 = tpu.memref_slice %arg8[%while3A, %get3A_643, %get3A_644] : memref<2x8x3200xf32, #tpu.memory_space<vmem>> -> memref<1x8x3200xf32, #tpu.memory_space<vmem>>
      %get3A_646 = tpu.memref_squeeze %get3A_645 : memref<1x8x3200xf32, #tpu.memory_space<vmem>> -> memref<8x3200xf32, #tpu.memory_space<vmem>>
      %get3A_647 = arith.index_cast %get3A_642 : i32 to index
      %get3A_648 = arith.index_cast %mul3A_641 : i32 to index
      %get3A_649 = tpu.vector_load %get3A_646[%get3A_647, %get3A_648] {strides = array<i32>} : memref<8x3200xf32, #tpu.memory_space<vmem>>, vector<1x16xf32>,
      %get3A_650 = vector.shape_cast %get3A_649 : vector<1x16xf32> to vector<16xf32>
      %mul3A_651 = arith.constant 16 : i32
      %mul3A_652 = arith.muli %while3A_638, %mul3A_651 : i32
      %add3A_653 = arith.addi %add3A_185, %mul3A_652 : i32
      %add3A_654 = vector.broadcast %add3A_653 : i32 to vector<16xi32>
      %add3A_655 = arith.addi %add3A_654, %iota3A : vector<16xi32>
      %lt3A_656 = arith.constant 100000 : i32
      %lt3A_657 = vector.broadcast %lt3A_656 : i32 to vector<16xi32>
      %lt3A_658 = arith.cmpi slt, %add3A_655, %lt3A_657 : vector<16xi32>
      %jit3A_659 = arith.constant 0.000000e+00 : f32
      %broadcast_in_dim3A_660 = vector.broadcast %jit3A_659 : f32 to vector<16xf32>
      %select_n3A_661 = arith.select %lt3A_658, %get3A_650, %broadcast_in_dim3A_660 : vector<16xi1>, vector<16xf32>
      %add3A_662 = arith.addf %while3A_639, %select_n3A_661 : vector<16xf32>
      scf.yield %add3A_662 : vector<16xf32>
    }
    %while3A_195 = arith.constant 1 : i32
    %while3A_196 = scf.for %while3A_638 = %while3A_192 to %while3A_188 step %while3A_195 iter_args(%while3A_639 = %while3A_194) -> (vector<16xf32>)  : i32 {
      %mul3A_640 = arith.constant 16 : i32
      %mul3A_641 = arith.muli %while3A_638, %mul3A_640 : i32
      %get3A_642 = arith.constant 0 : i32
      %get3A_643 = arith.constant 0 : i32
      %get3A_644 = arith.constant 0 : i32
      %get3A_645 = tpu.memref_slice %arg8[%while3A, %get3A_643, %get3A_644] : memref<2x8x3200xf32, #tpu.memory_space<vmem>> -> memref<1x8x3200xf32, #tpu.memory_space<vmem>>
      %get3A_646 = tpu.memref_squeeze %get3A_645 : memref<1x8x3200xf32, #tpu.memory_space<vmem>> -> memref<8x3200xf32, #tpu.memory_space<vmem>>
      %get3A_647 = arith.index_cast %get3A_642 : i32 to index
      %get3A_648 = arith.index_cast %mul3A_641 : i32 to index
      %get3A_649 = tpu.vector_load %get3A_646[%get3A_647, %get3A_648] {strides = array<i32>} : memref<8x3200xf32, #tpu.memory_space<vmem>>, vector<1x16xf32>,
      %get3A_650 = vector.shape_cast %get3A_649 : vector<1x16xf32> to vector<16xf32>
      %mul3A_651 = arith.constant 16 : i32
      %mul3A_652 = arith.muli %while3A_638, %mul3A_651 : i32
      %add3A_653 = arith.addi %add3A_185, %mul3A_652 : i32
      %add3A_654 = vector.broadcast %add3A_653 : i32 to vector<16xi32>
      %add3A_655 = arith.addi %add3A_654, %iota3A : vector<16xi32>
      %lt3A_656 = arith.constant 100000 : i32
      %lt3A_657 = vector.broadcast %lt3A_656 : i32 to vector<16xi32>
      %lt3A_658 = arith.cmpi slt, %add3A_655, %lt3A_657 : vector<16xi32>
      %jit3A_659 = arith.constant 0.000000e+00 : f32
      %broadcast_in_dim3A_660 = vector.broadcast %jit3A_659 : f32 to vector<16xf32>
      %select_n3A_661 = arith.select %lt3A_658, %get3A_650, %broadcast_in_dim3A_660 : vector<16xi1>, vector<16xf32>
      %add3A_662 = arith.addf %while3A_639, %select_n3A_661 : vector<16xf32>
      scf.yield %add3A_662 : vector<16xf32>
    }
    %dma_start3A_197 = arith.constant 0 : i32
    %dma_start3A_198 = arith.constant 0 : i32
    %dma_start3A_199 = arith.constant 0 : i32
    %dma_start3A_200 = tpu.memref_slice %arg8[%dma_start3A_197, %dma_start3A_198, %dma_start3A_199] <%select_n3A_38> : memref<2x8x3200xf32, #tpu.memory_space<vmem>> -> memref<1x8x?xf32, #tpu.memory_space<vmem>>
    %dma_start3A_201 = tpu.memref_squeeze %dma_start3A_200 : memref<1x8x?xf32, #tpu.memory_space<vmem>> -> memref<8x?xf32, #tpu.memory_space<vmem>>
    %dma_start3A_202 = arith.constant 8 : i32
    %dma_start3A_203 = tpu.memref_slice %arg3[%dma_start3A_202, %add3A_47] <%select_n3A_38> : memref<136x100000xf32, #tpu.memory_space<hbm>> -> memref<8x?xf32, #tpu.memory_space<hbm>>
    %dma_start3A_204 = arith.constant 0 : i32
    %dma_start3A_205 = arith.constant 0 : i32
    %dma_start3A_206 = tpu.memref_slice %arg8[%dma_start3A_197, %dma_start3A_204, %dma_start3A_205] <%select_n3A_38> : memref<2x8x3200xf32, #tpu.memory_space<vmem>> -> memref<1x8x?xf32, #tpu.memory_space<vmem>>
    %dma_start3A_207 = tpu.memref_squeeze %dma_start3A_206 : memref<1x8x?xf32, #tpu.memory_space<vmem>> -> memref<8x?xf32, #tpu.memory_space<vmem>>
    %dma_start3A_208 = arith.constant 8 : i32
    %dma_start3A_209 = tpu.memref_slice %arg3[%dma_start3A_208, %add3A_47] <%select_n3A_38> : memref<136x100000xf32, #tpu.memory_space<hbm>> -> memref<8x?xf32, #tpu.memory_space<hbm>>
    tpu.enqueue_dma source(%dma_start3A_209 : memref<8x?xf32, #tpu.memory_space<hbm>>) target(%dma_start3A_207 : memref<8x?xf32, #tpu.memory_space<vmem>>) target_semaphore(%arg18 : memref<!tpu.dma_semaphore, #tpu.memory_space<semaphore_mem>>)
    %dma_wait3A_210 = arith.constant 1 : i32
    %dma_wait3A_211 = arith.constant 0 : i32
    %dma_wait3A_212 = arith.constant 0 : i32
    %dma_wait3A_213 = tpu.memref_slice %arg8[%dma_wait3A_210, %dma_wait3A_211, %dma_wait3A_212] <%sub3A_39> : memref<2x8x3200xf32, #tpu.memory_space<vmem>> -> memref<1x8x?xf32, #tpu.memory_space<vmem>>
    %dma_wait3A_214 = tpu.memref_squeeze %dma_wait3A_213 : memref<1x8x?xf32, #tpu.memory_space<vmem>> -> memref<8x?xf32, #tpu.memory_space<vmem>>
    %dma_wait3A_215 = arith.constant 16 : i32
    %dma_wait3A_216 = tpu.memref_slice %arg3[%dma_wait3A_215, %add3A_45] <%sub3A_39> : memref<136x100000xf32, #tpu.memory_space<hbm>> -> memref<8x?xf32, #tpu.memory_space<hbm>>
    %dma_wait3A_217 = arith.constant 0 : i32
    %dma_wait3A_218 = arith.constant 0 : i32
    %dma_wait3A_219 = tpu.memref_slice %arg8[%dma_wait3A_210, %dma_wait3A_217, %dma_wait3A_218] <%sub3A_39> : memref<2x8x3200xf32, #tpu.memory_space<vmem>> -> memref<1x8x?xf32, #tpu.memory_space<vmem>>
    %dma_wait3A_220 = tpu.memref_squeeze %dma_wait3A_219 : memref<1x8x?xf32, #tpu.memory_space<vmem>> -> memref<8x?xf32, #tpu.memory_space<vmem>>
    %dma_wait3A_221 = arith.constant 16 : i32
    %dma_wait3A_222 = tpu.memref_slice %arg3[%dma_wait3A_221, %add3A_45] <%sub3A_39> : memref<136x100000xf32, #tpu.memory_space<hbm>> -> memref<8x?xf32, #tpu.memory_space<hbm>>
    tpu.wait_dma2 semaphore(%arg19 : memref<!tpu.dma_semaphore, #tpu.memory_space<semaphore_mem>>) src(%dma_wait3A_222 : memref<8x?xf32, #tpu.memory_space<hbm>>) dst(%dma_wait3A_220 : memref<8x?xf32, #tpu.memory_space<vmem>>)
    %jit3A_223 = arith.constant 16 : i32
    %div3A_224 = arith.divsi %sub3A_39, %jit3A_223 : i32
    %sign3A_225 = arith.constant 0 : i32
    %sign3A_226 = arith.cmpi sgt, %sub3A_39, %sign3A_225 : i32
    %sign3A_227 = arith.extui %sign3A_226 : i1 to i32
    %sign3A_228 = arith.constant 0 : i32
    %sign3A_229 = arith.cmpi slt, %sub3A_39, %sign3A_228 : i32
    %sign3A_230 = arith.extui %sign3A_229 : i1 to i32
    %sign3A_231 = arith.subi %sign3A_227, %sign3A_230 : i32
    %sign3A_232 = arith.constant 0 : i32
    %sign3A_233 = arith.cmpi sgt, %jit3A_223, %sign3A_232 : i32
    %sign3A_234 = arith.extui %sign3A_233 : i1 to i32
    %sign3A_235 = arith.constant 0 : i32
    %sign3A_236 = arith.cmpi slt, %jit3A_223, %sign3A_235 : i32
    %sign3A_237 = arith.extui %sign3A_236 : i1 to i32
    %sign3A_238 = arith.subi %sign3A_234, %sign3A_237 : i32
    %ne3A_239 = arith.cmpi ne, %sign3A_231, %sign3A_238 : i32
    %rem3A_240 = arith.remsi %sub3A_39, %jit3A_223 : i32
    %ne3A_241 = arith.constant 0 : i32
    %ne3A_242 = arith.cmpi ne, %rem3A_240, %ne3A_241 : i32
    %and3A_243 = arith.andi %ne3A_239, %ne3A_242 : i1
    %sub3A_244 = arith.constant 1 : i32
    %sub3A_245 = arith.subi %div3A_224, %sub3A_244 : i32
    %select_n3A_246 = arith.select %and3A_243, %sub3A_245, %div3A_224 : i32
    %add3A_247 = arith.addi %select_n3A, %select_n3A_38 : i32
    %while3A_248 = arith.constant 1 : i32
    %while3A_249 = arith.constant 0 : i32
    %while3A_250 = arith.subi %select_n3A_246, %while3A_249 : i32
    %while3A_251 = arith.addi %while3A_249, %while3A_250 : i32
    %while3A_252 = arith.constant 1 : i32
    %while3A_253 = arith.divsi %while3A_250, %while3A_252 : i32
    %while3A_254 = arith.muli %while3A_253, %while3A_252 : i32
    %while3A_255 = arith.addi %while3A_249, %while3A_254 : i32
    %while3A_256 = arith.constant 1 : i32
    %while3A_257 = scf.for %while3A_638 = %while3A_249 to %while3A_255 step %while3A_256 iter_args(%while3A_639 = %while3A_196) -> (vector<16xf32>)  : i32 {
      %mul3A_640 = arith.constant 16 : i32
      %mul3A_641 = arith.muli %while3A_638, %mul3A_640 : i32
      %get3A_642 = arith.constant 0 : i32
      %get3A_643 = arith.constant 0 : i32
      %get3A_644 = arith.constant 0 : i32
      %get3A_645 = tpu.memref_slice %arg8[%while3A_248, %get3A_643, %get3A_644] : memref<2x8x3200xf32, #tpu.memory_space<vmem>> -> memref<1x8x3200xf32, #tpu.memory_space<vmem>>
      %get3A_646 = tpu.memref_squeeze %get3A_645 : memref<1x8x3200xf32, #tpu.memory_space<vmem>> -> memref<8x3200xf32, #tpu.memory_space<vmem>>
      %get3A_647 = arith.index_cast %get3A_642 : i32 to index
      %get3A_648 = arith.index_cast %mul3A_641 : i32 to index
      %get3A_649 = tpu.vector_load %get3A_646[%get3A_647, %get3A_648] {strides = array<i32>} : memref<8x3200xf32, #tpu.memory_space<vmem>>, vector<1x16xf32>,
      %get3A_650 = vector.shape_cast %get3A_649 : vector<1x16xf32> to vector<16xf32>
      %mul3A_651 = arith.constant 16 : i32
      %mul3A_652 = arith.muli %while3A_638, %mul3A_651 : i32
      %add3A_653 = arith.addi %add3A_247, %mul3A_652 : i32
      %add3A_654 = vector.broadcast %add3A_653 : i32 to vector<16xi32>
      %add3A_655 = arith.addi %add3A_654, %iota3A : vector<16xi32>
      %lt3A_656 = arith.constant 100000 : i32
      %lt3A_657 = vector.broadcast %lt3A_656 : i32 to vector<16xi32>
      %lt3A_658 = arith.cmpi slt, %add3A_655, %lt3A_657 : vector<16xi32>
      %jit3A_659 = arith.constant 0.000000e+00 : f32
      %broadcast_in_dim3A_660 = vector.broadcast %jit3A_659 : f32 to vector<16xf32>
      %select_n3A_661 = arith.select %lt3A_658, %get3A_650, %broadcast_in_dim3A_660 : vector<16xi1>, vector<16xf32>
      %add3A_662 = arith.addf %while3A_639, %select_n3A_661 : vector<16xf32>
      scf.yield %add3A_662 : vector<16xf32>
    }
    %while3A_258 = arith.constant 1 : i32
    %while3A_259 = scf.for %while3A_638 = %while3A_255 to %while3A_251 step %while3A_258 iter_args(%while3A_639 = %while3A_257) -> (vector<16xf32>)  : i32 {
      %mul3A_640 = arith.constant 16 : i32
      %mul3A_641 = arith.muli %while3A_638, %mul3A_640 : i32
      %get3A_642 = arith.constant 0 : i32
      %get3A_643 = arith.constant 0 : i32
      %get3A_644 = arith.constant 0 : i32
      %get3A_645 = tpu.memref_slice %arg8[%while3A_248, %get3A_643, %get3A_644] : memref<2x8x3200xf32, #tpu.memory_space<vmem>> -> memref<1x8x3200xf32, #tpu.memory_space<vmem>>
      %get3A_646 = tpu.memref_squeeze %get3A_645 : memref<1x8x3200xf32, #tpu.memory_space<vmem>> -> memref<8x3200xf32, #tpu.memory_space<vmem>>
      %get3A_647 = arith.index_cast %get3A_642 : i32 to index
      %get3A_648 = arith.index_cast %mul3A_641 : i32 to index
      %get3A_649 = tpu.vector_load %get3A_646[%get3A_647, %get3A_648] {strides = array<i32>} : memref<8x3200xf32, #tpu.memory_space<vmem>>, vector<1x16xf32>,
      %get3A_650 = vector.shape_cast %get3A_649 : vector<1x16xf32> to vector<16xf32>
      %mul3A_651 = arith.constant 16 : i32
      %mul3A_652 = arith.muli %while3A_638, %mul3A_651 : i32
      %add3A_653 = arith.addi %add3A_247, %mul3A_652 : i32
      %add3A_654 = vector.broadcast %add3A_653 : i32 to vector<16xi32>
      %add3A_655 = arith.addi %add3A_654, %iota3A : vector<16xi32>
      %lt3A_656 = arith.constant 100000 : i32
      %lt3A_657 = vector.broadcast %lt3A_656 : i32 to vector<16xi32>
      %lt3A_658 = arith.cmpi slt, %add3A_655, %lt3A_657 : vector<16xi32>
      %jit3A_659 = arith.constant 0.000000e+00 : f32
      %broadcast_in_dim3A_660 = vector.broadcast %jit3A_659 : f32 to vector<16xf32>
      %select_n3A_661 = arith.select %lt3A_658, %get3A_650, %broadcast_in_dim3A_660 : vector<16xi1>, vector<16xf32>
      %add3A_662 = arith.addf %while3A_639, %select_n3A_661 : vector<16xf32>
      scf.yield %add3A_662 : vector<16xf32>
    }
    %dma_start3A_260 = arith.constant 1 : i32
    %dma_start3A_261 = arith.constant 0 : i32
    %dma_start3A_262 = arith.constant 0 : i32
    %dma_start3A_263 = tpu.memref_slice %arg8[%dma_start3A_260, %dma_start3A_261, %dma_start3A_262] <%sub3A_39> : memref<2x8x3200xf32, #tpu.memory_space<vmem>> -> memref<1x8x?xf32, #tpu.memory_space<vmem>>
    %dma_start3A_264 = tpu.memref_squeeze %dma_start3A_263 : memref<1x8x?xf32, #tpu.memory_space<vmem>> -> memref<8x?xf32, #tpu.memory_space<vmem>>
    %dma_start3A_265 = arith.constant 8 : i32
    %dma_start3A_266 = tpu.memref_slice %arg3[%dma_start3A_265, %add3A_48] <%sub3A_39> : memref<136x100000xf32, #tpu.memory_space<hbm>> -> memref<8x?xf32, #tpu.memory_space<hbm>>
    %dma_start3A_267 = arith.constant 0 : i32
    %dma_start3A_268 = arith.constant 0 : i32
    %dma_start3A_269 = tpu.memref_slice %arg8[%dma_start3A_260, %dma_start3A_267, %dma_start3A_268] <%sub3A_39> : memref<2x8x3200xf32, #tpu.memory_space<vmem>> -> memref<1x8x?xf32, #tpu.memory_space<vmem>>
    %dma_start3A_270 = tpu.memref_squeeze %dma_start3A_269 : memref<1x8x?xf32, #tpu.memory_space<vmem>> -> memref<8x?xf32, #tpu.memory_space<vmem>>
    %dma_start3A_271 = arith.constant 8 : i32
    %dma_start3A_272 = tpu.memref_slice %arg3[%dma_start3A_271, %add3A_48] <%sub3A_39> : memref<136x100000xf32, #tpu.memory_space<hbm>> -> memref<8x?xf32, #tpu.memory_space<hbm>>
    tpu.enqueue_dma source(%dma_start3A_272 : memref<8x?xf32, #tpu.memory_space<hbm>>) target(%dma_start3A_270 : memref<8x?xf32, #tpu.memory_space<vmem>>) target_semaphore(%arg19 : memref<!tpu.dma_semaphore, #tpu.memory_space<semaphore_mem>>)
    %dma_wait3A_273 = arith.constant 0 : i32
    %dma_wait3A_274 = arith.constant 0 : i32
    %dma_wait3A_275 = arith.constant 0 : i32
    %dma_wait3A_276 = tpu.memref_slice %arg8[%dma_wait3A_273, %dma_wait3A_274, %dma_wait3A_275] <%select_n3A_38> : memref<2x8x3200xf32, #tpu.memory_space<vmem>> -> memref<1x8x?xf32, #tpu.memory_space<vmem>>
    %dma_wait3A_277 = tpu.memref_squeeze %dma_wait3A_276 : memref<1x8x?xf32, #tpu.memory_space<vmem>> -> memref<8x?xf32, #tpu.memory_space<vmem>>
    %dma_wait3A_278 = arith.constant 8 : i32
    %dma_wait3A_279 = tpu.memref_slice %arg3[%dma_wait3A_278, %add3A_47] <%select_n3A_38> : memref<136x100000xf32, #tpu.memory_space<hbm>> -> memref<8x?xf32, #tpu.memory_space<hbm>>
    %dma_wait3A_280 = arith.constant 0 : i32
    %dma_wait3A_281 = arith.constant 0 : i32
    %dma_wait3A_282 = tpu.memref_slice %arg8[%dma_wait3A_273, %dma_wait3A_280, %dma_wait3A_281] <%select_n3A_38> : memref<2x8x3200xf32, #tpu.memory_space<vmem>> -> memref<1x8x?xf32, #tpu.memory_space<vmem>>
    %dma_wait3A_283 = tpu.memref_squeeze %dma_wait3A_282 : memref<1x8x?xf32, #tpu.memory_space<vmem>> -> memref<8x?xf32, #tpu.memory_space<vmem>>
    %dma_wait3A_284 = arith.constant 8 : i32
    %dma_wait3A_285 = tpu.memref_slice %arg3[%dma_wait3A_284, %add3A_47] <%select_n3A_38> : memref<136x100000xf32, #tpu.memory_space<hbm>> -> memref<8x?xf32, #tpu.memory_space<hbm>>
    tpu.wait_dma2 semaphore(%arg18 : memref<!tpu.dma_semaphore, #tpu.memory_space<semaphore_mem>>) src(%dma_wait3A_285 : memref<8x?xf32, #tpu.memory_space<hbm>>) dst(%dma_wait3A_283 : memref<8x?xf32, #tpu.memory_space<vmem>>)
    %add3A_286 = arith.constant 100096 : i32
    %add3A_287 = arith.addi %add3A_286, %select_n3A : i32
    %add3A_288 = arith.constant 0 : i32
    %add3A_289 = arith.addi %add3A_287, %add3A_288 : i32
    %run_scoped3A_290 = arith.constant 0 : i32
    %run_scoped3A_291 = arith.constant 6 : i32
    "tpu.region"() ({
      %run_scoped3A_638 = tpu.sem_alloc : memref<!tpu.dma_semaphore, #tpu.memory_space<semaphore_mem>>
      %dma_start3A_639 = arith.constant 0 : i32
      %dma_start3A_640 = arith.constant 0 : i32
      %dma_start3A_641 = tpu.memref_slice %arg8[%run_scoped3A_290, %dma_start3A_639, %dma_start3A_640] : memref<2x8x3200xf32, #tpu.memory_space<vmem>> -> memref<1x8x3200xf32, #tpu.memory_space<vmem>>
      %dma_start3A_642 = tpu.memref_squeeze %dma_start3A_641 : memref<1x8x3200xf32, #tpu.memory_space<vmem>> -> memref<8x3200xf32, #tpu.memory_space<vmem>>
      %dma_start3A_643 = arith.constant 0 : i32
      %dma_start3A_644 = tpu.memref_slice %dma_start3A_642[%run_scoped3A_291, %dma_start3A_643] <%select_n3A_38> : memref<8x3200xf32, #tpu.memory_space<vmem>> -> memref<1x?xf32, #tpu.memory_space<vmem>>
      %dma_start3A_645 = tpu.memref_squeeze %dma_start3A_644 : memref<1x?xf32, #tpu.memory_space<vmem>> -> memref<?xf32, #tpu.memory_space<vmem>>
      %dma_start3A_646 = tpu.memref_slice %arg16[%add3A_289] <%select_n3A_38> : memref<500480xf32, #tpu.memory_space<vmem_shared>> -> memref<?xf32, #tpu.memory_space<vmem_shared>>
      %dma_start3A_647 = tpu.memref_slice %arg16[%add3A_289] <%select_n3A_38> : memref<500480xf32, #tpu.memory_space<vmem_shared>> -> memref<?xf32, #tpu.memory_space<vmem_shared>>
      %dma_start3A_648 = arith.constant 0 : i32
      %dma_start3A_649 = arith.constant 0 : i32
      %dma_start3A_650 = tpu.memref_slice %arg8[%run_scoped3A_290, %dma_start3A_648, %dma_start3A_649] : memref<2x8x3200xf32, #tpu.memory_space<vmem>> -> memref<1x8x3200xf32, #tpu.memory_space<vmem>>
      %dma_start3A_651 = tpu.memref_squeeze %dma_start3A_650 : memref<1x8x3200xf32, #tpu.memory_space<vmem>> -> memref<8x3200xf32, #tpu.memory_space<vmem>>
      %dma_start3A_652 = arith.constant 0 : i32
      %dma_start3A_653 = tpu.memref_slice %dma_start3A_651[%run_scoped3A_291, %dma_start3A_652] <%select_n3A_38> : memref<8x3200xf32, #tpu.memory_space<vmem>> -> memref<1x?xf32, #tpu.memory_space<vmem>>
      %dma_start3A_654 = tpu.memref_squeeze %dma_start3A_653 : memref<1x?xf32, #tpu.memory_space<vmem>> -> memref<?xf32, #tpu.memory_space<vmem>>
      tpu.enqueue_dma source(%dma_start3A_654 : memref<?xf32, #tpu.memory_space<vmem>>) target(%dma_start3A_647 : memref<?xf32, #tpu.memory_space<vmem_shared>>) target_semaphore(%run_scoped3A_638 : memref<!tpu.dma_semaphore, #tpu.memory_space<semaphore_mem>>)
      %dma_wait3A_655 = arith.constant 0 : i32
      %dma_wait3A_656 = arith.constant 0 : i32
      %dma_wait3A_657 = tpu.memref_slice %arg8[%run_scoped3A_290, %dma_wait3A_655, %dma_wait3A_656] : memref<2x8x3200xf32, #tpu.memory_space<vmem>> -> memref<1x8x3200xf32, #tpu.memory_space<vmem>>
      %dma_wait3A_658 = tpu.memref_squeeze %dma_wait3A_657 : memref<1x8x3200xf32, #tpu.memory_space<vmem>> -> memref<8x3200xf32, #tpu.memory_space<vmem>>
      %dma_wait3A_659 = arith.constant 0 : i32
      %dma_wait3A_660 = tpu.memref_slice %dma_wait3A_658[%run_scoped3A_291, %dma_wait3A_659] <%select_n3A_38> : memref<8x3200xf32, #tpu.memory_space<vmem>> -> memref<1x?xf32, #tpu.memory_space<vmem>>
      %dma_wait3A_661 = tpu.memref_squeeze %dma_wait3A_660 : memref<1x?xf32, #tpu.memory_space<vmem>> -> memref<?xf32, #tpu.memory_space<vmem>>
      %dma_wait3A_662 = tpu.memref_slice %arg16[%add3A_289] <%select_n3A_38> : memref<500480xf32, #tpu.memory_space<vmem_shared>> -> memref<?xf32, #tpu.memory_space<vmem_shared>>
      %dma_wait3A_663 = tpu.memref_slice %arg16[%add3A_289] <%select_n3A_38> : memref<500480xf32, #tpu.memory_space<vmem_shared>> -> memref<?xf32, #tpu.memory_space<vmem_shared>>
      %dma_wait3A_664 = arith.constant 0 : i32
      %dma_wait3A_665 = arith.constant 0 : i32
      %dma_wait3A_666 = tpu.memref_slice %arg8[%run_scoped3A_290, %dma_wait3A_664, %dma_wait3A_665] : memref<2x8x3200xf32, #tpu.memory_space<vmem>> -> memref<1x8x3200xf32, #tpu.memory_space<vmem>>
      %dma_wait3A_667 = tpu.memref_squeeze %dma_wait3A_666 : memref<1x8x3200xf32, #tpu.memory_space<vmem>> -> memref<8x3200xf32, #tpu.memory_space<vmem>>
      %dma_wait3A_668 = arith.constant 0 : i32
      %dma_wait3A_669 = tpu.memref_slice %dma_wait3A_667[%run_scoped3A_291, %dma_wait3A_668] <%select_n3A_38> : memref<8x3200xf32, #tpu.memory_space<vmem>> -> memref<1x?xf32, #tpu.memory_space<vmem>>
      %dma_wait3A_670 = tpu.memref_squeeze %dma_wait3A_669 : memref<1x?xf32, #tpu.memory_space<vmem>> -> memref<?xf32, #tpu.memory_space<vmem>>
      tpu.wait_dma2 semaphore(%run_scoped3A_638 : memref<!tpu.dma_semaphore, #tpu.memory_space<semaphore_mem>>) src(%dma_wait3A_670 : memref<?xf32, #tpu.memory_space<vmem>>) dst(%dma_wait3A_663 : memref<?xf32, #tpu.memory_space<vmem_shared>>)
      tpu.yield
    }) : () -> ()
    %dma_start3A_292 = arith.constant 0 : i32
    %dma_start3A_293 = arith.constant 0 : i32
    %dma_start3A_294 = arith.constant 0 : i32
    %dma_start3A_295 = tpu.memref_slice %arg8[%dma_start3A_292, %dma_start3A_293, %dma_start3A_294] <%select_n3A_38> : memref<2x8x3200xf32, #tpu.memory_space<vmem>> -> memref<1x8x?xf32, #tpu.memory_space<vmem>>
    %dma_start3A_296 = tpu.memref_squeeze %dma_start3A_295 : memref<1x8x?xf32, #tpu.memory_space<vmem>> -> memref<8x?xf32, #tpu.memory_space<vmem>>
    %dma_start3A_297 = arith.constant 128 : i32
    %dma_start3A_298 = tpu.memref_slice %arg3[%dma_start3A_297, %add3A_50] <%select_n3A_38> : memref<136x100000xf32, #tpu.memory_space<hbm>> -> memref<8x?xf32, #tpu.memory_space<hbm>>
    %dma_start3A_299 = arith.constant 0 : i32
    %dma_start3A_300 = arith.constant 0 : i32
    %dma_start3A_301 = tpu.memref_slice %arg8[%dma_start3A_292, %dma_start3A_299, %dma_start3A_300] <%select_n3A_38> : memref<2x8x3200xf32, #tpu.memory_space<vmem>> -> memref<1x8x?xf32, #tpu.memory_space<vmem>>
    %dma_start3A_302 = tpu.memref_squeeze %dma_start3A_301 : memref<1x8x?xf32, #tpu.memory_space<vmem>> -> memref<8x?xf32, #tpu.memory_space<vmem>>
    %dma_start3A_303 = arith.constant 128 : i32
    %dma_start3A_304 = tpu.memref_slice %arg3[%dma_start3A_303, %add3A_50] <%select_n3A_38> : memref<136x100000xf32, #tpu.memory_space<hbm>> -> memref<8x?xf32, #tpu.memory_space<hbm>>
    tpu.enqueue_dma source(%dma_start3A_304 : memref<8x?xf32, #tpu.memory_space<hbm>>) target(%dma_start3A_302 : memref<8x?xf32, #tpu.memory_space<vmem>>) target_semaphore(%arg18 : memref<!tpu.dma_semaphore, #tpu.memory_space<semaphore_mem>>)
    %dma_wait3A_305 = arith.constant 1 : i32
    %dma_wait3A_306 = arith.constant 0 : i32
    %dma_wait3A_307 = arith.constant 0 : i32
    %dma_wait3A_308 = tpu.memref_slice %arg8[%dma_wait3A_305, %dma_wait3A_306, %dma_wait3A_307] <%sub3A_39> : memref<2x8x3200xf32, #tpu.memory_space<vmem>> -> memref<1x8x?xf32, #tpu.memory_space<vmem>>
    %dma_wait3A_309 = tpu.memref_squeeze %dma_wait3A_308 : memref<1x8x?xf32, #tpu.memory_space<vmem>> -> memref<8x?xf32, #tpu.memory_space<vmem>>
    %dma_wait3A_310 = arith.constant 8 : i32
    %dma_wait3A_311 = tpu.memref_slice %arg3[%dma_wait3A_310, %add3A_48] <%sub3A_39> : memref<136x100000xf32, #tpu.memory_space<hbm>> -> memref<8x?xf32, #tpu.memory_space<hbm>>
    %dma_wait3A_312 = arith.constant 0 : i32
    %dma_wait3A_313 = arith.constant 0 : i32
    %dma_wait3A_314 = tpu.memref_slice %arg8[%dma_wait3A_305, %dma_wait3A_312, %dma_wait3A_313] <%sub3A_39> : memref<2x8x3200xf32, #tpu.memory_space<vmem>> -> memref<1x8x?xf32, #tpu.memory_space<vmem>>
    %dma_wait3A_315 = tpu.memref_squeeze %dma_wait3A_314 : memref<1x8x?xf32, #tpu.memory_space<vmem>> -> memref<8x?xf32, #tpu.memory_space<vmem>>
    %dma_wait3A_316 = arith.constant 8 : i32
    %dma_wait3A_317 = tpu.memref_slice %arg3[%dma_wait3A_316, %add3A_48] <%sub3A_39> : memref<136x100000xf32, #tpu.memory_space<hbm>> -> memref<8x?xf32, #tpu.memory_space<hbm>>
    tpu.wait_dma2 semaphore(%arg19 : memref<!tpu.dma_semaphore, #tpu.memory_space<semaphore_mem>>) src(%dma_wait3A_317 : memref<8x?xf32, #tpu.memory_space<hbm>>) dst(%dma_wait3A_315 : memref<8x?xf32, #tpu.memory_space<vmem>>)
    %add3A_318 = arith.constant 100096 : i32
    %add3A_319 = arith.addi %add3A_318, %select_n3A : i32
    %add3A_320 = arith.addi %add3A_319, %select_n3A_38 : i32
    %run_scoped3A_321 = arith.constant 1 : i32
    %run_scoped3A_322 = arith.constant 6 : i32
    "tpu.region"() ({
      %run_scoped3A_638 = tpu.sem_alloc : memref<!tpu.dma_semaphore, #tpu.memory_space<semaphore_mem>>
      %dma_start3A_639 = arith.constant 0 : i32
      %dma_start3A_640 = arith.constant 0 : i32
      %dma_start3A_641 = tpu.memref_slice %arg8[%run_scoped3A_321, %dma_start3A_639, %dma_start3A_640] : memref<2x8x3200xf32, #tpu.memory_space<vmem>> -> memref<1x8x3200xf32, #tpu.memory_space<vmem>>
      %dma_start3A_642 = tpu.memref_squeeze %dma_start3A_641 : memref<1x8x3200xf32, #tpu.memory_space<vmem>> -> memref<8x3200xf32, #tpu.memory_space<vmem>>
      %dma_start3A_643 = arith.constant 0 : i32
      %dma_start3A_644 = tpu.memref_slice %dma_start3A_642[%run_scoped3A_322, %dma_start3A_643] <%sub3A_39> : memref<8x3200xf32, #tpu.memory_space<vmem>> -> memref<1x?xf32, #tpu.memory_space<vmem>>
      %dma_start3A_645 = tpu.memref_squeeze %dma_start3A_644 : memref<1x?xf32, #tpu.memory_space<vmem>> -> memref<?xf32, #tpu.memory_space<vmem>>
      %dma_start3A_646 = tpu.memref_slice %arg16[%add3A_320] <%sub3A_39> : memref<500480xf32, #tpu.memory_space<vmem_shared>> -> memref<?xf32, #tpu.memory_space<vmem_shared>>
      %dma_start3A_647 = tpu.memref_slice %arg16[%add3A_320] <%sub3A_39> : memref<500480xf32, #tpu.memory_space<vmem_shared>> -> memref<?xf32, #tpu.memory_space<vmem_shared>>
      %dma_start3A_648 = arith.constant 0 : i32
      %dma_start3A_649 = arith.constant 0 : i32
      %dma_start3A_650 = tpu.memref_slice %arg8[%run_scoped3A_321, %dma_start3A_648, %dma_start3A_649] : memref<2x8x3200xf32, #tpu.memory_space<vmem>> -> memref<1x8x3200xf32, #tpu.memory_space<vmem>>
      %dma_start3A_651 = tpu.memref_squeeze %dma_start3A_650 : memref<1x8x3200xf32, #tpu.memory_space<vmem>> -> memref<8x3200xf32, #tpu.memory_space<vmem>>
      %dma_start3A_652 = arith.constant 0 : i32
      %dma_start3A_653 = tpu.memref_slice %dma_start3A_651[%run_scoped3A_322, %dma_start3A_652] <%sub3A_39> : memref<8x3200xf32, #tpu.memory_space<vmem>> -> memref<1x?xf32, #tpu.memory_space<vmem>>
      %dma_start3A_654 = tpu.memref_squeeze %dma_start3A_653 : memref<1x?xf32, #tpu.memory_space<vmem>> -> memref<?xf32, #tpu.memory_space<vmem>>
      tpu.enqueue_dma source(%dma_start3A_654 : memref<?xf32, #tpu.memory_space<vmem>>) target(%dma_start3A_647 : memref<?xf32, #tpu.memory_space<vmem_shared>>) target_semaphore(%run_scoped3A_638 : memref<!tpu.dma_semaphore, #tpu.memory_space<semaphore_mem>>)
      %dma_wait3A_655 = arith.constant 0 : i32
      %dma_wait3A_656 = arith.constant 0 : i32
      %dma_wait3A_657 = tpu.memref_slice %arg8[%run_scoped3A_321, %dma_wait3A_655, %dma_wait3A_656] : memref<2x8x3200xf32, #tpu.memory_space<vmem>> -> memref<1x8x3200xf32, #tpu.memory_space<vmem>>
      %dma_wait3A_658 = tpu.memref_squeeze %dma_wait3A_657 : memref<1x8x3200xf32, #tpu.memory_space<vmem>> -> memref<8x3200xf32, #tpu.memory_space<vmem>>
      %dma_wait3A_659 = arith.constant 0 : i32
      %dma_wait3A_660 = tpu.memref_slice %dma_wait3A_658[%run_scoped3A_322, %dma_wait3A_659] <%sub3A_39> : memref<8x3200xf32, #tpu.memory_space<vmem>> -> memref<1x?xf32, #tpu.memory_space<vmem>>
      %dma_wait3A_661 = tpu.memref_squeeze %dma_wait3A_660 : memref<1x?xf32, #tpu.memory_space<vmem>> -> memref<?xf32, #tpu.memory_space<vmem>>
      %dma_wait3A_662 = tpu.memref_slice %arg16[%add3A_320] <%sub3A_39> : memref<500480xf32, #tpu.memory_space<vmem_shared>> -> memref<?xf32, #tpu.memory_space<vmem_shared>>
      %dma_wait3A_663 = tpu.memref_slice %arg16[%add3A_320] <%sub3A_39> : memref<500480xf32, #tpu.memory_space<vmem_shared>> -> memref<?xf32, #tpu.memory_space<vmem_shared>>
      %dma_wait3A_664 = arith.constant 0 : i32
      %dma_wait3A_665 = arith.constant 0 : i32
      %dma_wait3A_666 = tpu.memref_slice %arg8[%run_scoped3A_321, %dma_wait3A_664, %dma_wait3A_665] : memref<2x8x3200xf32, #tpu.memory_space<vmem>> -> memref<1x8x3200xf32, #tpu.memory_space<vmem>>
      %dma_wait3A_667 = tpu.memref_squeeze %dma_wait3A_666 : memref<1x8x3200xf32, #tpu.memory_space<vmem>> -> memref<8x3200xf32, #tpu.memory_space<vmem>>
      %dma_wait3A_668 = arith.constant 0 : i32
      %dma_wait3A_669 = tpu.memref_slice %dma_wait3A_667[%run_scoped3A_322, %dma_wait3A_668] <%sub3A_39> : memref<8x3200xf32, #tpu.memory_space<vmem>> -> memref<1x?xf32, #tpu.memory_space<vmem>>
      %dma_wait3A_670 = tpu.memref_squeeze %dma_wait3A_669 : memref<1x?xf32, #tpu.memory_space<vmem>> -> memref<?xf32, #tpu.memory_space<vmem>>
      tpu.wait_dma2 semaphore(%run_scoped3A_638 : memref<!tpu.dma_semaphore, #tpu.memory_space<semaphore_mem>>) src(%dma_wait3A_670 : memref<?xf32, #tpu.memory_space<vmem>>) dst(%dma_wait3A_663 : memref<?xf32, #tpu.memory_space<vmem_shared>>)
      tpu.yield
    }) : () -> ()
    %dma_start3A_323 = arith.constant 1 : i32
    %dma_start3A_324 = arith.constant 0 : i32
    %dma_start3A_325 = arith.constant 0 : i32
    %dma_start3A_326 = tpu.memref_slice %arg8[%dma_start3A_323, %dma_start3A_324, %dma_start3A_325] <%sub3A_39> : memref<2x8x3200xf32, #tpu.memory_space<vmem>> -> memref<1x8x?xf32, #tpu.memory_space<vmem>>
    %dma_start3A_327 = tpu.memref_squeeze %dma_start3A_326 : memref<1x8x?xf32, #tpu.memory_space<vmem>> -> memref<8x?xf32, #tpu.memory_space<vmem>>
    %dma_start3A_328 = arith.constant 128 : i32
    %dma_start3A_329 = tpu.memref_slice %arg3[%dma_start3A_328, %add3A_51] <%sub3A_39> : memref<136x100000xf32, #tpu.memory_space<hbm>> -> memref<8x?xf32, #tpu.memory_space<hbm>>
    %dma_start3A_330 = arith.constant 0 : i32
    %dma_start3A_331 = arith.constant 0 : i32
    %dma_start3A_332 = tpu.memref_slice %arg8[%dma_start3A_323, %dma_start3A_330, %dma_start3A_331] <%sub3A_39> : memref<2x8x3200xf32, #tpu.memory_space<vmem>> -> memref<1x8x?xf32, #tpu.memory_space<vmem>>
    %dma_start3A_333 = tpu.memref_squeeze %dma_start3A_332 : memref<1x8x?xf32, #tpu.memory_space<vmem>> -> memref<8x?xf32, #tpu.memory_space<vmem>>
    %dma_start3A_334 = arith.constant 128 : i32
    %dma_start3A_335 = tpu.memref_slice %arg3[%dma_start3A_334, %add3A_51] <%sub3A_39> : memref<136x100000xf32, #tpu.memory_space<hbm>> -> memref<8x?xf32, #tpu.memory_space<hbm>>
    tpu.enqueue_dma source(%dma_start3A_335 : memref<8x?xf32, #tpu.memory_space<hbm>>) target(%dma_start3A_333 : memref<8x?xf32, #tpu.memory_space<vmem>>) target_semaphore(%arg19 : memref<!tpu.dma_semaphore, #tpu.memory_space<semaphore_mem>>)
    %dma_wait3A_336 = arith.constant 0 : i32
    %dma_wait3A_337 = arith.constant 0 : i32
    %dma_wait3A_338 = arith.constant 0 : i32
    %dma_wait3A_339 = tpu.memref_slice %arg8[%dma_wait3A_336, %dma_wait3A_337, %dma_wait3A_338] <%select_n3A_38> : memref<2x8x3200xf32, #tpu.memory_space<vmem>> -> memref<1x8x?xf32, #tpu.memory_space<vmem>>
    %dma_wait3A_340 = tpu.memref_squeeze %dma_wait3A_339 : memref<1x8x?xf32, #tpu.memory_space<vmem>> -> memref<8x?xf32, #tpu.memory_space<vmem>>
    %dma_wait3A_341 = arith.constant 128 : i32
    %dma_wait3A_342 = tpu.memref_slice %arg3[%dma_wait3A_341, %add3A_50] <%select_n3A_38> : memref<136x100000xf32, #tpu.memory_space<hbm>> -> memref<8x?xf32, #tpu.memory_space<hbm>>
    %dma_wait3A_343 = arith.constant 0 : i32
    %dma_wait3A_344 = arith.constant 0 : i32
    %dma_wait3A_345 = tpu.memref_slice %arg8[%dma_wait3A_336, %dma_wait3A_343, %dma_wait3A_344] <%select_n3A_38> : memref<2x8x3200xf32, #tpu.memory_space<vmem>> -> memref<1x8x?xf32, #tpu.memory_space<vmem>>
    %dma_wait3A_346 = tpu.memref_squeeze %dma_wait3A_345 : memref<1x8x?xf32, #tpu.memory_space<vmem>> -> memref<8x?xf32, #tpu.memory_space<vmem>>
    %dma_wait3A_347 = arith.constant 128 : i32
    %dma_wait3A_348 = tpu.memref_slice %arg3[%dma_wait3A_347, %add3A_50] <%select_n3A_38> : memref<136x100000xf32, #tpu.memory_space<hbm>> -> memref<8x?xf32, #tpu.memory_space<hbm>>
    tpu.wait_dma2 semaphore(%arg18 : memref<!tpu.dma_semaphore, #tpu.memory_space<semaphore_mem>>) src(%dma_wait3A_348 : memref<8x?xf32, #tpu.memory_space<hbm>>) dst(%dma_wait3A_346 : memref<8x?xf32, #tpu.memory_space<vmem>>)
    %add3A_349 = arith.constant 400384 : i32
    %add3A_350 = arith.addi %add3A_349, %select_n3A : i32
    %add3A_351 = arith.constant 0 : i32
    %add3A_352 = arith.addi %add3A_350, %add3A_351 : i32
    %run_scoped3A_353 = arith.constant 0 : i32
    %run_scoped3A_354 = arith.constant 0 : i32
    "tpu.region"() ({
      %run_scoped3A_638 = tpu.sem_alloc : memref<!tpu.dma_semaphore, #tpu.memory_space<semaphore_mem>>
      %dma_start3A_639 = arith.constant 0 : i32
      %dma_start3A_640 = arith.constant 0 : i32
      %dma_start3A_641 = tpu.memref_slice %arg8[%run_scoped3A_353, %dma_start3A_639, %dma_start3A_640] : memref<2x8x3200xf32, #tpu.memory_space<vmem>> -> memref<1x8x3200xf32, #tpu.memory_space<vmem>>
      %dma_start3A_642 = tpu.memref_squeeze %dma_start3A_641 : memref<1x8x3200xf32, #tpu.memory_space<vmem>> -> memref<8x3200xf32, #tpu.memory_space<vmem>>
      %dma_start3A_643 = arith.constant 0 : i32
      %dma_start3A_644 = tpu.memref_slice %dma_start3A_642[%run_scoped3A_354, %dma_start3A_643] <%select_n3A_38> : memref<8x3200xf32, #tpu.memory_space<vmem>> -> memref<1x?xf32, #tpu.memory_space<vmem>>
      %dma_start3A_645 = tpu.memref_squeeze %dma_start3A_644 : memref<1x?xf32, #tpu.memory_space<vmem>> -> memref<?xf32, #tpu.memory_space<vmem>>
      %dma_start3A_646 = tpu.memref_slice %arg16[%add3A_352] <%select_n3A_38> : memref<500480xf32, #tpu.memory_space<vmem_shared>> -> memref<?xf32, #tpu.memory_space<vmem_shared>>
      %dma_start3A_647 = tpu.memref_slice %arg16[%add3A_352] <%select_n3A_38> : memref<500480xf32, #tpu.memory_space<vmem_shared>> -> memref<?xf32, #tpu.memory_space<vmem_shared>>
      %dma_start3A_648 = arith.constant 0 : i32
      %dma_start3A_649 = arith.constant 0 : i32
      %dma_start3A_650 = tpu.memref_slice %arg8[%run_scoped3A_353, %dma_start3A_648, %dma_start3A_649] : memref<2x8x3200xf32, #tpu.memory_space<vmem>> -> memref<1x8x3200xf32, #tpu.memory_space<vmem>>
      %dma_start3A_651 = tpu.memref_squeeze %dma_start3A_650 : memref<1x8x3200xf32, #tpu.memory_space<vmem>> -> memref<8x3200xf32, #tpu.memory_space<vmem>>
      %dma_start3A_652 = arith.constant 0 : i32
      %dma_start3A_653 = tpu.memref_slice %dma_start3A_651[%run_scoped3A_354, %dma_start3A_652] <%select_n3A_38> : memref<8x3200xf32, #tpu.memory_space<vmem>> -> memref<1x?xf32, #tpu.memory_space<vmem>>
      %dma_start3A_654 = tpu.memref_squeeze %dma_start3A_653 : memref<1x?xf32, #tpu.memory_space<vmem>> -> memref<?xf32, #tpu.memory_space<vmem>>
      tpu.enqueue_dma source(%dma_start3A_654 : memref<?xf32, #tpu.memory_space<vmem>>) target(%dma_start3A_647 : memref<?xf32, #tpu.memory_space<vmem_shared>>) target_semaphore(%run_scoped3A_638 : memref<!tpu.dma_semaphore, #tpu.memory_space<semaphore_mem>>)
      %dma_wait3A_655 = arith.constant 0 : i32
      %dma_wait3A_656 = arith.constant 0 : i32
      %dma_wait3A_657 = tpu.memref_slice %arg8[%run_scoped3A_353, %dma_wait3A_655, %dma_wait3A_656] : memref<2x8x3200xf32, #tpu.memory_space<vmem>> -> memref<1x8x3200xf32, #tpu.memory_space<vmem>>
      %dma_wait3A_658 = tpu.memref_squeeze %dma_wait3A_657 : memref<1x8x3200xf32, #tpu.memory_space<vmem>> -> memref<8x3200xf32, #tpu.memory_space<vmem>>
      %dma_wait3A_659 = arith.constant 0 : i32
      %dma_wait3A_660 = tpu.memref_slice %dma_wait3A_658[%run_scoped3A_354, %dma_wait3A_659] <%select_n3A_38> : memref<8x3200xf32, #tpu.memory_space<vmem>> -> memref<1x?xf32, #tpu.memory_space<vmem>>
      %dma_wait3A_661 = tpu.memref_squeeze %dma_wait3A_660 : memref<1x?xf32, #tpu.memory_space<vmem>> -> memref<?xf32, #tpu.memory_space<vmem>>
      %dma_wait3A_662 = tpu.memref_slice %arg16[%add3A_352] <%select_n3A_38> : memref<500480xf32, #tpu.memory_space<vmem_shared>> -> memref<?xf32, #tpu.memory_space<vmem_shared>>
      %dma_wait3A_663 = tpu.memref_slice %arg16[%add3A_352] <%select_n3A_38> : memref<500480xf32, #tpu.memory_space<vmem_shared>> -> memref<?xf32, #tpu.memory_space<vmem_shared>>
      %dma_wait3A_664 = arith.constant 0 : i32
      %dma_wait3A_665 = arith.constant 0 : i32
      %dma_wait3A_666 = tpu.memref_slice %arg8[%run_scoped3A_353, %dma_wait3A_664, %dma_wait3A_665] : memref<2x8x3200xf32, #tpu.memory_space<vmem>> -> memref<1x8x3200xf32, #tpu.memory_space<vmem>>
      %dma_wait3A_667 = tpu.memref_squeeze %dma_wait3A_666 : memref<1x8x3200xf32, #tpu.memory_space<vmem>> -> memref<8x3200xf32, #tpu.memory_space<vmem>>
      %dma_wait3A_668 = arith.constant 0 : i32
      %dma_wait3A_669 = tpu.memref_slice %dma_wait3A_667[%run_scoped3A_354, %dma_wait3A_668] <%select_n3A_38> : memref<8x3200xf32, #tpu.memory_space<vmem>> -> memref<1x?xf32, #tpu.memory_space<vmem>>
      %dma_wait3A_670 = tpu.memref_squeeze %dma_wait3A_669 : memref<1x?xf32, #tpu.memory_space<vmem>> -> memref<?xf32, #tpu.memory_space<vmem>>
      tpu.wait_dma2 semaphore(%run_scoped3A_638 : memref<!tpu.dma_semaphore, #tpu.memory_space<semaphore_mem>>) src(%dma_wait3A_670 : memref<?xf32, #tpu.memory_space<vmem>>) dst(%dma_wait3A_663 : memref<?xf32, #tpu.memory_space<vmem_shared>>)
      tpu.yield
    }) : () -> ()
    %add3A_355 = arith.constant 200192 : i32
    %add3A_356 = arith.addi %add3A_355, %select_n3A : i32
    %add3A_357 = arith.constant 0 : i32
    %add3A_358 = arith.addi %add3A_356, %add3A_357 : i32
    %run_scoped3A_359 = arith.constant 0 : i32
    %run_scoped3A_360 = arith.constant 1 : i32
    "tpu.region"() ({
      %run_scoped3A_638 = tpu.sem_alloc : memref<!tpu.dma_semaphore, #tpu.memory_space<semaphore_mem>>
      %dma_start3A_639 = arith.constant 0 : i32
      %dma_start3A_640 = arith.constant 0 : i32
      %dma_start3A_641 = tpu.memref_slice %arg8[%run_scoped3A_359, %dma_start3A_639, %dma_start3A_640] : memref<2x8x3200xf32, #tpu.memory_space<vmem>> -> memref<1x8x3200xf32, #tpu.memory_space<vmem>>
      %dma_start3A_642 = tpu.memref_squeeze %dma_start3A_641 : memref<1x8x3200xf32, #tpu.memory_space<vmem>> -> memref<8x3200xf32, #tpu.memory_space<vmem>>
      %dma_start3A_643 = arith.constant 0 : i32
      %dma_start3A_644 = tpu.memref_slice %dma_start3A_642[%run_scoped3A_360, %dma_start3A_643] <%select_n3A_38> : memref<8x3200xf32, #tpu.memory_space<vmem>> -> memref<1x?xf32, #tpu.memory_space<vmem>>
      %dma_start3A_645 = tpu.memref_squeeze %dma_start3A_644 : memref<1x?xf32, #tpu.memory_space<vmem>> -> memref<?xf32, #tpu.memory_space<vmem>>
      %dma_start3A_646 = tpu.memref_slice %arg16[%add3A_358] <%select_n3A_38> : memref<500480xf32, #tpu.memory_space<vmem_shared>> -> memref<?xf32, #tpu.memory_space<vmem_shared>>
      %dma_start3A_647 = tpu.memref_slice %arg16[%add3A_358] <%select_n3A_38> : memref<500480xf32, #tpu.memory_space<vmem_shared>> -> memref<?xf32, #tpu.memory_space<vmem_shared>>
      %dma_start3A_648 = arith.constant 0 : i32
      %dma_start3A_649 = arith.constant 0 : i32
      %dma_start3A_650 = tpu.memref_slice %arg8[%run_scoped3A_359, %dma_start3A_648, %dma_start3A_649] : memref<2x8x3200xf32, #tpu.memory_space<vmem>> -> memref<1x8x3200xf32, #tpu.memory_space<vmem>>
      %dma_start3A_651 = tpu.memref_squeeze %dma_start3A_650 : memref<1x8x3200xf32, #tpu.memory_space<vmem>> -> memref<8x3200xf32, #tpu.memory_space<vmem>>
      %dma_start3A_652 = arith.constant 0 : i32
      %dma_start3A_653 = tpu.memref_slice %dma_start3A_651[%run_scoped3A_360, %dma_start3A_652] <%select_n3A_38> : memref<8x3200xf32, #tpu.memory_space<vmem>> -> memref<1x?xf32, #tpu.memory_space<vmem>>
      %dma_start3A_654 = tpu.memref_squeeze %dma_start3A_653 : memref<1x?xf32, #tpu.memory_space<vmem>> -> memref<?xf32, #tpu.memory_space<vmem>>
      tpu.enqueue_dma source(%dma_start3A_654 : memref<?xf32, #tpu.memory_space<vmem>>) target(%dma_start3A_647 : memref<?xf32, #tpu.memory_space<vmem_shared>>) target_semaphore(%run_scoped3A_638 : memref<!tpu.dma_semaphore, #tpu.memory_space<semaphore_mem>>)
      %dma_wait3A_655 = arith.constant 0 : i32
      %dma_wait3A_656 = arith.constant 0 : i32
      %dma_wait3A_657 = tpu.memref_slice %arg8[%run_scoped3A_359, %dma_wait3A_655, %dma_wait3A_656] : memref<2x8x3200xf32, #tpu.memory_space<vmem>> -> memref<1x8x3200xf32, #tpu.memory_space<vmem>>
      %dma_wait3A_658 = tpu.memref_squeeze %dma_wait3A_657 : memref<1x8x3200xf32, #tpu.memory_space<vmem>> -> memref<8x3200xf32, #tpu.memory_space<vmem>>
      %dma_wait3A_659 = arith.constant 0 : i32
      %dma_wait3A_660 = tpu.memref_slice %dma_wait3A_658[%run_scoped3A_360, %dma_wait3A_659] <%select_n3A_38> : memref<8x3200xf32, #tpu.memory_space<vmem>> -> memref<1x?xf32, #tpu.memory_space<vmem>>
      %dma_wait3A_661 = tpu.memref_squeeze %dma_wait3A_660 : memref<1x?xf32, #tpu.memory_space<vmem>> -> memref<?xf32, #tpu.memory_space<vmem>>
      %dma_wait3A_662 = tpu.memref_slice %arg16[%add3A_358] <%select_n3A_38> : memref<500480xf32, #tpu.memory_space<vmem_shared>> -> memref<?xf32, #tpu.memory_space<vmem_shared>>
      %dma_wait3A_663 = tpu.memref_slice %arg16[%add3A_358] <%select_n3A_38> : memref<500480xf32, #tpu.memory_space<vmem_shared>> -> memref<?xf32, #tpu.memory_space<vmem_shared>>
      %dma_wait3A_664 = arith.constant 0 : i32
      %dma_wait3A_665 = arith.constant 0 : i32
      %dma_wait3A_666 = tpu.memref_slice %arg8[%run_scoped3A_359, %dma_wait3A_664, %dma_wait3A_665] : memref<2x8x3200xf32, #tpu.memory_space<vmem>> -> memref<1x8x3200xf32, #tpu.memory_space<vmem>>
      %dma_wait3A_667 = tpu.memref_squeeze %dma_wait3A_666 : memref<1x8x3200xf32, #tpu.memory_space<vmem>> -> memref<8x3200xf32, #tpu.memory_space<vmem>>
      %dma_wait3A_668 = arith.constant 0 : i32
      %dma_wait3A_669 = tpu.memref_slice %dma_wait3A_667[%run_scoped3A_360, %dma_wait3A_668] <%select_n3A_38> : memref<8x3200xf32, #tpu.memory_space<vmem>> -> memref<1x?xf32, #tpu.memory_space<vmem>>
      %dma_wait3A_670 = tpu.memref_squeeze %dma_wait3A_669 : memref<1x?xf32, #tpu.memory_space<vmem>> -> memref<?xf32, #tpu.memory_space<vmem>>
      tpu.wait_dma2 semaphore(%run_scoped3A_638 : memref<!tpu.dma_semaphore, #tpu.memory_space<semaphore_mem>>) src(%dma_wait3A_670 : memref<?xf32, #tpu.memory_space<vmem>>) dst(%dma_wait3A_663 : memref<?xf32, #tpu.memory_space<vmem_shared>>)
      tpu.yield
    }) : () -> ()
    %dma_start3A_361 = arith.constant 0 : i32
    %dma_start3A_362 = arith.constant 0 : i32
    %dma_start3A_363 = arith.constant 0 : i32
    %dma_start3A_364 = tpu.memref_slice %arg8[%dma_start3A_361, %dma_start3A_362, %dma_start3A_363] <%select_n3A_38> : memref<2x8x3200xf32, #tpu.memory_space<vmem>> -> memref<1x8x?xf32, #tpu.memory_space<vmem>>
    %dma_start3A_365 = tpu.memref_squeeze %dma_start3A_364 : memref<1x8x?xf32, #tpu.memory_space<vmem>> -> memref<8x?xf32, #tpu.memory_space<vmem>>
    %dma_start3A_366 = arith.constant 120 : i32
    %dma_start3A_367 = tpu.memref_slice %arg3[%dma_start3A_366, %add3A_53] <%select_n3A_38> : memref<136x100000xf32, #tpu.memory_space<hbm>> -> memref<8x?xf32, #tpu.memory_space<hbm>>
    %dma_start3A_368 = arith.constant 0 : i32
    %dma_start3A_369 = arith.constant 0 : i32
    %dma_start3A_370 = tpu.memref_slice %arg8[%dma_start3A_361, %dma_start3A_368, %dma_start3A_369] <%select_n3A_38> : memref<2x8x3200xf32, #tpu.memory_space<vmem>> -> memref<1x8x?xf32, #tpu.memory_space<vmem>>
    %dma_start3A_371 = tpu.memref_squeeze %dma_start3A_370 : memref<1x8x?xf32, #tpu.memory_space<vmem>> -> memref<8x?xf32, #tpu.memory_space<vmem>>
    %dma_start3A_372 = arith.constant 120 : i32
    %dma_start3A_373 = tpu.memref_slice %arg3[%dma_start3A_372, %add3A_53] <%select_n3A_38> : memref<136x100000xf32, #tpu.memory_space<hbm>> -> memref<8x?xf32, #tpu.memory_space<hbm>>
    tpu.enqueue_dma source(%dma_start3A_373 : memref<8x?xf32, #tpu.memory_space<hbm>>) target(%dma_start3A_371 : memref<8x?xf32, #tpu.memory_space<vmem>>) target_semaphore(%arg18 : memref<!tpu.dma_semaphore, #tpu.memory_space<semaphore_mem>>)
    %dma_wait3A_374 = arith.constant 1 : i32
    %dma_wait3A_375 = arith.constant 0 : i32
    %dma_wait3A_376 = arith.constant 0 : i32
    %dma_wait3A_377 = tpu.memref_slice %arg8[%dma_wait3A_374, %dma_wait3A_375, %dma_wait3A_376] <%sub3A_39> : memref<2x8x3200xf32, #tpu.memory_space<vmem>> -> memref<1x8x?xf32, #tpu.memory_space<vmem>>
    %dma_wait3A_378 = tpu.memref_squeeze %dma_wait3A_377 : memref<1x8x?xf32, #tpu.memory_space<vmem>> -> memref<8x?xf32, #tpu.memory_space<vmem>>
    %dma_wait3A_379 = arith.constant 128 : i32
    %dma_wait3A_380 = tpu.memref_slice %arg3[%dma_wait3A_379, %add3A_51] <%sub3A_39> : memref<136x100000xf32, #tpu.memory_space<hbm>> -> memref<8x?xf32, #tpu.memory_space<hbm>>
    %dma_wait3A_381 = arith.constant 0 : i32
    %dma_wait3A_382 = arith.constant 0 : i32
    %dma_wait3A_383 = tpu.memref_slice %arg8[%dma_wait3A_374, %dma_wait3A_381, %dma_wait3A_382] <%sub3A_39> : memref<2x8x3200xf32, #tpu.memory_space<vmem>> -> memref<1x8x?xf32, #tpu.memory_space<vmem>>
    %dma_wait3A_384 = tpu.memref_squeeze %dma_wait3A_383 : memref<1x8x?xf32, #tpu.memory_space<vmem>> -> memref<8x?xf32, #tpu.memory_space<vmem>>
    %dma_wait3A_385 = arith.constant 128 : i32
    %dma_wait3A_386 = tpu.memref_slice %arg3[%dma_wait3A_385, %add3A_51] <%sub3A_39> : memref<136x100000xf32, #tpu.memory_space<hbm>> -> memref<8x?xf32, #tpu.memory_space<hbm>>
    tpu.wait_dma2 semaphore(%arg19 : memref<!tpu.dma_semaphore, #tpu.memory_space<semaphore_mem>>) src(%dma_wait3A_386 : memref<8x?xf32, #tpu.memory_space<hbm>>) dst(%dma_wait3A_384 : memref<8x?xf32, #tpu.memory_space<vmem>>)
    %add3A_387 = arith.constant 400384 : i32
    %add3A_388 = arith.addi %add3A_387, %select_n3A : i32
    %add3A_389 = arith.addi %add3A_388, %select_n3A_38 : i32
    %run_scoped3A_390 = arith.constant 1 : i32
    %run_scoped3A_391 = arith.constant 0 : i32
    "tpu.region"() ({
      %run_scoped3A_638 = tpu.sem_alloc : memref<!tpu.dma_semaphore, #tpu.memory_space<semaphore_mem>>
      %dma_start3A_639 = arith.constant 0 : i32
      %dma_start3A_640 = arith.constant 0 : i32
      %dma_start3A_641 = tpu.memref_slice %arg8[%run_scoped3A_390, %dma_start3A_639, %dma_start3A_640] : memref<2x8x3200xf32, #tpu.memory_space<vmem>> -> memref<1x8x3200xf32, #tpu.memory_space<vmem>>
      %dma_start3A_642 = tpu.memref_squeeze %dma_start3A_641 : memref<1x8x3200xf32, #tpu.memory_space<vmem>> -> memref<8x3200xf32, #tpu.memory_space<vmem>>
      %dma_start3A_643 = arith.constant 0 : i32
      %dma_start3A_644 = tpu.memref_slice %dma_start3A_642[%run_scoped3A_391, %dma_start3A_643] <%sub3A_39> : memref<8x3200xf32, #tpu.memory_space<vmem>> -> memref<1x?xf32, #tpu.memory_space<vmem>>
      %dma_start3A_645 = tpu.memref_squeeze %dma_start3A_644 : memref<1x?xf32, #tpu.memory_space<vmem>> -> memref<?xf32, #tpu.memory_space<vmem>>
      %dma_start3A_646 = tpu.memref_slice %arg16[%add3A_389] <%sub3A_39> : memref<500480xf32, #tpu.memory_space<vmem_shared>> -> memref<?xf32, #tpu.memory_space<vmem_shared>>
      %dma_start3A_647 = tpu.memref_slice %arg16[%add3A_389] <%sub3A_39> : memref<500480xf32, #tpu.memory_space<vmem_shared>> -> memref<?xf32, #tpu.memory_space<vmem_shared>>
      %dma_start3A_648 = arith.constant 0 : i32
      %dma_start3A_649 = arith.constant 0 : i32
      %dma_start3A_650 = tpu.memref_slice %arg8[%run_scoped3A_390, %dma_start3A_648, %dma_start3A_649] : memref<2x8x3200xf32, #tpu.memory_space<vmem>> -> memref<1x8x3200xf32, #tpu.memory_space<vmem>>
      %dma_start3A_651 = tpu.memref_squeeze %dma_start3A_650 : memref<1x8x3200xf32, #tpu.memory_space<vmem>> -> memref<8x3200xf32, #tpu.memory_space<vmem>>
      %dma_start3A_652 = arith.constant 0 : i32
      %dma_start3A_653 = tpu.memref_slice %dma_start3A_651[%run_scoped3A_391, %dma_start3A_652] <%sub3A_39> : memref<8x3200xf32, #tpu.memory_space<vmem>> -> memref<1x?xf32, #tpu.memory_space<vmem>>
      %dma_start3A_654 = tpu.memref_squeeze %dma_start3A_653 : memref<1x?xf32, #tpu.memory_space<vmem>> -> memref<?xf32, #tpu.memory_space<vmem>>
      tpu.enqueue_dma source(%dma_start3A_654 : memref<?xf32, #tpu.memory_space<vmem>>) target(%dma_start3A_647 : memref<?xf32, #tpu.memory_space<vmem_shared>>) target_semaphore(%run_scoped3A_638 : memref<!tpu.dma_semaphore, #tpu.memory_space<semaphore_mem>>)
      %dma_wait3A_655 = arith.constant 0 : i32
      %dma_wait3A_656 = arith.constant 0 : i32
      %dma_wait3A_657 = tpu.memref_slice %arg8[%run_scoped3A_390, %dma_wait3A_655, %dma_wait3A_656] : memref<2x8x3200xf32, #tpu.memory_space<vmem>> -> memref<1x8x3200xf32, #tpu.memory_space<vmem>>
      %dma_wait3A_658 = tpu.memref_squeeze %dma_wait3A_657 : memref<1x8x3200xf32, #tpu.memory_space<vmem>> -> memref<8x3200xf32, #tpu.memory_space<vmem>>
      %dma_wait3A_659 = arith.constant 0 : i32
      %dma_wait3A_660 = tpu.memref_slice %dma_wait3A_658[%run_scoped3A_391, %dma_wait3A_659] <%sub3A_39> : memref<8x3200xf32, #tpu.memory_space<vmem>> -> memref<1x?xf32, #tpu.memory_space<vmem>>
      %dma_wait3A_661 = tpu.memref_squeeze %dma_wait3A_660 : memref<1x?xf32, #tpu.memory_space<vmem>> -> memref<?xf32, #tpu.memory_space<vmem>>
      %dma_wait3A_662 = tpu.memref_slice %arg16[%add3A_389] <%sub3A_39> : memref<500480xf32, #tpu.memory_space<vmem_shared>> -> memref<?xf32, #tpu.memory_space<vmem_shared>>
      %dma_wait3A_663 = tpu.memref_slice %arg16[%add3A_389] <%sub3A_39> : memref<500480xf32, #tpu.memory_space<vmem_shared>> -> memref<?xf32, #tpu.memory_space<vmem_shared>>
      %dma_wait3A_664 = arith.constant 0 : i32
      %dma_wait3A_665 = arith.constant 0 : i32
      %dma_wait3A_666 = tpu.memref_slice %arg8[%run_scoped3A_390, %dma_wait3A_664, %dma_wait3A_665] : memref<2x8x3200xf32, #tpu.memory_space<vmem>> -> memref<1x8x3200xf32, #tpu.memory_space<vmem>>
      %dma_wait3A_667 = tpu.memref_squeeze %dma_wait3A_666 : memref<1x8x3200xf32, #tpu.memory_space<vmem>> -> memref<8x3200xf32, #tpu.memory_space<vmem>>
      %dma_wait3A_668 = arith.constant 0 : i32
      %dma_wait3A_669 = tpu.memref_slice %dma_wait3A_667[%run_scoped3A_391, %dma_wait3A_668] <%sub3A_39> : memref<8x3200xf32, #tpu.memory_space<vmem>> -> memref<1x?xf32, #tpu.memory_space<vmem>>
      %dma_wait3A_670 = tpu.memref_squeeze %dma_wait3A_669 : memref<1x?xf32, #tpu.memory_space<vmem>> -> memref<?xf32, #tpu.memory_space<vmem>>
      tpu.wait_dma2 semaphore(%run_scoped3A_638 : memref<!tpu.dma_semaphore, #tpu.memory_space<semaphore_mem>>) src(%dma_wait3A_670 : memref<?xf32, #tpu.memory_space<vmem>>) dst(%dma_wait3A_663 : memref<?xf32, #tpu.memory_space<vmem_shared>>)
      tpu.yield
    }) : () -> ()
    %add3A_392 = arith.constant 200192 : i32
    %add3A_393 = arith.addi %add3A_392, %select_n3A : i32
    %add3A_394 = arith.addi %add3A_393, %select_n3A_38 : i32
    %run_scoped3A_395 = arith.constant 1 : i32
    %run_scoped3A_396 = arith.constant 1 : i32
    "tpu.region"() ({
      %run_scoped3A_638 = tpu.sem_alloc : memref<!tpu.dma_semaphore, #tpu.memory_space<semaphore_mem>>
      %dma_start3A_639 = arith.constant 0 : i32
      %dma_start3A_640 = arith.constant 0 : i32
      %dma_start3A_641 = tpu.memref_slice %arg8[%run_scoped3A_395, %dma_start3A_639, %dma_start3A_640] : memref<2x8x3200xf32, #tpu.memory_space<vmem>> -> memref<1x8x3200xf32, #tpu.memory_space<vmem>>
      %dma_start3A_642 = tpu.memref_squeeze %dma_start3A_641 : memref<1x8x3200xf32, #tpu.memory_space<vmem>> -> memref<8x3200xf32, #tpu.memory_space<vmem>>
      %dma_start3A_643 = arith.constant 0 : i32
      %dma_start3A_644 = tpu.memref_slice %dma_start3A_642[%run_scoped3A_396, %dma_start3A_643] <%sub3A_39> : memref<8x3200xf32, #tpu.memory_space<vmem>> -> memref<1x?xf32, #tpu.memory_space<vmem>>
      %dma_start3A_645 = tpu.memref_squeeze %dma_start3A_644 : memref<1x?xf32, #tpu.memory_space<vmem>> -> memref<?xf32, #tpu.memory_space<vmem>>
      %dma_start3A_646 = tpu.memref_slice %arg16[%add3A_394] <%sub3A_39> : memref<500480xf32, #tpu.memory_space<vmem_shared>> -> memref<?xf32, #tpu.memory_space<vmem_shared>>
      %dma_start3A_647 = tpu.memref_slice %arg16[%add3A_394] <%sub3A_39> : memref<500480xf32, #tpu.memory_space<vmem_shared>> -> memref<?xf32, #tpu.memory_space<vmem_shared>>
      %dma_start3A_648 = arith.constant 0 : i32
      %dma_start3A_649 = arith.constant 0 : i32
      %dma_start3A_650 = tpu.memref_slice %arg8[%run_scoped3A_395, %dma_start3A_648, %dma_start3A_649] : memref<2x8x3200xf32, #tpu.memory_space<vmem>> -> memref<1x8x3200xf32, #tpu.memory_space<vmem>>
      %dma_start3A_651 = tpu.memref_squeeze %dma_start3A_650 : memref<1x8x3200xf32, #tpu.memory_space<vmem>> -> memref<8x3200xf32, #tpu.memory_space<vmem>>
      %dma_start3A_652 = arith.constant 0 : i32
      %dma_start3A_653 = tpu.memref_slice %dma_start3A_651[%run_scoped3A_396, %dma_start3A_652] <%sub3A_39> : memref<8x3200xf32, #tpu.memory_space<vmem>> -> memref<1x?xf32, #tpu.memory_space<vmem>>
      %dma_start3A_654 = tpu.memref_squeeze %dma_start3A_653 : memref<1x?xf32, #tpu.memory_space<vmem>> -> memref<?xf32, #tpu.memory_space<vmem>>
      tpu.enqueue_dma source(%dma_start3A_654 : memref<?xf32, #tpu.memory_space<vmem>>) target(%dma_start3A_647 : memref<?xf32, #tpu.memory_space<vmem_shared>>) target_semaphore(%run_scoped3A_638 : memref<!tpu.dma_semaphore, #tpu.memory_space<semaphore_mem>>)
      %dma_wait3A_655 = arith.constant 0 : i32
      %dma_wait3A_656 = arith.constant 0 : i32
      %dma_wait3A_657 = tpu.memref_slice %arg8[%run_scoped3A_395, %dma_wait3A_655, %dma_wait3A_656] : memref<2x8x3200xf32, #tpu.memory_space<vmem>> -> memref<1x8x3200xf32, #tpu.memory_space<vmem>>
      %dma_wait3A_658 = tpu.memref_squeeze %dma_wait3A_657 : memref<1x8x3200xf32, #tpu.memory_space<vmem>> -> memref<8x3200xf32, #tpu.memory_space<vmem>>
      %dma_wait3A_659 = arith.constant 0 : i32
      %dma_wait3A_660 = tpu.memref_slice %dma_wait3A_658[%run_scoped3A_396, %dma_wait3A_659] <%sub3A_39> : memref<8x3200xf32, #tpu.memory_space<vmem>> -> memref<1x?xf32, #tpu.memory_space<vmem>>
      %dma_wait3A_661 = tpu.memref_squeeze %dma_wait3A_660 : memref<1x?xf32, #tpu.memory_space<vmem>> -> memref<?xf32, #tpu.memory_space<vmem>>
      %dma_wait3A_662 = tpu.memref_slice %arg16[%add3A_394] <%sub3A_39> : memref<500480xf32, #tpu.memory_space<vmem_shared>> -> memref<?xf32, #tpu.memory_space<vmem_shared>>
      %dma_wait3A_663 = tpu.memref_slice %arg16[%add3A_394] <%sub3A_39> : memref<500480xf32, #tpu.memory_space<vmem_shared>> -> memref<?xf32, #tpu.memory_space<vmem_shared>>
      %dma_wait3A_664 = arith.constant 0 : i32
      %dma_wait3A_665 = arith.constant 0 : i32
      %dma_wait3A_666 = tpu.memref_slice %arg8[%run_scoped3A_395, %dma_wait3A_664, %dma_wait3A_665] : memref<2x8x3200xf32, #tpu.memory_space<vmem>> -> memref<1x8x3200xf32, #tpu.memory_space<vmem>>
      %dma_wait3A_667 = tpu.memref_squeeze %dma_wait3A_666 : memref<1x8x3200xf32, #tpu.memory_space<vmem>> -> memref<8x3200xf32, #tpu.memory_space<vmem>>
      %dma_wait3A_668 = arith.constant 0 : i32
      %dma_wait3A_669 = tpu.memref_slice %dma_wait3A_667[%run_scoped3A_396, %dma_wait3A_668] <%sub3A_39> : memref<8x3200xf32, #tpu.memory_space<vmem>> -> memref<1x?xf32, #tpu.memory_space<vmem>>
      %dma_wait3A_670 = tpu.memref_squeeze %dma_wait3A_669 : memref<1x?xf32, #tpu.memory_space<vmem>> -> memref<?xf32, #tpu.memory_space<vmem>>
      tpu.wait_dma2 semaphore(%run_scoped3A_638 : memref<!tpu.dma_semaphore, #tpu.memory_space<semaphore_mem>>) src(%dma_wait3A_670 : memref<?xf32, #tpu.memory_space<vmem>>) dst(%dma_wait3A_663 : memref<?xf32, #tpu.memory_space<vmem_shared>>)
      tpu.yield
    }) : () -> ()
    %dma_start3A_397 = arith.constant 1 : i32
    %dma_start3A_398 = arith.constant 0 : i32
    %dma_start3A_399 = arith.constant 0 : i32
    %dma_start3A_400 = tpu.memref_slice %arg8[%dma_start3A_397, %dma_start3A_398, %dma_start3A_399] <%sub3A_39> : memref<2x8x3200xf32, #tpu.memory_space<vmem>> -> memref<1x8x?xf32, #tpu.memory_space<vmem>>
    %dma_start3A_401 = tpu.memref_squeeze %dma_start3A_400 : memref<1x8x?xf32, #tpu.memory_space<vmem>> -> memref<8x?xf32, #tpu.memory_space<vmem>>
    %dma_start3A_402 = arith.constant 120 : i32
    %dma_start3A_403 = tpu.memref_slice %arg3[%dma_start3A_402, %add3A_54] <%sub3A_39> : memref<136x100000xf32, #tpu.memory_space<hbm>> -> memref<8x?xf32, #tpu.memory_space<hbm>>
    %dma_start3A_404 = arith.constant 0 : i32
    %dma_start3A_405 = arith.constant 0 : i32
    %dma_start3A_406 = tpu.memref_slice %arg8[%dma_start3A_397, %dma_start3A_404, %dma_start3A_405] <%sub3A_39> : memref<2x8x3200xf32, #tpu.memory_space<vmem>> -> memref<1x8x?xf32, #tpu.memory_space<vmem>>
    %dma_start3A_407 = tpu.memref_squeeze %dma_start3A_406 : memref<1x8x?xf32, #tpu.memory_space<vmem>> -> memref<8x?xf32, #tpu.memory_space<vmem>>
    %dma_start3A_408 = arith.constant 120 : i32
    %dma_start3A_409 = tpu.memref_slice %arg3[%dma_start3A_408, %add3A_54] <%sub3A_39> : memref<136x100000xf32, #tpu.memory_space<hbm>> -> memref<8x?xf32, #tpu.memory_space<hbm>>
    tpu.enqueue_dma source(%dma_start3A_409 : memref<8x?xf32, #tpu.memory_space<hbm>>) target(%dma_start3A_407 : memref<8x?xf32, #tpu.memory_space<vmem>>) target_semaphore(%arg19 : memref<!tpu.dma_semaphore, #tpu.memory_space<semaphore_mem>>)
    %dma_wait3A_410 = arith.constant 0 : i32
    %dma_wait3A_411 = arith.constant 0 : i32
    %dma_wait3A_412 = arith.constant 0 : i32
    %dma_wait3A_413 = tpu.memref_slice %arg8[%dma_wait3A_410, %dma_wait3A_411, %dma_wait3A_412] <%select_n3A_38> : memref<2x8x3200xf32, #tpu.memory_space<vmem>> -> memref<1x8x?xf32, #tpu.memory_space<vmem>>
    %dma_wait3A_414 = tpu.memref_squeeze %dma_wait3A_413 : memref<1x8x?xf32, #tpu.memory_space<vmem>> -> memref<8x?xf32, #tpu.memory_space<vmem>>
    %dma_wait3A_415 = arith.constant 120 : i32
    %dma_wait3A_416 = tpu.memref_slice %arg3[%dma_wait3A_415, %add3A_53] <%select_n3A_38> : memref<136x100000xf32, #tpu.memory_space<hbm>> -> memref<8x?xf32, #tpu.memory_space<hbm>>
    %dma_wait3A_417 = arith.constant 0 : i32
    %dma_wait3A_418 = arith.constant 0 : i32
    %dma_wait3A_419 = tpu.memref_slice %arg8[%dma_wait3A_410, %dma_wait3A_417, %dma_wait3A_418] <%select_n3A_38> : memref<2x8x3200xf32, #tpu.memory_space<vmem>> -> memref<1x8x?xf32, #tpu.memory_space<vmem>>
    %dma_wait3A_420 = tpu.memref_squeeze %dma_wait3A_419 : memref<1x8x?xf32, #tpu.memory_space<vmem>> -> memref<8x?xf32, #tpu.memory_space<vmem>>
    %dma_wait3A_421 = arith.constant 120 : i32
    %dma_wait3A_422 = tpu.memref_slice %arg3[%dma_wait3A_421, %add3A_53] <%select_n3A_38> : memref<136x100000xf32, #tpu.memory_space<hbm>> -> memref<8x?xf32, #tpu.memory_space<hbm>>
    tpu.wait_dma2 semaphore(%arg18 : memref<!tpu.dma_semaphore, #tpu.memory_space<semaphore_mem>>) src(%dma_wait3A_422 : memref<8x?xf32, #tpu.memory_space<hbm>>) dst(%dma_wait3A_420 : memref<8x?xf32, #tpu.memory_space<vmem>>)
    %add3A_423 = arith.constant 300288 : i32
    %add3A_424 = arith.addi %add3A_423, %select_n3A : i32
    %add3A_425 = arith.constant 0 : i32
    %add3A_426 = arith.addi %add3A_424, %add3A_425 : i32
    %run_scoped3A_427 = arith.constant 0 : i32
    %run_scoped3A_428 = arith.constant 7 : i32
    "tpu.region"() ({
      %run_scoped3A_638 = tpu.sem_alloc : memref<!tpu.dma_semaphore, #tpu.memory_space<semaphore_mem>>
      %dma_start3A_639 = arith.constant 0 : i32
      %dma_start3A_640 = arith.constant 0 : i32
      %dma_start3A_641 = tpu.memref_slice %arg8[%run_scoped3A_427, %dma_start3A_639, %dma_start3A_640] : memref<2x8x3200xf32, #tpu.memory_space<vmem>> -> memref<1x8x3200xf32, #tpu.memory_space<vmem>>
      %dma_start3A_642 = tpu.memref_squeeze %dma_start3A_641 : memref<1x8x3200xf32, #tpu.memory_space<vmem>> -> memref<8x3200xf32, #tpu.memory_space<vmem>>
      %dma_start3A_643 = arith.constant 0 : i32
      %dma_start3A_644 = tpu.memref_slice %dma_start3A_642[%run_scoped3A_428, %dma_start3A_643] <%select_n3A_38> : memref<8x3200xf32, #tpu.memory_space<vmem>> -> memref<1x?xf32, #tpu.memory_space<vmem>>
      %dma_start3A_645 = tpu.memref_squeeze %dma_start3A_644 : memref<1x?xf32, #tpu.memory_space<vmem>> -> memref<?xf32, #tpu.memory_space<vmem>>
      %dma_start3A_646 = tpu.memref_slice %arg16[%add3A_426] <%select_n3A_38> : memref<500480xf32, #tpu.memory_space<vmem_shared>> -> memref<?xf32, #tpu.memory_space<vmem_shared>>
      %dma_start3A_647 = tpu.memref_slice %arg16[%add3A_426] <%select_n3A_38> : memref<500480xf32, #tpu.memory_space<vmem_shared>> -> memref<?xf32, #tpu.memory_space<vmem_shared>>
      %dma_start3A_648 = arith.constant 0 : i32
      %dma_start3A_649 = arith.constant 0 : i32
      %dma_start3A_650 = tpu.memref_slice %arg8[%run_scoped3A_427, %dma_start3A_648, %dma_start3A_649] : memref<2x8x3200xf32, #tpu.memory_space<vmem>> -> memref<1x8x3200xf32, #tpu.memory_space<vmem>>
      %dma_start3A_651 = tpu.memref_squeeze %dma_start3A_650 : memref<1x8x3200xf32, #tpu.memory_space<vmem>> -> memref<8x3200xf32, #tpu.memory_space<vmem>>
      %dma_start3A_652 = arith.constant 0 : i32
      %dma_start3A_653 = tpu.memref_slice %dma_start3A_651[%run_scoped3A_428, %dma_start3A_652] <%select_n3A_38> : memref<8x3200xf32, #tpu.memory_space<vmem>> -> memref<1x?xf32, #tpu.memory_space<vmem>>
      %dma_start3A_654 = tpu.memref_squeeze %dma_start3A_653 : memref<1x?xf32, #tpu.memory_space<vmem>> -> memref<?xf32, #tpu.memory_space<vmem>>
      tpu.enqueue_dma source(%dma_start3A_654 : memref<?xf32, #tpu.memory_space<vmem>>) target(%dma_start3A_647 : memref<?xf32, #tpu.memory_space<vmem_shared>>) target_semaphore(%run_scoped3A_638 : memref<!tpu.dma_semaphore, #tpu.memory_space<semaphore_mem>>)
      %dma_wait3A_655 = arith.constant 0 : i32
      %dma_wait3A_656 = arith.constant 0 : i32
      %dma_wait3A_657 = tpu.memref_slice %arg8[%run_scoped3A_427, %dma_wait3A_655, %dma_wait3A_656] : memref<2x8x3200xf32, #tpu.memory_space<vmem>> -> memref<1x8x3200xf32, #tpu.memory_space<vmem>>
      %dma_wait3A_658 = tpu.memref_squeeze %dma_wait3A_657 : memref<1x8x3200xf32, #tpu.memory_space<vmem>> -> memref<8x3200xf32, #tpu.memory_space<vmem>>
      %dma_wait3A_659 = arith.constant 0 : i32
      %dma_wait3A_660 = tpu.memref_slice %dma_wait3A_658[%run_scoped3A_428, %dma_wait3A_659] <%select_n3A_38> : memref<8x3200xf32, #tpu.memory_space<vmem>> -> memref<1x?xf32, #tpu.memory_space<vmem>>
      %dma_wait3A_661 = tpu.memref_squeeze %dma_wait3A_660 : memref<1x?xf32, #tpu.memory_space<vmem>> -> memref<?xf32, #tpu.memory_space<vmem>>
      %dma_wait3A_662 = tpu.memref_slice %arg16[%add3A_426] <%select_n3A_38> : memref<500480xf32, #tpu.memory_space<vmem_shared>> -> memref<?xf32, #tpu.memory_space<vmem_shared>>
      %dma_wait3A_663 = tpu.memref_slice %arg16[%add3A_426] <%select_n3A_38> : memref<500480xf32, #tpu.memory_space<vmem_shared>> -> memref<?xf32, #tpu.memory_space<vmem_shared>>
      %dma_wait3A_664 = arith.constant 0 : i32
      %dma_wait3A_665 = arith.constant 0 : i32
      %dma_wait3A_666 = tpu.memref_slice %arg8[%run_scoped3A_427, %dma_wait3A_664, %dma_wait3A_665] : memref<2x8x3200xf32, #tpu.memory_space<vmem>> -> memref<1x8x3200xf32, #tpu.memory_space<vmem>>
      %dma_wait3A_667 = tpu.memref_squeeze %dma_wait3A_666 : memref<1x8x3200xf32, #tpu.memory_space<vmem>> -> memref<8x3200xf32, #tpu.memory_space<vmem>>
      %dma_wait3A_668 = arith.constant 0 : i32
      %dma_wait3A_669 = tpu.memref_slice %dma_wait3A_667[%run_scoped3A_428, %dma_wait3A_668] <%select_n3A_38> : memref<8x3200xf32, #tpu.memory_space<vmem>> -> memref<1x?xf32, #tpu.memory_space<vmem>>
      %dma_wait3A_670 = tpu.memref_squeeze %dma_wait3A_669 : memref<1x?xf32, #tpu.memory_space<vmem>> -> memref<?xf32, #tpu.memory_space<vmem>>
      tpu.wait_dma2 semaphore(%run_scoped3A_638 : memref<!tpu.dma_semaphore, #tpu.memory_space<semaphore_mem>>) src(%dma_wait3A_670 : memref<?xf32, #tpu.memory_space<vmem>>) dst(%dma_wait3A_663 : memref<?xf32, #tpu.memory_space<vmem_shared>>)
      tpu.yield
    }) : () -> ()
    %dma_wait3A_429 = arith.constant 1 : i32
    %dma_wait3A_430 = arith.constant 0 : i32
    %dma_wait3A_431 = arith.constant 0 : i32
    %dma_wait3A_432 = tpu.memref_slice %arg8[%dma_wait3A_429, %dma_wait3A_430, %dma_wait3A_431] <%sub3A_39> : memref<2x8x3200xf32, #tpu.memory_space<vmem>> -> memref<1x8x?xf32, #tpu.memory_space<vmem>>
    %dma_wait3A_433 = tpu.memref_squeeze %dma_wait3A_432 : memref<1x8x?xf32, #tpu.memory_space<vmem>> -> memref<8x?xf32, #tpu.memory_space<vmem>>
    %dma_wait3A_434 = arith.constant 120 : i32
    %dma_wait3A_435 = tpu.memref_slice %arg3[%dma_wait3A_434, %add3A_54] <%sub3A_39> : memref<136x100000xf32, #tpu.memory_space<hbm>> -> memref<8x?xf32, #tpu.memory_space<hbm>>
    %dma_wait3A_436 = arith.constant 0 : i32
    %dma_wait3A_437 = arith.constant 0 : i32
    %dma_wait3A_438 = tpu.memref_slice %arg8[%dma_wait3A_429, %dma_wait3A_436, %dma_wait3A_437] <%sub3A_39> : memref<2x8x3200xf32, #tpu.memory_space<vmem>> -> memref<1x8x?xf32, #tpu.memory_space<vmem>>
    %dma_wait3A_439 = tpu.memref_squeeze %dma_wait3A_438 : memref<1x8x?xf32, #tpu.memory_space<vmem>> -> memref<8x?xf32, #tpu.memory_space<vmem>>
    %dma_wait3A_440 = arith.constant 120 : i32
    %dma_wait3A_441 = tpu.memref_slice %arg3[%dma_wait3A_440, %add3A_54] <%sub3A_39> : memref<136x100000xf32, #tpu.memory_space<hbm>> -> memref<8x?xf32, #tpu.memory_space<hbm>>
    tpu.wait_dma2 semaphore(%arg19 : memref<!tpu.dma_semaphore, #tpu.memory_space<semaphore_mem>>) src(%dma_wait3A_441 : memref<8x?xf32, #tpu.memory_space<hbm>>) dst(%dma_wait3A_439 : memref<8x?xf32, #tpu.memory_space<vmem>>)
    %add3A_442 = arith.constant 300288 : i32
    %add3A_443 = arith.addi %add3A_442, %select_n3A : i32
    %add3A_444 = arith.addi %add3A_443, %select_n3A_38 : i32
    %run_scoped3A_445 = arith.constant 1 : i32
    %run_scoped3A_446 = arith.constant 7 : i32
    "tpu.region"() ({
      %run_scoped3A_638 = tpu.sem_alloc : memref<!tpu.dma_semaphore, #tpu.memory_space<semaphore_mem>>
      %dma_start3A_639 = arith.constant 0 : i32
      %dma_start3A_640 = arith.constant 0 : i32
      %dma_start3A_641 = tpu.memref_slice %arg8[%run_scoped3A_445, %dma_start3A_639, %dma_start3A_640] : memref<2x8x3200xf32, #tpu.memory_space<vmem>> -> memref<1x8x3200xf32, #tpu.memory_space<vmem>>
      %dma_start3A_642 = tpu.memref_squeeze %dma_start3A_641 : memref<1x8x3200xf32, #tpu.memory_space<vmem>> -> memref<8x3200xf32, #tpu.memory_space<vmem>>
      %dma_start3A_643 = arith.constant 0 : i32
      %dma_start3A_644 = tpu.memref_slice %dma_start3A_642[%run_scoped3A_446, %dma_start3A_643] <%sub3A_39> : memref<8x3200xf32, #tpu.memory_space<vmem>> -> memref<1x?xf32, #tpu.memory_space<vmem>>
      %dma_start3A_645 = tpu.memref_squeeze %dma_start3A_644 : memref<1x?xf32, #tpu.memory_space<vmem>> -> memref<?xf32, #tpu.memory_space<vmem>>
      %dma_start3A_646 = tpu.memref_slice %arg16[%add3A_444] <%sub3A_39> : memref<500480xf32, #tpu.memory_space<vmem_shared>> -> memref<?xf32, #tpu.memory_space<vmem_shared>>
      %dma_start3A_647 = tpu.memref_slice %arg16[%add3A_444] <%sub3A_39> : memref<500480xf32, #tpu.memory_space<vmem_shared>> -> memref<?xf32, #tpu.memory_space<vmem_shared>>
      %dma_start3A_648 = arith.constant 0 : i32
      %dma_start3A_649 = arith.constant 0 : i32
      %dma_start3A_650 = tpu.memref_slice %arg8[%run_scoped3A_445, %dma_start3A_648, %dma_start3A_649] : memref<2x8x3200xf32, #tpu.memory_space<vmem>> -> memref<1x8x3200xf32, #tpu.memory_space<vmem>>
      %dma_start3A_651 = tpu.memref_squeeze %dma_start3A_650 : memref<1x8x3200xf32, #tpu.memory_space<vmem>> -> memref<8x3200xf32, #tpu.memory_space<vmem>>
      %dma_start3A_652 = arith.constant 0 : i32
      %dma_start3A_653 = tpu.memref_slice %dma_start3A_651[%run_scoped3A_446, %dma_start3A_652] <%sub3A_39> : memref<8x3200xf32, #tpu.memory_space<vmem>> -> memref<1x?xf32, #tpu.memory_space<vmem>>
      %dma_start3A_654 = tpu.memref_squeeze %dma_start3A_653 : memref<1x?xf32, #tpu.memory_space<vmem>> -> memref<?xf32, #tpu.memory_space<vmem>>
      tpu.enqueue_dma source(%dma_start3A_654 : memref<?xf32, #tpu.memory_space<vmem>>) target(%dma_start3A_647 : memref<?xf32, #tpu.memory_space<vmem_shared>>) target_semaphore(%run_scoped3A_638 : memref<!tpu.dma_semaphore, #tpu.memory_space<semaphore_mem>>)
      %dma_wait3A_655 = arith.constant 0 : i32
      %dma_wait3A_656 = arith.constant 0 : i32
      %dma_wait3A_657 = tpu.memref_slice %arg8[%run_scoped3A_445, %dma_wait3A_655, %dma_wait3A_656] : memref<2x8x3200xf32, #tpu.memory_space<vmem>> -> memref<1x8x3200xf32, #tpu.memory_space<vmem>>
      %dma_wait3A_658 = tpu.memref_squeeze %dma_wait3A_657 : memref<1x8x3200xf32, #tpu.memory_space<vmem>> -> memref<8x3200xf32, #tpu.memory_space<vmem>>
      %dma_wait3A_659 = arith.constant 0 : i32
      %dma_wait3A_660 = tpu.memref_slice %dma_wait3A_658[%run_scoped3A_446, %dma_wait3A_659] <%sub3A_39> : memref<8x3200xf32, #tpu.memory_space<vmem>> -> memref<1x?xf32, #tpu.memory_space<vmem>>
      %dma_wait3A_661 = tpu.memref_squeeze %dma_wait3A_660 : memref<1x?xf32, #tpu.memory_space<vmem>> -> memref<?xf32, #tpu.memory_space<vmem>>
      %dma_wait3A_662 = tpu.memref_slice %arg16[%add3A_444] <%sub3A_39> : memref<500480xf32, #tpu.memory_space<vmem_shared>> -> memref<?xf32, #tpu.memory_space<vmem_shared>>
      %dma_wait3A_663 = tpu.memref_slice %arg16[%add3A_444] <%sub3A_39> : memref<500480xf32, #tpu.memory_space<vmem_shared>> -> memref<?xf32, #tpu.memory_space<vmem_shared>>
      %dma_wait3A_664 = arith.constant 0 : i32
      %dma_wait3A_665 = arith.constant 0 : i32
      %dma_wait3A_666 = tpu.memref_slice %arg8[%run_scoped3A_445, %dma_wait3A_664, %dma_wait3A_665] : memref<2x8x3200xf32, #tpu.memory_space<vmem>> -> memref<1x8x3200xf32, #tpu.memory_space<vmem>>
      %dma_wait3A_667 = tpu.memref_squeeze %dma_wait3A_666 : memref<1x8x3200xf32, #tpu.memory_space<vmem>> -> memref<8x3200xf32, #tpu.memory_space<vmem>>
      %dma_wait3A_668 = arith.constant 0 : i32
      %dma_wait3A_669 = tpu.memref_slice %dma_wait3A_667[%run_scoped3A_446, %dma_wait3A_668] <%sub3A_39> : memref<8x3200xf32, #tpu.memory_space<vmem>> -> memref<1x?xf32, #tpu.memory_space<vmem>>
      %dma_wait3A_670 = tpu.memref_squeeze %dma_wait3A_669 : memref<1x?xf32, #tpu.memory_space<vmem>> -> memref<?xf32, #tpu.memory_space<vmem>>
      tpu.wait_dma2 semaphore(%run_scoped3A_638 : memref<!tpu.dma_semaphore, #tpu.memory_space<semaphore_mem>>) src(%dma_wait3A_670 : memref<?xf32, #tpu.memory_space<vmem>>) dst(%dma_wait3A_663 : memref<?xf32, #tpu.memory_space<vmem_shared>>)
      tpu.yield
    }) : () -> ()
    %swap3A = arith.constant 0 : index
    %swap3A_447 = tpu.vector_load %arg14[%swap3A] {strides = array<i32>} : memref<16xf32, #tpu.memory_space<vmem>>, vector<16xf32>,
    %swap3A_448 = vector.shape_cast %swap3A_447 : vector<16xf32> to vector<16xf32>
    %swap3A_449 = vector.shape_cast %while3A_259 : vector<16xf32> to vector<16xf32>
    tpu.vector_store %arg14[%swap3A], %swap3A_449 {strides = array<i32>} : memref<16xf32, #tpu.memory_space<vmem>>, vector<16xf32>,
    "tpu.region"() ({
      %run_scoped3A_638 = tpu.sem_alloc : memref<!tpu.dma_semaphore, #tpu.memory_space<semaphore_mem>>
      %dma_start3A_639 = arith.constant 0 : i32
      %dma_start3A_640 = tpu.memref_slice %arg17[%arg1, %dma_start3A_639] : memref<16x16xf32, #tpu.memory_space<vmem_shared>> -> memref<1x16xf32, #tpu.memory_space<vmem_shared>>
      %dma_start3A_641 = tpu.memref_squeeze %dma_start3A_640 : memref<1x16xf32, #tpu.memory_space<vmem_shared>> -> memref<16xf32, #tpu.memory_space<vmem_shared>>
      %dma_start3A_642 = arith.constant 0 : i32
      %dma_start3A_643 = tpu.memref_slice %arg17[%arg1, %dma_start3A_642] : memref<16x16xf32, #tpu.memory_space<vmem_shared>> -> memref<1x16xf32, #tpu.memory_space<vmem_shared>>
      %dma_start3A_644 = tpu.memref_squeeze %dma_start3A_643 : memref<1x16xf32, #tpu.memory_space<vmem_shared>> -> memref<16xf32, #tpu.memory_space<vmem_shared>>
      tpu.enqueue_dma source(%arg14 : memref<16xf32, #tpu.memory_space<vmem>>) target(%dma_start3A_644 : memref<16xf32, #tpu.memory_space<vmem_shared>>) target_semaphore(%run_scoped3A_638 : memref<!tpu.dma_semaphore, #tpu.memory_space<semaphore_mem>>)
      %dma_wait3A_645 = arith.constant 0 : i32
      %dma_wait3A_646 = tpu.memref_slice %arg17[%arg1, %dma_wait3A_645] : memref<16x16xf32, #tpu.memory_space<vmem_shared>> -> memref<1x16xf32, #tpu.memory_space<vmem_shared>>
      %dma_wait3A_647 = tpu.memref_squeeze %dma_wait3A_646 : memref<1x16xf32, #tpu.memory_space<vmem_shared>> -> memref<16xf32, #tpu.memory_space<vmem_shared>>
      %dma_wait3A_648 = arith.constant 0 : i32
      %dma_wait3A_649 = tpu.memref_slice %arg17[%arg1, %dma_wait3A_648] : memref<16x16xf32, #tpu.memory_space<vmem_shared>> -> memref<1x16xf32, #tpu.memory_space<vmem_shared>>
      %dma_wait3A_650 = tpu.memref_squeeze %dma_wait3A_649 : memref<1x16xf32, #tpu.memory_space<vmem_shared>> -> memref<16xf32, #tpu.memory_space<vmem_shared>>
      tpu.wait_dma2 semaphore(%run_scoped3A_638 : memref<!tpu.dma_semaphore, #tpu.memory_space<semaphore_mem>>) src(%arg14 : memref<16xf32, #tpu.memory_space<vmem>>) dst(%dma_wait3A_650 : memref<16xf32, #tpu.memory_space<vmem_shared>>)
      tpu.yield
    }) : () -> ()
    %barrier3A = arith.constant 0 : index
    tpu.barrier barrier_id(%barrier3A)
    "tpu.region"() ({
      %run_scoped3A_638 = tpu.sem_alloc : memref<!tpu.dma_semaphore, #tpu.memory_space<semaphore_mem>>
      tpu.enqueue_dma source(%arg17 : memref<16x16xf32, #tpu.memory_space<vmem_shared>>) target(%arg15 : memref<16x16xf32, #tpu.memory_space<vmem>>) target_semaphore(%run_scoped3A_638 : memref<!tpu.dma_semaphore, #tpu.memory_space<semaphore_mem>>)
      tpu.wait_dma2 semaphore(%run_scoped3A_638 : memref<!tpu.dma_semaphore, #tpu.memory_space<semaphore_mem>>) src(%arg17 : memref<16x16xf32, #tpu.memory_space<vmem_shared>>) dst(%arg15 : memref<16x16xf32, #tpu.memory_space<vmem>>)
      tpu.yield
    }) : () -> ()
    %get3A = arith.constant 0 : i32
    %get3A_450 = arith.index_cast %get3A : i32 to index
    %get3A_451 = arith.constant 0 : index
    %get3A_452 = tpu.vector_load %arg15[%get3A_450, %get3A_451] {strides = array<i32>} : memref<16x16xf32, #tpu.memory_space<vmem>>, vector<1x16xf32>,
    %get3A_453 = vector.shape_cast %get3A_452 : vector<1x16xf32> to vector<16xf32>
    %get3A_454 = arith.constant 1 : i32
    %get3A_455 = arith.index_cast %get3A_454 : i32 to index
    %get3A_456 = arith.constant 0 : index
    %get3A_457 = tpu.vector_load %arg15[%get3A_455, %get3A_456] {strides = array<i32>} : memref<16x16xf32, #tpu.memory_space<vmem>>, vector<1x16xf32>,
    %get3A_458 = vector.shape_cast %get3A_457 : vector<1x16xf32> to vector<16xf32>
    %add3A_459 = arith.addf %get3A_453, %get3A_458 : vector<16xf32>
    %get3A_460 = arith.constant 2 : i32
    %get3A_461 = arith.index_cast %get3A_460 : i32 to index
    %get3A_462 = arith.constant 0 : index
    %get3A_463 = tpu.vector_load %arg15[%get3A_461, %get3A_462] {strides = array<i32>} : memref<16x16xf32, #tpu.memory_space<vmem>>, vector<1x16xf32>,
    %get3A_464 = vector.shape_cast %get3A_463 : vector<1x16xf32> to vector<16xf32>
    %add3A_465 = arith.addf %add3A_459, %get3A_464 : vector<16xf32>
    %get3A_466 = arith.constant 3 : i32
    %get3A_467 = arith.index_cast %get3A_466 : i32 to index
    %get3A_468 = arith.constant 0 : index
    %get3A_469 = tpu.vector_load %arg15[%get3A_467, %get3A_468] {strides = array<i32>} : memref<16x16xf32, #tpu.memory_space<vmem>>, vector<1x16xf32>,
    %get3A_470 = vector.shape_cast %get3A_469 : vector<1x16xf32> to vector<16xf32>
    %add3A_471 = arith.addf %add3A_465, %get3A_470 : vector<16xf32>
    %get3A_472 = arith.constant 4 : i32
    %get3A_473 = arith.index_cast %get3A_472 : i32 to index
    %get3A_474 = arith.constant 0 : index
    %get3A_475 = tpu.vector_load %arg15[%get3A_473, %get3A_474] {strides = array<i32>} : memref<16x16xf32, #tpu.memory_space<vmem>>, vector<1x16xf32>,
    %get3A_476 = vector.shape_cast %get3A_475 : vector<1x16xf32> to vector<16xf32>
    %add3A_477 = arith.addf %add3A_471, %get3A_476 : vector<16xf32>
    %get3A_478 = arith.constant 5 : i32
    %get3A_479 = arith.index_cast %get3A_478 : i32 to index
    %get3A_480 = arith.constant 0 : index
    %get3A_481 = tpu.vector_load %arg15[%get3A_479, %get3A_480] {strides = array<i32>} : memref<16x16xf32, #tpu.memory_space<vmem>>, vector<1x16xf32>,
    %get3A_482 = vector.shape_cast %get3A_481 : vector<1x16xf32> to vector<16xf32>
    %add3A_483 = arith.addf %add3A_477, %get3A_482 : vector<16xf32>
    %get3A_484 = arith.constant 6 : i32
    %get3A_485 = arith.index_cast %get3A_484 : i32 to index
    %get3A_486 = arith.constant 0 : index
    %get3A_487 = tpu.vector_load %arg15[%get3A_485, %get3A_486] {strides = array<i32>} : memref<16x16xf32, #tpu.memory_space<vmem>>, vector<1x16xf32>,
    %get3A_488 = vector.shape_cast %get3A_487 : vector<1x16xf32> to vector<16xf32>
    %add3A_489 = arith.addf %add3A_483, %get3A_488 : vector<16xf32>
    %get3A_490 = arith.constant 7 : i32
    %get3A_491 = arith.index_cast %get3A_490 : i32 to index
    %get3A_492 = arith.constant 0 : index
    %get3A_493 = tpu.vector_load %arg15[%get3A_491, %get3A_492] {strides = array<i32>} : memref<16x16xf32, #tpu.memory_space<vmem>>, vector<1x16xf32>,
    %get3A_494 = vector.shape_cast %get3A_493 : vector<1x16xf32> to vector<16xf32>
    %add3A_495 = arith.addf %add3A_489, %get3A_494 : vector<16xf32>
    %get3A_496 = arith.constant 8 : i32
    %get3A_497 = arith.index_cast %get3A_496 : i32 to index
    %get3A_498 = arith.constant 0 : index
    %get3A_499 = tpu.vector_load %arg15[%get3A_497, %get3A_498] {strides = array<i32>} : memref<16x16xf32, #tpu.memory_space<vmem>>, vector<1x16xf32>,
    %get3A_500 = vector.shape_cast %get3A_499 : vector<1x16xf32> to vector<16xf32>
    %add3A_501 = arith.addf %add3A_495, %get3A_500 : vector<16xf32>
    %get3A_502 = arith.constant 9 : i32
    %get3A_503 = arith.index_cast %get3A_502 : i32 to index
    %get3A_504 = arith.constant 0 : index
    %get3A_505 = tpu.vector_load %arg15[%get3A_503, %get3A_504] {strides = array<i32>} : memref<16x16xf32, #tpu.memory_space<vmem>>, vector<1x16xf32>,
    %get3A_506 = vector.shape_cast %get3A_505 : vector<1x16xf32> to vector<16xf32>
    %add3A_507 = arith.addf %add3A_501, %get3A_506 : vector<16xf32>
    %get3A_508 = arith.constant 10 : i32
    %get3A_509 = arith.index_cast %get3A_508 : i32 to index
    %get3A_510 = arith.constant 0 : index
    %get3A_511 = tpu.vector_load %arg15[%get3A_509, %get3A_510] {strides = array<i32>} : memref<16x16xf32, #tpu.memory_space<vmem>>, vector<1x16xf32>,
    %get3A_512 = vector.shape_cast %get3A_511 : vector<1x16xf32> to vector<16xf32>
    %add3A_513 = arith.addf %add3A_507, %get3A_512 : vector<16xf32>
    %get3A_514 = arith.constant 11 : i32
    %get3A_515 = arith.index_cast %get3A_514 : i32 to index
    %get3A_516 = arith.constant 0 : index
    %get3A_517 = tpu.vector_load %arg15[%get3A_515, %get3A_516] {strides = array<i32>} : memref<16x16xf32, #tpu.memory_space<vmem>>, vector<1x16xf32>,
    %get3A_518 = vector.shape_cast %get3A_517 : vector<1x16xf32> to vector<16xf32>
    %add3A_519 = arith.addf %add3A_513, %get3A_518 : vector<16xf32>
    %get3A_520 = arith.constant 12 : i32
    %get3A_521 = arith.index_cast %get3A_520 : i32 to index
    %get3A_522 = arith.constant 0 : index
    %get3A_523 = tpu.vector_load %arg15[%get3A_521, %get3A_522] {strides = array<i32>} : memref<16x16xf32, #tpu.memory_space<vmem>>, vector<1x16xf32>,
    %get3A_524 = vector.shape_cast %get3A_523 : vector<1x16xf32> to vector<16xf32>
    %add3A_525 = arith.addf %add3A_519, %get3A_524 : vector<16xf32>
    %get3A_526 = arith.constant 13 : i32
    %get3A_527 = arith.index_cast %get3A_526 : i32 to index
    %get3A_528 = arith.constant 0 : index
    %get3A_529 = tpu.vector_load %arg15[%get3A_527, %get3A_528] {strides = array<i32>} : memref<16x16xf32, #tpu.memory_space<vmem>>, vector<1x16xf32>,
    %get3A_530 = vector.shape_cast %get3A_529 : vector<1x16xf32> to vector<16xf32>
    %add3A_531 = arith.addf %add3A_525, %get3A_530 : vector<16xf32>
    %get3A_532 = arith.constant 14 : i32
    %get3A_533 = arith.index_cast %get3A_532 : i32 to index
    %get3A_534 = arith.constant 0 : index
    %get3A_535 = tpu.vector_load %arg15[%get3A_533, %get3A_534] {strides = array<i32>} : memref<16x16xf32, #tpu.memory_space<vmem>>, vector<1x16xf32>,
    %get3A_536 = vector.shape_cast %get3A_535 : vector<1x16xf32> to vector<16xf32>
    %add3A_537 = arith.addf %add3A_531, %get3A_536 : vector<16xf32>
    %get3A_538 = arith.constant 15 : i32
    %get3A_539 = arith.index_cast %get3A_538 : i32 to index
    %get3A_540 = arith.constant 0 : index
    %get3A_541 = tpu.vector_load %arg15[%get3A_539, %get3A_540] {strides = array<i32>} : memref<16x16xf32, #tpu.memory_space<vmem>>, vector<1x16xf32>,
    %get3A_542 = vector.shape_cast %get3A_541 : vector<1x16xf32> to vector<16xf32>
    %add3A_543 = arith.addf %add3A_537, %get3A_542 : vector<16xf32>
    %slice3A = vector.extract_strided_slice %add3A_543 {offsets = [0], sizes = [1], strides = [1]} : vector<16xf32> to vector<1xf32>
    %squeeze3A = vector.extract %slice3A[0] : f32 from vector<1xf32>
    %slice3A_544 = vector.extract_strided_slice %add3A_543 {offsets = [1], sizes = [1], strides = [1]} : vector<16xf32> to vector<1xf32>
    %squeeze3A_545 = vector.extract %slice3A_544[0] : f32 from vector<1xf32>
    %add3A_546 = arith.addf %squeeze3A, %squeeze3A_545 : f32
    %slice3A_547 = vector.extract_strided_slice %add3A_543 {offsets = [2], sizes = [1], strides = [1]} : vector<16xf32> to vector<1xf32>
    %squeeze3A_548 = vector.extract %slice3A_547[0] : f32 from vector<1xf32>
    %add3A_549 = arith.addf %add3A_546, %squeeze3A_548 : f32
    %slice3A_550 = vector.extract_strided_slice %add3A_543 {offsets = [3], sizes = [1], strides = [1]} : vector<16xf32> to vector<1xf32>
    %squeeze3A_551 = vector.extract %slice3A_550[0] : f32 from vector<1xf32>
    %add3A_552 = arith.addf %add3A_549, %squeeze3A_551 : f32
    %slice3A_553 = vector.extract_strided_slice %add3A_543 {offsets = [4], sizes = [1], strides = [1]} : vector<16xf32> to vector<1xf32>
    %squeeze3A_554 = vector.extract %slice3A_553[0] : f32 from vector<1xf32>
    %add3A_555 = arith.addf %add3A_552, %squeeze3A_554 : f32
    %slice3A_556 = vector.extract_strided_slice %add3A_543 {offsets = [5], sizes = [1], strides = [1]} : vector<16xf32> to vector<1xf32>
    %squeeze3A_557 = vector.extract %slice3A_556[0] : f32 from vector<1xf32>
    %add3A_558 = arith.addf %add3A_555, %squeeze3A_557 : f32
    %slice3A_559 = vector.extract_strided_slice %add3A_543 {offsets = [6], sizes = [1], strides = [1]} : vector<16xf32> to vector<1xf32>
    %squeeze3A_560 = vector.extract %slice3A_559[0] : f32 from vector<1xf32>
    %add3A_561 = arith.addf %add3A_558, %squeeze3A_560 : f32
    %slice3A_562 = vector.extract_strided_slice %add3A_543 {offsets = [7], sizes = [1], strides = [1]} : vector<16xf32> to vector<1xf32>
    %squeeze3A_563 = vector.extract %slice3A_562[0] : f32 from vector<1xf32>
    %add3A_564 = arith.addf %add3A_561, %squeeze3A_563 : f32
    %slice3A_565 = vector.extract_strided_slice %add3A_543 {offsets = [8], sizes = [1], strides = [1]} : vector<16xf32> to vector<1xf32>
    %squeeze3A_566 = vector.extract %slice3A_565[0] : f32 from vector<1xf32>
    %add3A_567 = arith.addf %add3A_564, %squeeze3A_566 : f32
    %slice3A_568 = vector.extract_strided_slice %add3A_543 {offsets = [9], sizes = [1], strides = [1]} : vector<16xf32> to vector<1xf32>
    %squeeze3A_569 = vector.extract %slice3A_568[0] : f32 from vector<1xf32>
    %add3A_570 = arith.addf %add3A_567, %squeeze3A_569 : f32
    %slice3A_571 = vector.extract_strided_slice %add3A_543 {offsets = [10], sizes = [1], strides = [1]} : vector<16xf32> to vector<1xf32>
    %squeeze3A_572 = vector.extract %slice3A_571[0] : f32 from vector<1xf32>
    %add3A_573 = arith.addf %add3A_570, %squeeze3A_572 : f32
    %slice3A_574 = vector.extract_strided_slice %add3A_543 {offsets = [11], sizes = [1], strides = [1]} : vector<16xf32> to vector<1xf32>
    %squeeze3A_575 = vector.extract %slice3A_574[0] : f32 from vector<1xf32>
    %add3A_576 = arith.addf %add3A_573, %squeeze3A_575 : f32
    %slice3A_577 = vector.extract_strided_slice %add3A_543 {offsets = [12], sizes = [1], strides = [1]} : vector<16xf32> to vector<1xf32>
    %squeeze3A_578 = vector.extract %slice3A_577[0] : f32 from vector<1xf32>
    %add3A_579 = arith.addf %add3A_576, %squeeze3A_578 : f32
    %slice3A_580 = vector.extract_strided_slice %add3A_543 {offsets = [13], sizes = [1], strides = [1]} : vector<16xf32> to vector<1xf32>
    %squeeze3A_581 = vector.extract %slice3A_580[0] : f32 from vector<1xf32>
    %add3A_582 = arith.addf %add3A_579, %squeeze3A_581 : f32
    %slice3A_583 = vector.extract_strided_slice %add3A_543 {offsets = [14], sizes = [1], strides = [1]} : vector<16xf32> to vector<1xf32>
    %squeeze3A_584 = vector.extract %slice3A_583[0] : f32 from vector<1xf32>
    %add3A_585 = arith.addf %add3A_582, %squeeze3A_584 : f32
    %slice3A_586 = vector.extract_strided_slice %add3A_543 {offsets = [15], sizes = [1], strides = [1]} : vector<16xf32> to vector<1xf32>
    %squeeze3A_587 = vector.extract %slice3A_586[0] : f32 from vector<1xf32>
    %add3A_588 = arith.addf %add3A_585, %squeeze3A_587 : f32
    %broadcast_in_dim3A_589 = arith.constant 1.000000e+05 : f32
    %broadcast_in_dim3A_590 = vector.broadcast %broadcast_in_dim3A_589 : f32 to vector<16xf32>
    %broadcast_in_dim3A_591 = vector.broadcast %add3A_588 : f32 to vector<16xf32>
    %div3A_592 = arith.divf %broadcast_in_dim3A_590, %broadcast_in_dim3A_591 : vector<16xf32>
    %dma_start3A_593 = arith.constant 0 : i32
    %dma_start3A_594 = tpu.memref_slice %arg16[%dma_start3A_593] : memref<500480xf32, #tpu.memory_space<vmem_shared>> -> memref<500480xf32, #tpu.memory_space<vmem_shared>>
    tpu.enqueue_indirect_dma source(%dma_start3A_594 : memref<500480xf32, #tpu.memory_space<vmem_shared>>) target(%arg10 : memref<2560xf32, #tpu.memory_space<vmem>>) offsets(%arg9 : memref<2560xi32, #tpu.memory_space<vmem>>) semaphore(%arg20 : memref<!tpu.dma_semaphore, #tpu.memory_space<semaphore_mem>>)
    %get3A_595 = arith.constant 0 : i32
    %get3A_596 = arith.index_cast %get3A_595 : i32 to index
    %get3A_597 = arith.constant 0 : index
    %get3A_598 = tpu.vector_load %arg7[%get3A_596, %get3A_597] {strides = array<i32>} : memref<8x16xf32, #tpu.memory_space<vmem>>, vector<1x16xf32>,
    %get3A_599 = vector.shape_cast %get3A_598 : vector<1x16xf32> to vector<16xf32>
    %get3A_600 = arith.constant 1 : i32
    %get3A_601 = arith.index_cast %get3A_600 : i32 to index
    %get3A_602 = arith.constant 0 : index
    %get3A_603 = tpu.vector_load %arg7[%get3A_601, %get3A_602] {strides = array<i32>} : memref<8x16xf32, #tpu.memory_space<vmem>>, vector<1x16xf32>,
    %get3A_604 = vector.shape_cast %get3A_603 : vector<1x16xf32> to vector<16xf32>
    %get3A_605 = arith.constant 2 : i32
    %get3A_606 = arith.index_cast %get3A_605 : i32 to index
    %get3A_607 = arith.constant 0 : index
    %get3A_608 = tpu.vector_load %arg7[%get3A_606, %get3A_607] {strides = array<i32>} : memref<8x16xf32, #tpu.memory_space<vmem>>, vector<1x16xf32>,
    %get3A_609 = vector.shape_cast %get3A_608 : vector<1x16xf32> to vector<16xf32>
    %get3A_610 = arith.constant 3 : i32
    %get3A_611 = arith.index_cast %get3A_610 : i32 to index
    %get3A_612 = arith.constant 0 : index
    %get3A_613 = tpu.vector_load %arg7[%get3A_611, %get3A_612] {strides = array<i32>} : memref<8x16xf32, #tpu.memory_space<vmem>>, vector<1x16xf32>,
    %get3A_614 = vector.shape_cast %get3A_613 : vector<1x16xf32> to vector<16xf32>
    %get3A_615 = arith.constant 4 : i32
    %get3A_616 = arith.index_cast %get3A_615 : i32 to index
    %get3A_617 = arith.constant 0 : index
    %get3A_618 = tpu.vector_load %arg7[%get3A_616, %get3A_617] {strides = array<i32>} : memref<8x16xf32, #tpu.memory_space<vmem>>, vector<1x16xf32>,
    %get3A_619 = vector.shape_cast %get3A_618 : vector<1x16xf32> to vector<16xf32>
    %get3A_620 = arith.constant 5 : i32
    %get3A_621 = arith.index_cast %get3A_620 : i32 to index
    %get3A_622 = arith.constant 0 : index
    %get3A_623 = tpu.vector_load %arg7[%get3A_621, %get3A_622] {strides = array<i32>} : memref<8x16xf32, #tpu.memory_space<vmem>>, vector<1x16xf32>,
    %get3A_624 = vector.shape_cast %get3A_623 : vector<1x16xf32> to vector<16xf32>
    %get3A_625 = arith.constant 6 : i32
    %get3A_626 = arith.index_cast %get3A_625 : i32 to index
    %get3A_627 = arith.constant 0 : index
    %get3A_628 = tpu.vector_load %arg7[%get3A_626, %get3A_627] {strides = array<i32>} : memref<8x16xf32, #tpu.memory_space<vmem>>, vector<1x16xf32>,
    %get3A_629 = vector.shape_cast %get3A_628 : vector<1x16xf32> to vector<16xf32>
    %dma_wait3A_630 = arith.constant 0 : i32
    %dma_wait3A_631 = tpu.memref_slice %arg16[%dma_wait3A_630] : memref<500480xf32, #tpu.memory_space<vmem_shared>> -> memref<500480xf32, #tpu.memory_space<vmem_shared>>
    tpu.wait_indirect_dma semaphore(%arg20 : memref<!tpu.dma_semaphore, #tpu.memory_space<semaphore_mem>>) src(%dma_wait3A_631 : memref<500480xf32, #tpu.memory_space<vmem_shared>>) dst(%arg10 : memref<2560xf32, #tpu.memory_space<vmem>>)
    %scan3A_632 = arith.constant 0 : i32
    %scan3A_633 = arith.constant 0 : i32
    %scan3A_634 = arith.constant 32 : i32
    %scan3A_635 = arith.addi %scan3A_633, %scan3A_634 : i32
    %scan3A_636 = arith.constant 1 : i32
    scf.for %scan3A_638 = %scan3A_633 to %scan3A_635 step %scan3A_636  : i32 {
      %mul3A_639 = arith.constant 16 : i32
      %mul3A_640 = arith.muli %scan3A_638, %mul3A_639 : i32
      %get3A_641 = arith.index_cast %mul3A_640 : i32 to index
      %get3A_642 = tpu.vector_load %arg10[%get3A_641] {strides = array<i32>} : memref<2560xf32, #tpu.memory_space<vmem>>, vector<16xf32>,
      %get3A_643 = vector.shape_cast %get3A_642 : vector<16xf32> to vector<16xf32>
      %mul3A_644 = arith.constant 16 : i32
      %mul3A_645 = arith.muli %scan3A_638, %mul3A_644 : i32
      %add3A_646 = arith.constant 512 : i32
      %add3A_647 = arith.addi %add3A_646, %mul3A_645 : i32
      %get3A_648 = arith.index_cast %add3A_647 : i32 to index
      %get3A_649 = tpu.vector_load %arg10[%get3A_648] {strides = array<i32>} : memref<2560xf32, #tpu.memory_space<vmem>>, vector<16xf32>,
      %get3A_650 = vector.shape_cast %get3A_649 : vector<16xf32> to vector<16xf32>
      %mul3A_651 = arith.constant 16 : i32
      %mul3A_652 = arith.muli %scan3A_638, %mul3A_651 : i32
      %add3A_653 = arith.constant 1024 : i32
      %add3A_654 = arith.addi %add3A_653, %mul3A_652 : i32
      %get3A_655 = arith.index_cast %add3A_654 : i32 to index
      %get3A_656 = tpu.vector_load %arg10[%get3A_655] {strides = array<i32>} : memref<2560xf32, #tpu.memory_space<vmem>>, vector<16xf32>,
      %get3A_657 = vector.shape_cast %get3A_656 : vector<16xf32> to vector<16xf32>
      %mul3A_658 = arith.constant 16 : i32
      %mul3A_659 = arith.muli %scan3A_638, %mul3A_658 : i32
      %add3A_660 = arith.constant 1536 : i32
      %add3A_661 = arith.addi %add3A_660, %mul3A_659 : i32
      %get3A_662 = arith.index_cast %add3A_661 : i32 to index
      %get3A_663 = tpu.vector_load %arg10[%get3A_662] {strides = array<i32>} : memref<2560xf32, #tpu.memory_space<vmem>>, vector<16xf32>,
      %get3A_664 = vector.shape_cast %get3A_663 : vector<16xf32> to vector<16xf32>
      %mul3A_665 = arith.constant 16 : i32
      %mul3A_666 = arith.muli %scan3A_638, %mul3A_665 : i32
      %add3A_667 = arith.constant 2048 : i32
      %add3A_668 = arith.addi %add3A_667, %mul3A_666 : i32
      %get3A_669 = arith.index_cast %add3A_668 : i32 to index
      %get3A_670 = tpu.vector_load %arg10[%get3A_669] {strides = array<i32>} : memref<2560xf32, #tpu.memory_space<vmem>>, vector<16xf32>,
      %get3A_671 = vector.shape_cast %get3A_670 : vector<16xf32> to vector<16xf32>
      %mul3A_672 = arith.constant 16 : i32
      %mul3A_673 = arith.muli %scan3A_638, %mul3A_672 : i32
      %get3A_674 = arith.index_cast %mul3A_673 : i32 to index
      %get3A_675 = tpu.vector_load %arg12[%get3A_674] {strides = array<i32>} : memref<512xf32, #tpu.memory_space<vmem>>, vector<16xf32>,
      %get3A_676 = vector.shape_cast %get3A_675 : vector<16xf32> to vector<16xf32>
      %add3A_677 = arith.addf %get3A_643, %get3A_604 : vector<16xf32>
      %mul3A_678 = arith.mulf %get3A_650, %div3A_592 : vector<16xf32>
      %mul3A_679 = arith.mulf %get3A_609, %mul3A_678 : vector<16xf32>
      %add3A_680 = arith.addf %add3A_677, %mul3A_679 : vector<16xf32>
      %mul3A_681 = arith.mulf %get3A_599, %get3A_643 : vector<16xf32>
      %div3A_682 = arith.divf %mul3A_681, %add3A_680 : vector<16xf32>
      %mul3A_683 = arith.mulf %get3A_614, %get3A_657 : vector<16xf32>
      %add3A_684 = arith.addf %div3A_682, %mul3A_683 : vector<16xf32>
      %mul3A_685 = arith.mulf %get3A_619, %get3A_664 : vector<16xf32>
      %add3A_686 = arith.addf %add3A_684, %mul3A_685 : vector<16xf32>
      %mul3A_687 = arith.mulf %get3A_624, %get3A_671 : vector<16xf32>
      %add3A_688 = arith.addf %add3A_686, %mul3A_687 : vector<16xf32>
      %mul3A_689 = arith.mulf %get3A_629, %get3A_676 : vector<16xf32>
      %add3A_690 = arith.addf %add3A_688, %mul3A_689 : vector<16xf32>
      %mul3A_691 = arith.constant 16 : i32
      %mul3A_692 = arith.muli %scan3A_638, %mul3A_691 : i32
      %swap3A_693 = arith.index_cast %mul3A_692 : i32 to index
      %swap3A_694 = tpu.vector_load %arg13[%swap3A_693] {strides = array<i32>} : memref<512xf32, #tpu.memory_space<vmem>>, vector<16xf32>,
      %swap3A_695 = vector.shape_cast %swap3A_694 : vector<16xf32> to vector<16xf32>
      %swap3A_696 = vector.shape_cast %add3A_690 : vector<16xf32> to vector<16xf32>
      tpu.vector_store %arg13[%swap3A_693], %swap3A_696 {strides = array<i32>} : memref<512xf32, #tpu.memory_space<vmem>>, vector<16xf32>,
    }
    %scan3A_637 = arith.constant 32 : i32
    "tpu.region"() ({
      %run_scoped3A_638 = tpu.sem_alloc : memref<!tpu.dma_semaphore, #tpu.memory_space<semaphore_mem>>
      %dma_start3A_639 = tpu.memref_slice %arg6[%mul3A_2] : memref<16384xf32, #tpu.memory_space<hbm>> -> memref<512xf32, #tpu.memory_space<hbm>>
      %dma_start3A_640 = tpu.memref_slice %arg6[%mul3A_2] : memref<16384xf32, #tpu.memory_space<hbm>> -> memref<512xf32, #tpu.memory_space<hbm>>
      tpu.enqueue_dma source(%arg13 : memref<512xf32, #tpu.memory_space<vmem>>) target(%dma_start3A_640 : memref<512xf32, #tpu.memory_space<hbm>>) target_semaphore(%run_scoped3A_638 : memref<!tpu.dma_semaphore, #tpu.memory_space<semaphore_mem>>)
      %dma_wait3A_641 = tpu.memref_slice %arg6[%mul3A_2] : memref<16384xf32, #tpu.memory_space<hbm>> -> memref<512xf32, #tpu.memory_space<hbm>>
      %dma_wait3A_642 = tpu.memref_slice %arg6[%mul3A_2] : memref<16384xf32, #tpu.memory_space<hbm>> -> memref<512xf32, #tpu.memory_space<hbm>>
      tpu.wait_dma2 semaphore(%run_scoped3A_638 : memref<!tpu.dma_semaphore, #tpu.memory_space<semaphore_mem>>) src(%arg13 : memref<512xf32, #tpu.memory_space<vmem>>) dst(%dma_wait3A_642 : memref<512xf32, #tpu.memory_space<hbm>>)
      tpu.yield
    }) : () -> ()
    return
  }
}

</mosaic_0001>

<sc_bundles>
// kernel: _sc_rank.3.cloned.1.call-start
scs
__scs_entry_jumppad:
0x0: {  	(pc) =	sbr.rel $0x88, $3  }
0x1: {  	(tag) =	ssettag $0x0;
	lr =	simm.s32 $0x1  }
0x2: {  	[smem:$0x3F9D] =	sst lr;
	_ =	strace $0xD0000000  }
0x3: {  	_ = 	snop  }
0x4: {  	_ = 	snop  }
0x5: {  	_ = 	snop  }
0x6: {  	_ = 	snop  }
0x7: {  	_ = 	snop  }
__scs_overlays_trampoline_lowered:
0x8: {  	[smem:$0x3FAC] =	sst s0  }
0x9: {  	[smem:$0x3FAD] =	sst s1  }
0xa: {  	[smem:$0x3FAE] =	sst s2  }
0xb: {  	[smem:$0x3FAF] =	sst s3  }
0xc: {  	[smem:$0x3FB0] =	sst s4  }
0xd: {  	[smem:$0x3FB1] =	sst s5  }
0xe: {  	[smem:$0x3FB2] =	sst s6  }
0xf: {  	[smem:$0x3FB3] =	sst s7  }
0x10: {  	[smem:$0x3FB4] =	sst s8  }
0x11: {  	[smem:$0x3FB5] =	sst s9;
	s0 =	simm.s32 @!p0 $0x0  }
0x12: {  	s1 =	sld [smem:$0x3F9B];
	s0 =	simm.s32 @p0 $0x1  }
0x13: {  	[smem:$0x3FB6] =	sst s0;
	s0 =	simm.s32 @!p1 $0x0  }
0x14: {  	s2 =	sld [smem:$0x3F9A];
	s0 =	simm.s32 @p1 $0x1  }
0x15: {  	[smem:$0x3FB7] =	sst s0;
	s0 =	simm.s32 @!p2 $0x0  }
0x16: {  	s3 =	sld [smem:$0x3FDB];
	s0 =	simm.s32 @p2 $0x1  }
0x17: {  	s4 =	simm.s32 $0x1BF5;
	[smem:$0x3FB9] =	sst s0  }
0x18: {  	s0 =	sld [smem:$0x3F9C];
	_ =	swait.ge [sflag:s4], $0x0  }
0x19: {  	s7 =	sld [smem:$0x3F9D]  }
0x1a: {  	s8 =	sadd.s32 $0xFFFFE003, lr  }
0x1b: {  	s9 =	sadd.s32 $0xFFFFFEF7, lr;
	s5 =	simm.s32 $0xFFFFFFFF;
	p2 =	slt.u32 s8, $0xFFFFF086  }
0x1c: {  	p1 =	slt.u32 s9, $0xF7A;
	s5 =	simm.s32 @!p2 $0x0  }
0x1d: {  	s5 =	simm.s32 @p1 $0x1;
	p0 =	seq.s32 s7, s2  }
0x1e: {  	s7 =	smul.u32 @!p0 $0xF7A, s2;
	p2 =	seq.s32 @!p0 s5, $0x0  }
0x1f: {  	s9 =	smul.u32 $0xF7A, s1;
	s8 =	simm.s32 @!p0 $0x1BF5;
	p2 =	por !p2, p0  }
0x20: {  	[sflag:s8] =	ssyncset.s32 @!p0 $0xFFFFF086;
	s6 =	sadd.s32 @!p0 s3, s7;
	s7 =	simm.s32 @!p0 $0x108  }
0x21: {  	s3 =	sadd.s32 s3, s9;
	s6 =	sadd.s32 @!p0 $0x88, s6;
	s7 =	simm.s32 @p2 $0x1082  }
0x22: {  	[simem:s7], [sflag:s8] =	dma.local @!p0 [hbm:s6], $0xF7A  }
0x23: {  	s9 =	sor.u32 $0xD0000000, s2;
	s6 =	simm.s32 $0x108;
	_ =	swait.ge @!p0 [sflag:s8], $0x0  }
0x24: {  	s3 =	sadd.s32 $0x88, s3;
	s6 =	simm.s32 @!p1 $0x1082;
	[sflag:s4] =	ssyncset.s32 $0xFFFFF086  }
0x25: {  	[simem:s6], [sflag:s4] =	dma.local [hbm:s3], $0xF7A  }
0x26: {  	[smem:$0x3F9D] =	sst s1;
	(tag) =	ssettag s2;
	_ =	strace s9  }
0x27: {  	s1 =	sld [smem:$0x3FAD]  }
0x28: {  	s2 =	sld [smem:$0x3FAE]  }
0x29: {  	s4 =	sld [smem:$0x3FB0]  }
0x2a: {  	p0 =	seq.s32 s5, $0x0;
	s5 =	sld [smem:$0x3FB1]  }
0x2b: {  	s6 =	sld [smem:$0x3FB2]  }
0x2c: {  	s7 =	sld [smem:$0x3FB3]  }
0x2d: {  	s3 =	simm.s32 $0x108;
	s8 =	sld [smem:$0x3FB4]  }
0x2e: {  	s3 =	simm.s32 @!p0 $0x1082;
	s9 =	sld [smem:$0x3FB5]  }
0x2f: {  	lr =	sadd.s32 s0, s3;
	s0 =	sld [smem:$0x3FAC]  }
0x30: {  	s3 =	sld [smem:$0x3FAF]  }
0x31: {  	[smem:$0x3FB8] =	sst s10  }
0x32: {  	s10 =	sld [smem:$0x3FB6];
	_ =	sdelay $0x3  }
0x33: {  	p0 =	seq.s32 s10, $0x1;
	s10 =	sld [smem:$0x3FB8];
	_ =	sdelay $0x3  }
0x34: {  	[smem:$0x3FB8] =	sst s10  }
0x35: {  	s10 =	sld [smem:$0x3FB7];
	_ =	sdelay $0x3  }
0x36: {  	p1 =	seq.s32 s10, $0x1;
	s10 =	sld [smem:$0x3FB8];
	_ =	sdelay $0x3  }
0x37: {  	[smem:$0x3FB8] =	sst s10  }
0x38: {  	s10 =	sld [smem:$0x3FB9]  }
0x39: {  	_ = 	snop;
	(pc) =	sbr.ind lr, $3  }
0x3a: {  	_ = 	snop  }
0x3b: {  	_ = 	snop  }
0x3c: {  	p2 =	seq.s32 s10, $0x1;
	s10 =	sld [smem:$0x3FB8]  }
0x3d: {  	_ =	shalt  }
0x3e: {  	_ =	shalt  }
0x3f: {  	_ =	shalt  }
0x40: {  	_ =	shalt  }
0x41: {  	_ =	shalt  }
0x42: {  	_ =	shalt  }
0x43: {  	_ =	shalt  }
0x44: {  	_ =	shalt  }
0x45: {  	_ =	shalt  }
0x46: {  	_ =	shalt  }
0x47: {  	_ =	shalt  }
0x48: {  	_ =	shalt  }
0x49: {  	_ =	shalt  }
0x4a: {  	_ =	shalt  }
0x4b: {  	_ =	shalt  }
0x4c: {  	_ =	shalt  }
0x4d: {  	_ =	shalt  }
0x4e: {  	_ =	shalt  }
0x4f: {  	_ =	shalt  }
0x50: {  	_ =	shalt  }
0x51: {  	_ =	shalt  }
0x52: {  	_ =	shalt  }
0x53: {  	_ =	shalt  }
0x54: {  	_ =	shalt  }
0x55: {  	_ =	shalt  }
0x56: {  	_ =	shalt  }
0x57: {  	_ =	shalt  }
0x58: {  	_ =	shalt  }
0x59: {  	_ =	shalt  }
0x5a: {  	_ =	shalt  }
0x5b: {  	_ =	shalt  }
0x5c: {  	_ =	shalt  }
0x5d: {  	_ =	shalt  }
0x5e: {  	_ =	shalt  }
0x5f: {  	_ =	shalt  }
0x60: {  	_ =	shalt  }
0x61: {  	_ =	shalt  }
0x62: {  	_ =	shalt  }
0x63: {  	_ =	shalt  }
0x64: {  	_ =	shalt  }
0x65: {  	_ =	shalt  }
0x66: {  	_ =	shalt  }
0x67: {  	_ =	shalt  }
0x68: {  	_ =	shalt  }
0x69: {  	_ =	shalt  }
0x6a: {  	_ =	shalt  }
0x6b: {  	_ =	shalt  }
0x6c: {  	_ =	shalt  }
0x6d: {  	_ =	shalt  }
0x6e: {  	_ =	shalt  }
0x6f: {  	_ =	shalt  }
0x70: {  	_ =	shalt  }
0x71: {  	_ =	shalt  }
0x72: {  	_ =	shalt  }
0x73: {  	_ =	shalt  }
0x74: {  	_ =	shalt  }
0x75: {  	_ =	shalt  }
0x76: {  	_ =	shalt  }
0x77: {  	_ =	shalt  }
0x78: {  	_ =	shalt  }
0x79: {  	_ =	shalt  }
0x7a: {  	_ =	shalt  }
0x7b: {  	_ =	shalt  }
0x7c: {  	_ =	shalt  }
0x7d: {  	_ =	shalt  }
0x7e: {  	_ =	shalt  }
0x7f: {  	_ =	shalt  }
0x80: {  	_ =	shalt  }
0x81: {  	_ =	shalt  }
0x82: {  	_ =	shalt  }
0x83: {  	_ =	shalt  }
0x84: {  	_ =	shalt  }
0x85: {  	_ =	shalt  }
0x86: {  	_ =	shalt  }
0x87: {  	_ =	shalt  }
.Lfunc_end0:
.L_simem_size_0:
called_computation_lowered:
.L_overlay_start_0:
0x88: {  	s2 =	sld [smem:$0x3FD9]  }
0x89: {  	s3 =	sld [smem:$0x3FFE];
	_ =	sdelay $0x1  }
0x8a: {  	s1 =	srdreg.scid  }
0x8b: {  	s0 =	sand.u32 $0x1, s1  }
0x8c: {  	s18 =	sshll.u32 s0, $0xA;
	s2 =	sadd.s32 s3, s2  }
0x8d: {  	s2 =	sadd.s32 s2, s18  }
0x8e: {  	[smem:$0x3FC4] =	sst s2  }
0x8f: {  	_ = 	snop  }
0x90: {  	s2 =	sld [smem:$0x3FC9]  }
0x91: {  	s19 =	sld [smem:$0x3FC8]  }
0x92: {  	s4 =	sld [smem:$0x3FC7]  }
0x93: {  	s5 =	sld [smem:$0x3FC6]  }
0x94: {  	s6 =	sld [smem:$0x3FD0];
	(tm) =	ssettm $0x1  }
0x95: {  	s7 =	sld [smem:$0x3FFB];
	_ =	sdelay $0x3  }
0x96: {  	_ =	strace s7  }
0x97: {  	s7 =	sld [smem:$0x3FFC];
	_ =	sdelay $0x3  }
0x98: {  	_ =	strace s7  }
0x99: {  	s7 =	sld [smem:$0x3FFD];
	_ =	sdelay $0x3  }
0x9a: {  	_ =	strace s7  }
0x9b: {  	_ =	strace $0x8FFFFFFF  }
0x9c: {  	s20 =	sld [smem:$0x3FDB];
	_ =	sdelay $0x1  }
0x9d: {  	s8 =	simm.s32 $_scs_section_size  }
0x9e: {  	s9 =	simm.s32 $_size__tile_overlayer_lowered;
	s10 =	simm.s32 $_tile_overlayer_lowered  }
0x9f: {  	s23 =	simm.s32 $0x1BFF;
	s22 =	sshll.u32 s10, $0x1;
	s7 =	sadd.s32 s8, s20  }
0xa0: {  	s11 =	simm.s32 $0x0;
	s21 =	sshll.u32 s9, $0x1;
	s9 =	sadd.s32 s22, s7  }
0xa1: {  	[timem:s11], [sflag:s23] =	dma.local [hbm:s9], s21  }
0xa2: {  	_ =	swait.ge [sflag:s23], s21  }
0xa3: {  	s8 =	ssub.s32 $0x0, s21;
	[sflag:s23] =	ssyncset.done $0x0  }
0xa4: {  	[sflag:s23] =	ssyncadd.s32 s8;
	_ =	sdelay $0x1  }
0xa5: {  	s24 =	simm.s32 $0x1B8B  }
0xa6: {  	_ =	swait.ge [sflag:s24], $0x1  }
0xa7: {  	[sflag:s24] =	ssyncset.done $0x0  }
0xa8: {  	s25 =	simm.s32 $0x1B8E;
	[sflag:s24] =	ssyncadd.s32 $0xFFFFFFFF  }
0xa9: {  	s26 =	simm.s32 $execute0_lowered;
	[smem:$0x3FD2] =	sst s25  }
0xaa: {  	s8 =	sshll.u32 s26, $0x1;
	_ =	strace $0x80000046;
	[dreg:$0x1] =	wrdreg $0xFFFFFFFF  }
0xab: {  	s28 =	simm.s32 $_size_execute0_lowered;
	s7 =	sadd.s32 s7, s8;
	[dreg:$0x0] =	wrdreg $0x0  }
0xac: {  	s8 =	sshll.u32 s28, $0x1;
	[dreg:$0x2] =	wrdreg s7  }
0xad: {  	[dreg:$0x3] =	wrdreg s8  }
0xae: {  	[dreg:$0x4] =	wrdreg $0xC0  }
0xaf: {  	_ =	task [dreg:s11], $0x5FFFF  }
0xb0: {  	[dreg:$0x1] =	wrdreg $0xFFFFFFFF  }
0xb1: {  	[dreg:$0x0] =	wrdreg $0x60  }
0xb2: {  	[dreg:$0x2] =	wrdreg s2  }
0xb3: {  	[dreg:$0x3] =	wrdreg s19  }
0xb4: {  	[dreg:$0x4] =	wrdreg s4  }
0xb5: {  	[dreg:$0x5] =	wrdreg s5  }
0xb6: {  	[dreg:$0x6] =	wrdreg s6  }
0xb7: {  	[dreg:$0x7] =	wrdreg $0x168B00  }
0xb8: {  	[dreg:$0x8] =	wrdreg $0xEE800  }
0xb9: {  	[dreg:$0x9] =	wrdreg $0x9  }
0xba: {  	_ =	task.clear_ibuf [dreg:s11], $0xAFFFF;
	_ =	strace $0x90000046  }
0xbb: {  	s29 =	simm.s32 $0x9;
	_ =	strace $0x80000048  }
0xbc: {  	_ =	swait.ge [sflag:s29], $0x1  }
0xbd: {  	[sflag:s29] =	ssyncadd.s32 $0xFFFFFFFF  }
0xbe: {  	_ =	strace $0x90000048  }
0xbf: {  	_ =	sfence  }
0xc0: {  	s30 =	sld [smem:$0x0];
	_ =	sdelay $0x2  }
0xc1: {  	s31 =	sshll.u32 s1, $0xD;
	s1 =	sshrl.u32 s1, $0x2  }
0xc2: {  	s3 =	sand.u32 $0x4000, s31;
	s1 =	sadd.s32 s1, s30  }
0xc3: {  	s0 =	sor.u32 s3, s0;
	s1 =	sshll.u32 s1, $0x11  }
0xc4: {  	s0 =	sor.u32 s1, s0  }
0xc5: {  	s0 =	sadd.s32 $0x8F2B, s0  }
0xc6: {  	[sflag:s0] =	ssyncadd.remote.s32 $0x1  }
0xc7: {  	_ =	sfence.sel $0xFFFF  }
0xc8: {  	[dreg:$0x0] =	wrdreg $0xFFFFFFFF;
	(pc) =	sbr.abs _section_cstart, $3  }
0xc9: {  	[dreg:$0x1] =	wrdreg $0xFFFFFFFF  }
0xca: {  	_ =	task.clear_ibuf [dreg:s11], $0x2FFFF;
	_ =	strace $0x9FFFFFFF  }
0xcb: {  	(tm) =	ssettm $0x7FFFFFFF  }
tec
execute0_lowered:
.L_overlay_start_1:
0x0: {  	(tag) =	ssettag $0x1  }
0x1: {  	s0 =	rddreg [dreg:$0x0]  }
0x2: {  	s1 =	rddreg [dreg:$0x1]  }
0x3: {  	s2 =	rddreg [dreg:$0x2]  }
0x4: {  	s3 =	rddreg [dreg:$0x4]  }
0x5: {  	s14 =	rddreg [dreg:$0x5]  }
0x6: {  	s15 =	rddreg [dreg:$0x6]  }
0x7: {  	s5 =	simm.s32 $0x0;
	s4 =	srdreg.scid;
	s6 =	stileid.u32  }
0x8: {  	[smem:$0x7FF] =	sst s5;
	s8 =	smul.u32 $0x1800, s6  }
0x9: {  	s4 =	sand.u32 $0x1, s4;
	s10 =	smul.u32 $0x1880, s6;
	s11 =	sshll.u32 s6, $0x9  }
0xa: {  	p0 =	slt.u32 s6, $0xE;
	s7 =	ssub.s32 $0x2, s4;
	s4 =	sshll.u32 s4, $0xD  }
0xb: {  	s20 =	sadd.s32 $0x16E900, s1;
	_ =	strace $0x80000047;
	s4 =	sor.u32 s11, s4  }
0xc: {  	s9 =	sshrl.u32 s7, $0x1;
	s6 =	sor.u32 $0x700, s8;
	s4 =	sshrl.u32 s4, $0x3  }
0xd: {  	s8 =	sadd.s32 $0x1300, s8;
	s6 =	smov.u32 @p0 s10;
	s0 =	sadd.s32 s0, s4  }
0xe: {  	s10 =	sadd.s32 $0xC80, s10;
	s21 =	sadd.s32 s2, s4;
	[dreg:$0x9] =	wrdreg s0  }
0xf: {  	s22 =	sadd.s32 $0x30E00, s6;
	s3 =	sadd.s32 s3, s4;
	[dreg:$0xa] =	wrdreg s21  }
0x10: {  	s23 =	sadd.s32 $0x18700, s6;
	s24 =	sadd.s32 s1, s22;
	[dreg:$0xf] =	wrdreg s3  }
0x11: {  	s13 =	sadd.s32 $0x49500, s6;
	s26 =	sadd.s32 s1, s23;
	[dreg:$0xb] =	wrdreg s24  }
0x12: {  	s8 =	smov.u32 @p0 s10;
	s19 =	sadd.s32 s1, s13;
	[dreg:$0xd] =	wrdreg s26  }
0x13: {  	s12 =	ssub.s32 s7, s9;
	s0 =	sadd.s32 s8, s20;
	[dreg:$0x12] =	wrdreg s19  }
0x14: {  	s17 =	sadd.s32 s23, s15;
	s23 =	smax.u32 s12, $0x1;
	[dreg:$0x14] =	wrdreg s0  }
0x15: {  	s10 =	sadd.s32 s8, s1;
	s3 =	sadd.s32 s8, s15;
	[dreg:$0x16] =	wrdreg s23  }
0x16: {  	s16 =	sadd.s32 $0x49500, s10;
	[dreg:$0x17] =	wrdreg s3  }
0x17: {  	s21 =	sadd.s32 s22, s15;
	s25 =	sadd.s32 $0x30E00, s10;
	[dreg:$0x8] =	wrdreg s16  }
0x18: {  	s22 =	sshrl.u32 s11, $0x2;
	s10 =	sadd.s32 $0x18700, s10;
	[dreg:$0xc] =	wrdreg s25  }
0x19: {  	s0 =	sadd.s32 s22, s14;
	[dreg:$0xe] =	wrdreg s10  }
0x1a: {  	s24 =	sadd.s32 $0x80, s3;
	[dreg:$0x15] =	wrdreg s0  }
0x1b: {  	s26 =	sadd.s32 $0x100, s3;
	[dreg:$0x19] =	wrdreg s24  }
0x1c: {  	s14 =	sadd.s32 $0x180, s3;
	[dreg:$0x1a] =	wrdreg s26  }
0x1d: {  	s19 =	sadd.s32 $0x380, s3;
	[dreg:$0x1b] =	wrdreg s14  }
0x1e: {  	s9 =	simm.s32 $0xC80;
	s22 =	sadd.s32 $0x480, s3;
	[dreg:$0x1f] =	wrdreg s19  }
0x1f: {  	s9 =	simm.s32 @!p0 $0xC00;
	s23 =	sadd.s32 $0x500, s3;
	[smem:$0x793] =	sst s22  }
0x20: {  	s31 =	sadd.s32 s6, s15;
	s4 =	sadd.s32 s9, s17;
	[smem:$0x794] =	sst s23  }
0x21: {  	s16 =	sadd.s32 $0x187000, s1;
	s1 =	sadd.s32 s6, s20;
	[dreg:$0x18] =	wrdreg s4  }
0x22: {  	s25 =	sadd.s32 s13, s15;
	s15 =	sadd.s32 $0x200, s3;
	[dreg:$0x13] =	wrdreg s1  }
0x23: {  	s20 =	sadd.s32 $0x400, s3;
	[dreg:$0x1c] =	wrdreg s15  }
0x24: {  	s24 =	sadd.s32 $0x580, s3;
	[smem:$0x792] =	sst s20  }
0x25: {  	s26 =	sadd.s32 $0x600, s3;
	[smem:$0x795] =	sst s24  }
0x26: {  	s14 =	sadd.s32 $0x680, s3;
	[smem:$0x796] =	sst s26  }
0x27: {  	s19 =	sadd.s32 $0x880, s3;
	[smem:$0x797] =	sst s14  }
0x28: {  	s22 =	sadd.s32 $0x980, s3;
	[smem:$0x79B] =	sst s19  }
0x29: {  	s23 =	sadd.s32 $0xA00, s3;
	[smem:$0x79D] =	sst s22  }
0x2a: {  	s13 =	sadd.s32 $0x580, s4;
	[smem:$0x79E] =	sst s23  }
0x2b: {  	s18 =	sadd.s32 s6, s16;
	[smem:$0x7AC] =	sst s13  }
0x2c: {  	s2 =	sadd.s32 s8, s16;
	[dreg:$0x10] =	wrdreg s18  }
0x2d: {  	s16 =	sadd.s32 $0x280, s3;
	[dreg:$0x11] =	wrdreg s2  }
0x2e: {  	s15 =	sadd.s32 $0x700, s3;
	[dreg:$0x1d] =	wrdreg s16  }
0x2f: {  	s20 =	sadd.s32 $0x900, s3;
	[smem:$0x798] =	sst s15  }
0x30: {  	s24 =	sadd.s32 $0xA80, s3;
	[smem:$0x79C] =	sst s20  }
0x31: {  	s26 =	sadd.s32 $0xB00, s3;
	[smem:$0x79F] =	sst s24  }
0x32: {  	s14 =	sadd.s32 $0x80, s4;
	[smem:$0x7A0] =	sst s26  }
0x33: {  	s19 =	sadd.s32 $0x280, s4;
	[smem:$0x7A2] =	sst s14  }
0x34: {  	s22 =	sadd.s32 $0x380, s4;
	[smem:$0x7A6] =	sst s19  }
0x35: {  	s23 =	sadd.s32 $0x400, s4;
	[smem:$0x7A8] =	sst s22  }
0x36: {  	s13 =	sadd.s32 $0xB00, s4;
	[smem:$0x7A9] =	sst s23  }
0x37: {  	s18 =	sadd.s32 $0x300, s3;
	[smem:$0x7B7] =	sst s13  }
0x38: {  	s16 =	sadd.s32 $0x780, s3;
	[dreg:$0x1e] =	wrdreg s18  }
0x39: {  	s15 =	sadd.s32 $0x100, s4;
	[smem:$0x799] =	sst s16  }
0x3a: {  	s20 =	sadd.s32 $0x300, s4;
	[smem:$0x7A3] =	sst s15  }
0x3b: {  	s24 =	sadd.s32 $0x480, s4;
	[smem:$0x7A7] =	sst s20  }
0x3c: {  	s26 =	sadd.s32 $0x500, s4;
	[smem:$0x7AA] =	sst s24  }
0x3d: {  	s14 =	sadd.s32 $0x600, s4;
	[smem:$0x7AB] =	sst s26  }
0x3e: {  	s19 =	sadd.s32 $0x800, s4;
	[smem:$0x7AD] =	sst s14  }
0x3f: {  	s22 =	sadd.s32 $0x900, s4;
	[smem:$0x7B1] =	sst s19  }
0x40: {  	s23 =	sadd.s32 $0x980, s4;
	[smem:$0x7B3] =	sst s22  }
0x41: {  	s18 =	sadd.s32 $0x800, s3;
	[smem:$0x7B4] =	sst s23  }
0x42: {  	s3 =	sadd.s32 $0xB80, s3;
	[smem:$0x79A] =	sst s18  }
0x43: {  	s16 =	sadd.s32 $0x180, s4;
	[smem:$0x7A1] =	sst s3  }
0x44: {  	s15 =	sadd.s32 $0x680, s4;
	[smem:$0x7A4] =	sst s16  }
0x45: {  	s20 =	sadd.s32 $0x880, s4;
	[smem:$0x7AE] =	sst s15  }
0x46: {  	s24 =	sadd.s32 $0xA00, s4;
	[smem:$0x7B2] =	sst s20  }
0x47: {  	s1 =	sadd.s32 $0x61C00, s31;
	s26 =	sadd.s32 $0xA80, s4;
	[smem:$0x7B5] =	sst s24  }
0x48: {  	s10 =	sadd.s32 s9, s1;
	s14 =	sadd.s32 $0xB80, s4;
	[smem:$0x7B6] =	sst s26  }
0x49: {  	s19 =	sadd.s32 $0x200, s10;
	[smem:$0x7B8] =	sst s14  }
0x4a: {  	s22 =	sadd.s32 $0x300, s10;
	[smem:$0x7BC] =	sst s19  }
0x4b: {  	s23 =	sadd.s32 $0x380, s10;
	[smem:$0x7BE] =	sst s22  }
0x4c: {  	s13 =	sadd.s32 $0x580, s10;
	[smem:$0x7BF] =	sst s23  }
0x4d: {  	s18 =	sadd.s32 $0x200, s4;
	[smem:$0x7C3] =	sst s13  }
0x4e: {  	s16 =	sadd.s32 $0x700, s4;
	[smem:$0x7A5] =	sst s18  }
0x4f: {  	s15 =	sadd.s32 $0x80, s10;
	[smem:$0x7AF] =	sst s16  }
0x50: {  	s20 =	sadd.s32 $0x280, s10;
	[smem:$0x7B9] =	sst s15  }
0x51: {  	s24 =	sadd.s32 $0x400, s10;
	[smem:$0x7BD] =	sst s20  }
0x52: {  	s26 =	sadd.s32 $0x480, s10;
	[smem:$0x7C0] =	sst s24  }
0x53: {  	s14 =	sadd.s32 $0x600, s10;
	[smem:$0x7C1] =	sst s26  }
0x54: {  	s19 =	sadd.s32 $0x800, s10;
	[smem:$0x7C4] =	sst s14  }
0x55: {  	s22 =	sadd.s32 $0x900, s10;
	[smem:$0x7C8] =	sst s19  }
0x56: {  	s23 =	sadd.s32 $0x980, s10;
	[smem:$0x7CA] =	sst s22  }
0x57: {  	s13 =	sadd.s32 $0xB80, s10;
	[smem:$0x7CB] =	sst s23  }
0x58: {  	s18 =	sadd.s32 $0x780, s4;
	[smem:$0x7CF] =	sst s13  }
0x59: {  	s16 =	sadd.s32 $0x100, s10;
	[smem:$0x7B0] =	sst s18  }
0x5a: {  	s4 =	sadd.s32 $0x500, s10;
	[smem:$0x7BA] =	sst s16  }
0x5b: {  	s15 =	sadd.s32 $0x680, s10;
	[smem:$0x7C2] =	sst s4  }
0x5c: {  	s20 =	sadd.s32 $0x880, s10;
	[smem:$0x7C5] =	sst s15  }
0x5d: {  	s24 =	sadd.s32 $0xA00, s10;
	[smem:$0x7C9] =	sst s20  }
0x5e: {  	s11 =	sadd.s32 s9, s21;
	s26 =	sadd.s32 $0xA80, s10;
	[smem:$0x7CC] =	sst s24  }
0x5f: {  	s14 =	sadd.s32 $0x80, s11;
	[smem:$0x7CD] =	sst s26  }
0x60: {  	s19 =	sadd.s32 $0x280, s11;
	[smem:$0x7D0] =	sst s14  }
0x61: {  	s22 =	sadd.s32 $0x380, s11;
	[smem:$0x7D4] =	sst s19  }
0x62: {  	s23 =	sadd.s32 $0x400, s11;
	[smem:$0x7D6] =	sst s22  }
0x63: {  	s13 =	sadd.s32 $0x600, s11;
	[smem:$0x7D7] =	sst s23  }
0x64: {  	s18 =	sadd.s32 $0x180, s10;
	[smem:$0x7DB] =	sst s13  }
0x65: {  	s16 =	sadd.s32 $0x700, s10;
	[smem:$0x7BB] =	sst s18  }
0x66: {  	s4 =	sadd.s32 $0xB00, s10;
	[smem:$0x7C6] =	sst s16  }
0x67: {  	s15 =	sadd.s32 $0x100, s11;
	[smem:$0x7CE] =	sst s4  }
0x68: {  	s20 =	sadd.s32 $0x300, s11;
	[smem:$0x7D1] =	sst s15  }
0x69: {  	s24 =	sadd.s32 $0x480, s11;
	[smem:$0x7D5] =	sst s20  }
0x6a: {  	s26 =	sadd.s32 $0x500, s11;
	[smem:$0x7D8] =	sst s24  }
0x6b: {  	s14 =	sadd.s32 $0x680, s11;
	[smem:$0x7D9] =	sst s26  }
0x6c: {  	s19 =	sadd.s32 $0x880, s11;
	[smem:$0x7DC] =	sst s14  }
0x6d: {  	s22 =	sadd.s32 $0x980, s11;
	[smem:$0x7E0] =	sst s19  }
0x6e: {  	s12 =	sadd.s32 s9, s25;
	s23 =	sadd.s32 $0xA00, s11;
	[smem:$0x7E2] =	sst s22  }
0x6f: {  	s13 =	sadd.s32 $0x80, s12;
	[smem:$0x7E3] =	sst s23  }
0x70: {  	s18 =	sadd.s32 $0x780, s10;
	[smem:$0x7E7] =	sst s13  }
0x71: {  	s16 =	sadd.s32 $0x180, s11;
	[smem:$0x7C7] =	sst s18  }
0x72: {  	s4 =	sadd.s32 $0x580, s11;
	[smem:$0x7D2] =	sst s16  }
0x73: {  	s15 =	sadd.s32 $0x700, s11;
	[smem:$0x7DA] =	sst s4  }
0x74: {  	s20 =	sadd.s32 $0x900, s11;
	[smem:$0x7DD] =	sst s15  }
0x75: {  	s24 =	sadd.s32 $0xA80, s11;
	[smem:$0x7E1] =	sst s20  }
0x76: {  	s26 =	sadd.s32 $0xB00, s11;
	[smem:$0x7E4] =	sst s24  }
0x77: {  	s14 =	sadd.s32 $0x100, s12;
	[smem:$0x7E5] =	sst s26  }
0x78: {  	s19 =	sadd.s32 $0x300, s12;
	[smem:$0x7E8] =	sst s14  }
0x79: {  	s22 =	sadd.s32 $0x400, s12;
	[smem:$0x7EC] =	sst s19  }
0x7a: {  	s23 =	sadd.s32 $0x480, s12;
	[smem:$0x7EE] =	sst s22  }
0x7b: {  	s13 =	sadd.s32 $0x680, s12;
	[smem:$0x7EF] =	sst s23  }
0x7c: {  	s18 =	sadd.s32 $0x200, s11;
	[smem:$0x7F3] =	sst s13  }
0x7d: {  	s16 =	sadd.s32 $0x780, s11;
	[smem:$0x7D3] =	sst s18  }
0x7e: {  	s4 =	sadd.s32 $0xB80, s11;
	[smem:$0x7DE] =	sst s16  }
0x7f: {  	s15 =	sadd.s32 $0x180, s12;
	[smem:$0x7E6] =	sst s4  }
0x80: {  	s20 =	sadd.s32 $0x380, s12;
	[smem:$0x7E9] =	sst s15  }
0x81: {  	s24 =	sadd.s32 $0x500, s12;
	[smem:$0x7ED] =	sst s20  }
0x82: {  	s26 =	sadd.s32 $0x580, s12;
	[smem:$0x7F0] =	sst s24  }
0x83: {  	s14 =	sadd.s32 $0x700, s12;
	[smem:$0x7F1] =	sst s26  }
0x84: {  	s19 =	sadd.s32 $0x900, s12;
	[smem:$0x7F4] =	sst s14  }
0x85: {  	s22 =	sadd.s32 $0xA00, s12;
	[smem:$0x7F8] =	sst s19  }
0x86: {  	s28 =	simm.s32 $0x2;
	s23 =	sadd.s32 $0xA80, s12;
	[smem:$0x7FA] =	sst s22  }
0x87: {  	s7 =	simm.s32 $0xFFFFF380;
	s18 =	sadd.s32 $0x800, s11;
	[smem:$0x7FB] =	sst s23  }
0x88: {  	s7 =	simm.s32 @!p0 $0xFFFFF400;
	s16 =	sadd.s32 $0x200, s12;
	[smem:$0x7DF] =	sst s18  }
0x89: {  	s29 =	sshrl.u32 s9, $0x7;
	s4 =	sadd.s32 $0x600, s12;
	[smem:$0x7EA] =	sst s16  }
0x8a: {  	s30 =	sshll.u32 s9, $0x3;
	s15 =	sadd.s32 $0x780, s12;
	[smem:$0x7F2] =	sst s4  }
0x8b: {  	s0 =	ssub.s32 $0x0, s30;
	s20 =	sadd.s32 $0x980, s12;
	[smem:$0x7F5] =	sst s15  }
0x8c: {  	s2 =	sshrl.u32 s9, $0x4;
	s24 =	sadd.s32 $0xB00, s12;
	[smem:$0x7F9] =	sst s20  }
0x8d: {  	s26 =	sadd.s32 $0xB80, s12;
	s22 =	simm.s32 $0x400;
	[smem:$0x7FC] =	sst s24  }
0x8e: {  	v0 =	vlaneseq.u32;
	s23 =	simm.s32 $0x6800;
	s18 =	sadd.s32 $0x280, s12;
	[smem:$0x7FD] =	sst s26  }
0x8f: {  	v0 =	vmul.u32 $0xFFFFFFFF, v0;
	s19 =	simm.s32 $0x3;
	s16 =	sadd.s32 $0x800, s12;
	[smem:$0x7EB] =	sst s18  }
0x90: {  	s24 =	simm.s32 $0x4;
	[smem:$0x7F6] =	sst s16;
	s18 =	sadd.s32 $0x880, s12  }
0x91: {  	v0 =	vadd.s32 $0x186A0, v0;
	s26 =	simm.s32 $0x1;
	s20 =	simm.s32 $0x0;
	[smem:$0x7F7] =	sst s18  }
.LBB2_1:
0x92: {  	s3 =	rddreg [dreg:$0x12]  }
0x93: {  	[tilespmem:s22], [sflag:$0x1] =	stream.linear.gather [hbm4b:s3+s5], s30, $0x38;
	[tilespmem:$0x168C0] =	vst v63  }
0x94: {  	s4 =	rddreg [dreg:$0x8]  }
0x95: {  	[tilespmem:s23], [sflag:$0x2] =	stream.linear.gather [hbm4b:s4+s5], $0x6000, $0x38;
	[tilespmem:$0x168C0] =	vst v63  }
0x96: {  	s13 =	rddreg [dreg:$0x9];
	s4 =	simm.s32 $0xE000  }
0x97: {  	[tilespmem:s4], [sflag:$0x4] =	stream.linear.gather [hbm4b:s13+s5], $0x200, $0x38;
	[tilespmem:$0x168C0] =	vst v63  }
0x98: {  	_ =	swait.ge [sflag:s24], $0x200  }
0x99: {  	[sflag:s24] =	ssyncset.done $0x0  }
0x9a: {  	s13 =	simm.s32 $0xE200;
	s14 =	rddreg [dreg:$0xa];
	[sflag:s24] =	ssyncadd.s32 $0xFFFFFE00  }
0x9b: {  	[tilespmem:s13], [sflag:$0x4] =	stream.linear.gather [hbm4b:s14+s5], $0x200, $0x38;
	[tilespmem:$0x168C0] =	vst v63  }
0x9c: {  	_ =	swait.ge [sflag:s24], $0x200  }
0x9d: {  	[sflag:s24] =	ssyncset.done $0x0  }
0x9e: {  	[sflag:s24] =	ssyncadd.s32 $0xFFFFFE00  }
0x9f: {  	s15 =	rddreg [dreg:$0x3]  }
0xa0: {  	[tilespmem:s5], [sflag:$0x4] =	stream.linear.gather [hbm4b:s15+s5], $0x400, $0x38;
	[tilespmem:$0x168C0] =	vst v63  }
0xa1: {  	_ =	swait.ge [sflag:s24], $0x400  }
0xa2: {  	[sflag:s24] =	ssyncset.done $0x0  }
0xa3: {  	[sflag:s24] =	ssyncadd.s32 $0xFFFFFC00  }
0xa4: {  	v1 =	vld [tilespmem:s4+$0x0];
	_ =	sdelay $0x3  }
0xa5: {  	s16 =	simm.s32 $0xCC00  }
0xa6: {  	s18 =	sand.u32 $0x1F0, s5;
	[tilespmem:s16+$0x0] =	vst v1;
	v2 =	vadd.s32 $0x18700, v1  }
0xa7: {  	v3 =	vadd.s32 $0x30E00, v1;
	[tilespmem:s18+$0xCE00] =	vst v2  }
0xa8: {  	v2 =	vadd.s32 $0x49500, v1;
	[tilespmem:s18+$0xD000] =	vst v3  }
0xa9: {  	v1 =	vadd.s32 $0x61C00, v1;
	[tilespmem:s18+$0xD200] =	vst v2  }
0xaa: {  	s14 =	simm.s32 $0xE010;
	[tilespmem:s18+$0xD400] =	vst v1  }
0xab: {  	s13 =	simm.s32 $0x10;
	s15 =	simm.s32 $0xCC00;
	s16 =	simm.s32 $0x20;
	v1 =	vld [tilespmem:s14+$0x0]  }
.LBB2_2:
0xac: {  	p0 =	sne.s32 s16, $0x1F0;
	_ =	sdelay $0x2  }
0xad: {  	s15 =	sadd.s32 $0x10, s15  }
0xae: {  	s4 =	sand.u32 $0x1F0, s13;
	s13 =	smov.u32 s16;
	[tilespmem:s15+$0x0] =	vst v1;
	v2 =	vadd.s32 $0x18700, v1;
	v3 =	vadd.s32 $0x30E00, v1;
	v4 =	vadd.s32 $0x49500, v1  }
.Ltmp0:
0xaf: {  	v1 =	vadd.s32 $0x61C00, v1;
	[tilespmem:s4+$0xCE00] =	vst v2;
	(pc) =	sbr.rel @p0 .LBB2_2-.Ltmp0, $4  }
0xb0: {  	[tilespmem:s4+$0xD000] =	vst v3  }
0xb1: {  	[tilespmem:s4+$0xD200] =	vst v4  }
0xb2: {  	s14 =	sadd.s32 $0x10, s14;
	[tilespmem:s4+$0xD400] =	vst v1  }
0xb3: {  	s16 =	sadd.s32 $0x10, s16;
	v1 =	vld [tilespmem:s14+$0x0]  }
0xb4: {  	_ =	sdelay $0x2  }
0xb5: {  	s4 =	sadd.s32 $0x10, s15  }
0xb6: {  	s18 =	sand.u32 $0x1F0, s13;
	[tilespmem:s4+$0x0] =	vst v1;
	v2 =	vadd.s32 $0x18700, v1  }
0xb7: {  	v3 =	vadd.s32 $0x30E00, v1;
	[tilespmem:s18+$0xCE00] =	vst v2  }
0xb8: {  	v2 =	vadd.s32 $0x49500, v1;
	[tilespmem:s18+$0xD000] =	vst v3  }
0xb9: {  	p0 =	sne.s32 s29, $0x1;
	v1 =	vadd.s32 $0x61C00, v1;
	[tilespmem:s18+$0xD200] =	vst v2  }
.Ltmp1:
0xba: {  	[tilespmem:s18+$0xD400] =	vst v1;
	(pc) =	sbr.rel @!p0 .LBB2_5-.Ltmp1, $4  }
0xbb: {  	_ =	swait.ge [sflag:s26], s30  }
0xbc: {  	s13 =	simm.s32 $0x400;
	[sflag:s26] =	ssyncset.done $0x0  }
0xbd: {  	s14 =	sadd.s32 $0xFFFFFFFF, s29;
	s4 =	smov.u32 s31;
	[sflag:s26] =	ssyncadd.s32 s0  }
0xbe: {  	[spmem:s31] =	stream.linear.scatter [tilespmem:s13], [sflag:$0x4], $0x80, $0x38;
	[tilespmem:$0x168C0] =	vst v63  }
.LBB2_4:
0xbf: {  	p1 =	sne.s32 s14, $0x1  }
.Ltmp2:
0xc0: {  	_ = 	snop;
	(pc) =	sbr.rel @p1 .LBB2_4-.Ltmp2, $4  }
0xc1: {  	_ = 	snop  }
0xc2: {  	s4 =	sadd.s32 $0x80, s4;
	s13 =	sadd.s32 $0x400, s13  }
0xc3: {  	s14 =	sadd.s32 $0xFFFFFFFF, s14  }
0xc4: {  	[spmem:s4] =	stream.linear.scatter [tilespmem:s13], [sflag:$0x4], $0x80, $0x38;
	[tilespmem:$0x168C0] =	vst v63  }
.LBB2_5:
0xc5: {  	_ =	swait.ge [sflag:s24], s9  }
0xc6: {  	[sflag:s24] =	ssyncset.done $0x0  }
0xc7: {  	s14 =	simm.s32 $0x0;
	s3 =	rddreg [dreg:$0xb];
	[sflag:s24] =	ssyncadd.s32 s7  }
0xc8: {  	[tilespmem:s22], [sflag:$0x1] =	stream.linear.gather [hbm4b:s3+s14], s30, $0x38;
	[tilespmem:$0x168C0] =	vst v63  }
0xc9: {  	_ =	swait.ge [sflag:s28], $0x6000  }
0xca: {  	[sflag:s28] =	ssyncset.done $0x0;
	s13 =	rddreg [dreg:$0x17]  }
0xcb: {  	s15 =	rddreg [dreg:$0x19];
	[sflag:s28] =	ssyncadd.s32 $0xFFFFA000  }
0xcc: {  	[spmem:s13] =	stream.linear.scatter [tilespmem:s23], [sflag:$0x4], $0x80, $0x38;
	[tilespmem:$0x168C0] =	vst v63  }
0xcd: {  	s4 =	simm.s32 $0x6C00;
	s16 =	rddreg [dreg:$0x1a]  }
0xce: {  	[spmem:s15] =	stream.linear.scatter [tilespmem:s4], [sflag:$0x4], $0x80, $0x38;
	[tilespmem:$0x168C0] =	vst v63  }
0xcf: {  	s18 =	simm.s32 $0x7000;
	s13 =	rddreg [dreg:$0x1b]  }
0xd0: {  	[spmem:s16] =	stream.linear.scatter [tilespmem:s18], [sflag:$0x4], $0x80, $0x38;
	[tilespmem:$0x168C0] =	vst v63  }
0xd1: {  	s15 =	simm.s32 $0x7400;
	s16 =	rddreg [dreg:$0x1c]  }
0xd2: {  	[spmem:s13] =	stream.linear.scatter [tilespmem:s15], [sflag:$0x4], $0x80, $0x38;
	[tilespmem:$0x168C0] =	vst v63  }
0xd3: {  	s18 =	simm.s32 $0x7800;
	s13 =	rddreg [dreg:$0x1d]  }
0xd4: {  	[spmem:s16] =	stream.linear.scatter [tilespmem:s18], [sflag:$0x4], $0x80, $0x38;
	[tilespmem:$0x168C0] =	vst v63  }
0xd5: {  	s15 =	simm.s32 $0x7C00;
	s16 =	rddreg [dreg:$0x1e]  }
0xd6: {  	[spmem:s13] =	stream.linear.scatter [tilespmem:s15], [sflag:$0x4], $0x80, $0x38;
	[tilespmem:$0x168C0] =	vst v63  }
0xd7: {  	s18 =	simm.s32 $0x8000;
	s13 =	rddreg [dreg:$0x1f]  }
0xd8: {  	[spmem:s16] =	stream.linear.scatter [tilespmem:s18], [sflag:$0x4], $0x80, $0x38;
	[tilespmem:$0x168C0] =	vst v63  }
0xd9: {  	s15 =	simm.s32 $0x8400;
	s16 =	sld [smem:$0x792]  }
0xda: {  	[spmem:s13] =	stream.linear.scatter [tilespmem:s15], [sflag:$0x4], $0x80, $0x38;
	[tilespmem:$0x168C0] =	vst v63  }
0xdb: {  	s18 =	simm.s32 $0x8800;
	s13 =	sld [smem:$0x793]  }
0xdc: {  	[spmem:s16] =	stream.linear.scatter [tilespmem:s18], [sflag:$0x4], $0x80, $0x38;
	[tilespmem:$0x168C0] =	vst v63  }
0xdd: {  	s15 =	simm.s32 $0x8C00;
	s16 =	sld [smem:$0x794]  }
0xde: {  	[spmem:s13] =	stream.linear.scatter [tilespmem:s15], [sflag:$0x4], $0x80, $0x38;
	[tilespmem:$0x168C0] =	vst v63  }
0xdf: {  	s18 =	simm.s32 $0x9000;
	s13 =	sld [smem:$0x795]  }
0xe0: {  	[spmem:s16] =	stream.linear.scatter [tilespmem:s18], [sflag:$0x4], $0x80, $0x38;
	[tilespmem:$0x168C0] =	vst v63  }
0xe1: {  	s15 =	simm.s32 $0x9400;
	s16 =	sld [smem:$0x796]  }
0xe2: {  	[spmem:s13] =	stream.linear.scatter [tilespmem:s15], [sflag:$0x4], $0x80, $0x38;
	[tilespmem:$0x168C0] =	vst v63  }
0xe3: {  	s18 =	simm.s32 $0x9800;
	s13 =	sld [smem:$0x797]  }
0xe4: {  	[spmem:s16] =	stream.linear.scatter [tilespmem:s18], [sflag:$0x4], $0x80, $0x38;
	[tilespmem:$0x168C0] =	vst v63  }
0xe5: {  	s15 =	simm.s32 $0x9C00;
	s16 =	sld [smem:$0x798]  }
0xe6: {  	[spmem:s13] =	stream.linear.scatter [tilespmem:s15], [sflag:$0x4], $0x80, $0x38;
	[tilespmem:$0x168C0] =	vst v63  }
0xe7: {  	s18 =	simm.s32 $0xA000;
	s13 =	sld [smem:$0x799]  }
0xe8: {  	[spmem:s16] =	stream.linear.scatter [tilespmem:s18], [sflag:$0x4], $0x80, $0x38;
	[tilespmem:$0x168C0] =	vst v63  }
0xe9: {  	s15 =	simm.s32 $0xA400;
	s16 =	sld [smem:$0x79A]  }
0xea: {  	[spmem:s13] =	stream.linear.scatter [tilespmem:s15], [sflag:$0x4], $0x80, $0x38;
	[tilespmem:$0x168C0] =	vst v63  }
0xeb: {  	s18 =	simm.s32 $0xA800;
	s13 =	sld [smem:$0x79B]  }
0xec: {  	[spmem:s16] =	stream.linear.scatter [tilespmem:s18], [sflag:$0x4], $0x80, $0x38;
	[tilespmem:$0x168C0] =	vst v63  }
0xed: {  	s15 =	simm.s32 $0xAC00;
	s16 =	sld [smem:$0x79C]  }
0xee: {  	[spmem:s13] =	stream.linear.scatter [tilespmem:s15], [sflag:$0x4], $0x80, $0x38;
	[tilespmem:$0x168C0] =	vst v63  }
0xef: {  	s18 =	simm.s32 $0xB000;
	s13 =	sld [smem:$0x79D]  }
0xf0: {  	[spmem:s16] =	stream.linear.scatter [tilespmem:s18], [sflag:$0x4], $0x80, $0x38;
	[tilespmem:$0x168C0] =	vst v63  }
0xf1: {  	s15 =	simm.s32 $0xB400;
	s16 =	sld [smem:$0x79E]  }
0xf2: {  	[spmem:s13] =	stream.linear.scatter [tilespmem:s15], [sflag:$0x4], $0x80, $0x38;
	[tilespmem:$0x168C0] =	vst v63  }
0xf3: {  	s18 =	simm.s32 $0xB800;
	s13 =	sld [smem:$0x79F]  }
0xf4: {  	[spmem:s16] =	stream.linear.scatter [tilespmem:s18], [sflag:$0x4], $0x80, $0x38;
	[tilespmem:$0x168C0] =	vst v63  }
0xf5: {  	s15 =	simm.s32 $0xBC00;
	s16 =	sld [smem:$0x7A0]  }
0xf6: {  	[spmem:s13] =	stream.linear.scatter [tilespmem:s15], [sflag:$0x4], $0x80, $0x38;
	[tilespmem:$0x168C0] =	vst v63  }
0xf7: {  	s18 =	simm.s32 $0xC000;
	s13 =	sld [smem:$0x7A1]  }
0xf8: {  	[spmem:s16] =	stream.linear.scatter [tilespmem:s18], [sflag:$0x4], $0x80, $0x38;
	[tilespmem:$0x168C0] =	vst v63  }
0xf9: {  	s15 =	simm.s32 $0xC400  }
0xfa: {  	[spmem:s13] =	stream.linear.scatter [tilespmem:s15], [sflag:$0x4], $0x80, $0x38;
	[tilespmem:$0x168C0] =	vst v63  }
0xfb: {  	_ =	swait.ge [sflag:s24], $0xC00  }
0xfc: {  	[sflag:s24] =	ssyncset.done $0x0  }
0xfd: {  	s16 =	rddreg [dreg:$0xc];
	[sflag:s24] =	ssyncadd.s32 $0xFFFFF400  }
0xfe: {  	[tilespmem:s23], [sflag:$0x2] =	stream.linear.gather [hbm4b:s16+s14], $0x6000, $0x38;
	[tilespmem:$0x168C0] =	vst v63  }
0xff: {  	p1 =	sne.s32 s2, $0x1;
	s18 =	sand.u32 $0xFFFFFC00, s14;
	_ =	swait.ge [sflag:s26], s30  }
.Ltmp3:
0x100: {  	s13 =	sand.u32 $0x70, s14;
	[sflag:s26] =	ssyncset.done $0x0;
	(pc) =	sbr.rel @!p1 .LBB2_7-.Ltmp3, $4  }
0x101: {  	s4 =	sor.u32 s13, s18;
	[sflag:s26] =	ssyncadd.s32 s0  }
0x102: {  	v2 =	vld [tilespmem:s4+$0x400]  }
0x103: {  	s15 =	sadd.s32 $0xFFFFFFFF, s2  }
0x104: {  	v1 =	vimm.f32 $0.0e+00;
	s18 =	simm.s32 $0x0;
	s16 =	simm.s32 $0x10;
	s4 =	sadd.s32 $0x0, s6  }
.LBB2_6:
0x105: {  	s3 =	sand.u32 $0x70, s16;
	v3 =	vmov s4;
	s18 =	sadd.s32 $0x80, s18;
	p1 =	sne.s32 s15, $0x1  }
.Ltmp4:
0x106: {  	s15 =	sadd.s32 $0xFFFFFFFF, s15;
	s4 =	sand.u32 $0xFFFFFC00, s18;
	vm0 =	vlt.s32 v3, v0;
	(pc) =	sbr.rel @p1 .LBB2_6-.Ltmp4, $3  }
0x107: {  	s3 =	sor.u32 s3, s4;
	v3 =	vnsel vm0, $0x0, v2  }
0x108: {  	v2 =	vld [tilespmem:s3+$0x400];
	v1 =	vadd.f32 v3, v1;
	_ =	sdelay $0x1  }
0x109: {  	s4 =	sadd.s32 s16, s6;
	s16 =	sadd.s32 $0x10, s16  }
.LBB2_7:
0x10a: {  	s3 =	rddreg [dreg:$0xd]  }
0x10b: {  	[tilespmem:s22], [sflag:$0x1] =	stream.linear.gather [hbm4b:s3+s14], s30, $0x38;
	[tilespmem:$0x168C0] =	vst v63  }
0x10c: {  	v3 =	vmov s4;
	_ =	swait.ge [sflag:s28], $0x6000  }
0x10d: {  	s18 =	sand.u32 $0x7C00, s14;
	vm0 =	vlt.s32 v3, v0;
	[sflag:s28] =	ssyncset.done $0x0  }
0x10e: {  	s3 =	sor.u32 s13, s18;
	v2 =	vnsel vm0, $0x0, v2;
	[sflag:s28] =	ssyncadd.s32 $0xFFFFA000  }
0x10f: {  	v1 =	vadd.f32 v2, v1;
	v2 =	vld [tilespmem:s3+$0x6800]  }
0x110: {  	s4 =	sadd.s32 $0x0, s8;
	s13 =	simm.s32 $0x10  }
.LBB2_8:
0x111: {  	s3 =	sand.u32 $0x70, s13;
	p1 =	slt.u32 s4, $0x186A0  }
0x112: {  	s14 =	sadd.s32 $0x80, s14;
	s4 =	smov.u32 s13;
	p2 =	sne.s32 s13, $0xBF0  }
.Ltmp5:
0x113: {  	s13 =	sadd.s32 $0x10, s13;
	s15 =	sand.u32 $0x7C00, s14;
	(pc) =	sbr.rel @p2 .LBB2_8-.Ltmp5, $3  }
0x114: {  	s3 =	sor.u32 s3, s15;
	v3 =	vpsel !p1, $0x0, v2  }
0x115: {  	v2 =	vld [tilespmem:s3+$0x6800];
	v1 =	vadd.f32 v3, v1;
	_ =	sdelay $0x1  }
0x116: {  	s4 =	sadd.s32 s4, s8  }
0x117: {  	s3 =	rddreg [dreg:$0xe]  }
0x118: {  	[tilespmem:s23], [sflag:$0x2] =	stream.linear.gather [hbm4b:s3+s5], $0x6000, $0x38;
	[tilespmem:$0x168C0] =	vst v63  }
.Ltmp6:
0x119: {  	_ = 	snop;
	(pc) =	sbr.rel @!p0 .LBB2_11-.Ltmp6, $4  }
0x11a: {  	_ =	swait.ge [sflag:s26], s30  }
0x11b: {  	p1 =	slt.u32 s4, $0x186A0;
	s13 =	simm.s32 $0x700;
	[sflag:s26] =	ssyncset.done $0x0  }
0x11c: {  	s14 =	sadd.s32 $0xFFFFFFFF, s29;
	s4 =	smov.u32 s17;
	v2 =	vpsel !p1, $0x0, v2;
	[sflag:s26] =	ssyncadd.s32 s0  }
0x11d: {  	v1 =	vadd.f32 v2, v1;
	[spmem:s17] =	stream.linear.scatter [tilespmem:s13], [sflag:$0x4], $0x80, $0x38;
	[tilespmem:$0x168C0] =	vst v63  }
.LBB2_10:
0x11e: {  	p1 =	sne.s32 s14, $0x1  }
.Ltmp7:
0x11f: {  	_ = 	snop;
	(pc) =	sbr.rel @p1 .LBB2_10-.Ltmp7, $4  }
0x120: {  	_ = 	snop  }
0x121: {  	s4 =	sadd.s32 $0x80, s4;
	s13 =	sadd.s32 $0x400, s13  }
0x122: {  	s14 =	sadd.s32 $0xFFFFFFFF, s14  }
0x123: {  	[spmem:s4] =	stream.linear.scatter [tilespmem:s13], [sflag:$0x4], $0x80, $0x38;
	[tilespmem:$0x168C0] =	vst v63  }
.LBB2_11:
0x124: {  	_ =	swait.ge [sflag:s24], s9  }
0x125: {  	[sflag:s24] =	ssyncset.done $0x0  }
0x126: {  	s13 =	simm.s32 $0x400;
	s3 =	rddreg [dreg:$0x10];
	[sflag:s24] =	ssyncadd.s32 s7  }
0x127: {  	[tilespmem:s13], [sflag:$0x1] =	stream.linear.gather [hbm4b:s3+s5], s30, $0x38;
	[tilespmem:$0x168C0] =	vst v63  }
0x128: {  	_ =	swait.ge [sflag:s28], $0x6000  }
0x129: {  	[sflag:s28] =	ssyncset.done $0x0;
	s15 =	rddreg [dreg:$0x18]  }
0x12a: {  	s4 =	simm.s32 $0x6B00;
	s16 =	sld [smem:$0x7A2];
	[sflag:s28] =	ssyncadd.s32 $0xFFFFA000  }
0x12b: {  	[spmem:s15] =	stream.linear.scatter [tilespmem:s4], [sflag:$0x4], $0x80, $0x38;
	[tilespmem:$0x168C0] =	vst v63  }
0x12c: {  	s18 =	simm.s32 $0x6F00;
	s14 =	sld [smem:$0x7A3]  }
0x12d: {  	[spmem:s16] =	stream.linear.scatter [tilespmem:s18], [sflag:$0x4], $0x80, $0x38;
	[tilespmem:$0x168C0] =	vst v63  }
0x12e: {  	s15 =	simm.s32 $0x7300;
	s16 =	sld [smem:$0x7A4]  }
0x12f: {  	[spmem:s14] =	stream.linear.scatter [tilespmem:s15], [sflag:$0x4], $0x80, $0x38;
	[tilespmem:$0x168C0] =	vst v63  }
0x130: {  	s18 =	simm.s32 $0x7700;
	s14 =	sld [smem:$0x7A5]  }
0x131: {  	[spmem:s16] =	stream.linear.scatter [tilespmem:s18], [sflag:$0x4], $0x80, $0x38;
	[tilespmem:$0x168C0] =	vst v63  }
0x132: {  	s15 =	simm.s32 $0x7B00;
	s16 =	sld [smem:$0x7A6]  }
0x133: {  	[spmem:s14] =	stream.linear.scatter [tilespmem:s15], [sflag:$0x4], $0x80, $0x38;
	[tilespmem:$0x168C0] =	vst v63  }
0x134: {  	s18 =	simm.s32 $0x7F00;
	s14 =	sld [smem:$0x7A7]  }
0x135: {  	[spmem:s16] =	stream.linear.scatter [tilespmem:s18], [sflag:$0x4], $0x80, $0x38;
	[tilespmem:$0x168C0] =	vst v63  }
0x136: {  	s15 =	simm.s32 $0x8300;
	s16 =	sld [smem:$0x7A8]  }
0x137: {  	[spmem:s14] =	stream.linear.scatter [tilespmem:s15], [sflag:$0x4], $0x80, $0x38;
	[tilespmem:$0x168C0] =	vst v63  }
0x138: {  	s18 =	simm.s32 $0x8700;
	s14 =	sld [smem:$0x7A9]  }
0x139: {  	[spmem:s16] =	stream.linear.scatter [tilespmem:s18], [sflag:$0x4], $0x80, $0x38;
	[tilespmem:$0x168C0] =	vst v63  }
0x13a: {  	s15 =	simm.s32 $0x8B00;
	s16 =	sld [smem:$0x7AA]  }
0x13b: {  	[spmem:s14] =	stream.linear.scatter [tilespmem:s15], [sflag:$0x4], $0x80, $0x38;
	[tilespmem:$0x168C0] =	vst v63  }
0x13c: {  	s18 =	simm.s32 $0x8F00;
	s14 =	sld [smem:$0x7AB]  }
0x13d: {  	[spmem:s16] =	stream.linear.scatter [tilespmem:s18], [sflag:$0x4], $0x80, $0x38;
	[tilespmem:$0x168C0] =	vst v63  }
0x13e: {  	s15 =	simm.s32 $0x9300;
	s16 =	sld [smem:$0x7AC]  }
0x13f: {  	[spmem:s14] =	stream.linear.scatter [tilespmem:s15], [sflag:$0x4], $0x80, $0x38;
	[tilespmem:$0x168C0] =	vst v63  }
0x140: {  	s18 =	simm.s32 $0x9700;
	s14 =	sld [smem:$0x7AD]  }
0x141: {  	[spmem:s16] =	stream.linear.scatter [tilespmem:s18], [sflag:$0x4], $0x80, $0x38;
	[tilespmem:$0x168C0] =	vst v63  }
0x142: {  	s15 =	simm.s32 $0x9B00;
	s16 =	sld [smem:$0x7AE]  }
0x143: {  	[spmem:s14] =	stream.linear.scatter [tilespmem:s15], [sflag:$0x4], $0x80, $0x38;
	[tilespmem:$0x168C0] =	vst v63  }
0x144: {  	s18 =	simm.s32 $0x9F00;
	s14 =	sld [smem:$0x7AF]  }
0x145: {  	[spmem:s16] =	stream.linear.scatter [tilespmem:s18], [sflag:$0x4], $0x80, $0x38;
	[tilespmem:$0x168C0] =	vst v63  }
0x146: {  	s15 =	simm.s32 $0xA300;
	s16 =	sld [smem:$0x7B0]  }
0x147: {  	[spmem:s14] =	stream.linear.scatter [tilespmem:s15], [sflag:$0x4], $0x80, $0x38;
	[tilespmem:$0x168C0] =	vst v63  }
0x148: {  	s18 =	simm.s32 $0xA700;
	s14 =	sld [smem:$0x7B1]  }
0x149: {  	[spmem:s16] =	stream.linear.scatter [tilespmem:s18], [sflag:$0x4], $0x80, $0x38;
	[tilespmem:$0x168C0] =	vst v63  }
0x14a: {  	s15 =	simm.s32 $0xAB00;
	s16 =	sld [smem:$0x7B2]  }
0x14b: {  	[spmem:s14] =	stream.linear.scatter [tilespmem:s15], [sflag:$0x4], $0x80, $0x38;
	[tilespmem:$0x168C0] =	vst v63  }
0x14c: {  	s18 =	simm.s32 $0xAF00;
	s14 =	sld [smem:$0x7B3]  }
0x14d: {  	[spmem:s16] =	stream.linear.scatter [tilespmem:s18], [sflag:$0x4], $0x80, $0x38;
	[tilespmem:$0x168C0] =	vst v63  }
0x14e: {  	s15 =	simm.s32 $0xB300;
	s16 =	sld [smem:$0x7B4]  }
0x14f: {  	[spmem:s14] =	stream.linear.scatter [tilespmem:s15], [sflag:$0x4], $0x80, $0x38;
	[tilespmem:$0x168C0] =	vst v63  }
0x150: {  	s18 =	simm.s32 $0xB700;
	s14 =	sld [smem:$0x7B5]  }
0x151: {  	[spmem:s16] =	stream.linear.scatter [tilespmem:s18], [sflag:$0x4], $0x80, $0x38;
	[tilespmem:$0x168C0] =	vst v63  }
0x152: {  	s15 =	simm.s32 $0xBB00;
	s16 =	sld [smem:$0x7B6]  }
0x153: {  	[spmem:s14] =	stream.linear.scatter [tilespmem:s15], [sflag:$0x4], $0x80, $0x38;
	[tilespmem:$0x168C0] =	vst v63  }
0x154: {  	s4 =	sld [smem:$0x7B7];
	s18 =	simm.s32 $0xBF00  }
0x155: {  	[spmem:s16] =	stream.linear.scatter [tilespmem:s18], [sflag:$0x4], $0x80, $0x38;
	[tilespmem:$0x168C0] =	vst v63  }
0x156: {  	s14 =	simm.s32 $0xC300;
	s15 =	sld [smem:$0x7B8]  }
0x157: {  	[spmem:s4] =	stream.linear.scatter [tilespmem:s14], [sflag:$0x4], $0x80, $0x38;
	[tilespmem:$0x168C0] =	vst v63  }
0x158: {  	s16 =	simm.s32 $0xC700  }
0x159: {  	[spmem:s15] =	stream.linear.scatter [tilespmem:s16], [sflag:$0x4], $0x80, $0x38;
	[tilespmem:$0x168C0] =	vst v63  }
0x15a: {  	_ =	swait.ge [sflag:s24], $0xC00  }
0x15b: {  	[sflag:s24] =	ssyncset.done $0x0  }
0x15c: {  	s18 =	rddreg [dreg:$0x11];
	[sflag:s24] =	ssyncadd.s32 $0xFFFFF400  }
0x15d: {  	[tilespmem:s23], [sflag:$0x2] =	stream.linear.gather [hbm4b:s18+s5], $0x6000, $0x38;
	[tilespmem:$0x168C0] =	vst v63  }
.Ltmp8:
0x15e: {  	_ = 	snop;
	(pc) =	sbr.rel @!p0 .LBB2_13-.Ltmp8, $4  }
0x15f: {  	_ =	swait.ge [sflag:s26], s30  }
0x160: {  	[sflag:s26] =	ssyncset.done $0x0  }
0x161: {  	s14 =	sadd.s32 $0xFFFFFFFF, s29;
	s4 =	smov.u32 s1;
	[sflag:s26] =	ssyncadd.s32 s0  }
0x162: {  	[spmem:s1] =	stream.linear.scatter [tilespmem:s13], [sflag:$0x4], $0x80, $0x38;
	[tilespmem:$0x168C0] =	vst v63  }
.LBB2_12:
0x163: {  	p1 =	sne.s32 s14, $0x1  }
.Ltmp9:
0x164: {  	_ = 	snop;
	(pc) =	sbr.rel @p1 .LBB2_12-.Ltmp9, $4  }
0x165: {  	_ = 	snop  }
0x166: {  	s4 =	sadd.s32 $0x80, s4;
	s13 =	sadd.s32 $0x400, s13  }
0x167: {  	s14 =	sadd.s32 $0xFFFFFFFF, s14  }
0x168: {  	[spmem:s4] =	stream.linear.scatter [tilespmem:s13], [sflag:$0x4], $0x80, $0x38;
	[tilespmem:$0x168C0] =	vst v63  }
.LBB2_13:
.Ltmp10:
0x169: {  	(pc) =	sbr.rel @!p0 .LBB2_15-.Ltmp10, $4  }
0x16a: {  	_ =	swait.ge [sflag:s24], s9  }
0x16b: {  	s13 =	simm.s32 $0x480;
	[sflag:s24] =	ssyncset.done $0x0  }
0x16c: {  	s14 =	sadd.s32 $0xFFFFFFFF, s29;
	s4 =	smov.u32 s21;
	[sflag:s24] =	ssyncadd.s32 s7  }
0x16d: {  	[spmem:s21] =	stream.linear.scatter [tilespmem:s13], [sflag:$0x4], $0x80, $0x38;
	[tilespmem:$0x168C0] =	vst v63  }
.LBB2_14:
0x16e: {  	p1 =	sne.s32 s14, $0x1  }
.Ltmp11:
0x16f: {  	_ = 	snop;
	(pc) =	sbr.rel @p1 .LBB2_14-.Ltmp11, $4  }
0x170: {  	_ = 	snop  }
0x171: {  	s4 =	sadd.s32 $0x80, s4;
	s13 =	sadd.s32 $0x400, s13  }
0x172: {  	s14 =	sadd.s32 $0xFFFFFFFF, s14  }
0x173: {  	[spmem:s4] =	stream.linear.scatter [tilespmem:s13], [sflag:$0x4], $0x80, $0x38;
	[tilespmem:$0x168C0] =	vst v63  }
.LBB2_15:
0x174: {  	_ =	swait.ge [sflag:s24], s9  }
0x175: {  	[sflag:s24] =	ssyncset.done $0x0  }
0x176: {  	s3 =	rddreg [dreg:$0x13];
	[sflag:s24] =	ssyncadd.s32 s7  }
0x177: {  	[tilespmem:s22], [sflag:$0x1] =	stream.linear.gather [hbm4b:s3+s5], s30, $0x38;
	[tilespmem:$0x168C0] =	vst v63  }
0x178: {  	_ =	swait.ge [sflag:s28], $0x6000  }
0x179: {  	[sflag:s28] =	ssyncset.done $0x0  }
0x17a: {  	s13 =	sld [smem:$0x7B9];
	[sflag:s28] =	ssyncadd.s32 $0xFFFFA000  }
0x17b: {  	[spmem:s10] =	stream.linear.scatter [tilespmem:s23], [sflag:$0x4], $0x80, $0x38;
	[tilespmem:$0x168C0] =	vst v63  }
0x17c: {  	s4 =	simm.s32 $0x6C00;
	s14 =	sld [smem:$0x7BA]  }
0x17d: {  	[spmem:s13] =	stream.linear.scatter [tilespmem:s4], [sflag:$0x4], $0x80, $0x38;
	[tilespmem:$0x168C0] =	vst v63  }
0x17e: {  	s15 =	simm.s32 $0x7000;
	s16 =	sld [smem:$0x7BB]  }
0x17f: {  	[spmem:s14] =	stream.linear.scatter [tilespmem:s15], [sflag:$0x4], $0x80, $0x38;
	[tilespmem:$0x168C0] =	vst v63  }
0x180: {  	s18 =	simm.s32 $0x7400;
	s4 =	sld [smem:$0x7BC]  }
0x181: {  	[spmem:s16] =	stream.linear.scatter [tilespmem:s18], [sflag:$0x4], $0x80, $0x38;
	[tilespmem:$0x168C0] =	vst v63  }
0x182: {  	s13 =	simm.s32 $0x7800;
	s14 =	sld [smem:$0x7BD]  }
0x183: {  	[spmem:s4] =	stream.linear.scatter [tilespmem:s13], [sflag:$0x4], $0x80, $0x38;
	[tilespmem:$0x168C0] =	vst v63  }
0x184: {  	s15 =	simm.s32 $0x7C00;
	s16 =	sld [smem:$0x7BE]  }
0x185: {  	[spmem:s14] =	stream.linear.scatter [tilespmem:s15], [sflag:$0x4], $0x80, $0x38;
	[tilespmem:$0x168C0] =	vst v63  }
0x186: {  	s18 =	simm.s32 $0x8000;
	s4 =	sld [smem:$0x7BF]  }
0x187: {  	[spmem:s16] =	stream.linear.scatter [tilespmem:s18], [sflag:$0x4], $0x80, $0x38;
	[tilespmem:$0x168C0] =	vst v63  }
0x188: {  	s13 =	simm.s32 $0x8400;
	s14 =	sld [smem:$0x7C0]  }
0x189: {  	[spmem:s4] =	stream.linear.scatter [tilespmem:s13], [sflag:$0x4], $0x80, $0x38;
	[tilespmem:$0x168C0] =	vst v63  }
0x18a: {  	s15 =	simm.s32 $0x8800;
	s16 =	sld [smem:$0x7C1]  }
0x18b: {  	[spmem:s14] =	stream.linear.scatter [tilespmem:s15], [sflag:$0x4], $0x80, $0x38;
	[tilespmem:$0x168C0] =	vst v63  }
0x18c: {  	s18 =	simm.s32 $0x8C00;
	s4 =	sld [smem:$0x7C2]  }
0x18d: {  	[spmem:s16] =	stream.linear.scatter [tilespmem:s18], [sflag:$0x4], $0x80, $0x38;
	[tilespmem:$0x168C0] =	vst v63  }
0x18e: {  	s13 =	simm.s32 $0x9000;
	s14 =	sld [smem:$0x7C3]  }
0x18f: {  	[spmem:s4] =	stream.linear.scatter [tilespmem:s13], [sflag:$0x4], $0x80, $0x38;
	[tilespmem:$0x168C0] =	vst v63  }
0x190: {  	s15 =	simm.s32 $0x9400;
	s16 =	sld [smem:$0x7C4]  }
0x191: {  	[spmem:s14] =	stream.linear.scatter [tilespmem:s15], [sflag:$0x4], $0x80, $0x38;
	[tilespmem:$0x168C0] =	vst v63  }
0x192: {  	s18 =	simm.s32 $0x9800;
	s4 =	sld [smem:$0x7C5]  }
0x193: {  	[spmem:s16] =	stream.linear.scatter [tilespmem:s18], [sflag:$0x4], $0x80, $0x38;
	[tilespmem:$0x168C0] =	vst v63  }
0x194: {  	s13 =	simm.s32 $0x9C00;
	s14 =	sld [smem:$0x7C6]  }
0x195: {  	[spmem:s4] =	stream.linear.scatter [tilespmem:s13], [sflag:$0x4], $0x80, $0x38;
	[tilespmem:$0x168C0] =	vst v63  }
0x196: {  	s15 =	simm.s32 $0xA000;
	s16 =	sld [smem:$0x7C7]  }
0x197: {  	[spmem:s14] =	stream.linear.scatter [tilespmem:s15], [sflag:$0x4], $0x80, $0x38;
	[tilespmem:$0x168C0] =	vst v63  }
0x198: {  	s18 =	simm.s32 $0xA400;
	s4 =	sld [smem:$0x7C8]  }
0x199: {  	[spmem:s16] =	stream.linear.scatter [tilespmem:s18], [sflag:$0x4], $0x80, $0x38;
	[tilespmem:$0x168C0] =	vst v63  }
0x19a: {  	s13 =	simm.s32 $0xA800;
	s14 =	sld [smem:$0x7C9]  }
0x19b: {  	[spmem:s4] =	stream.linear.scatter [tilespmem:s13], [sflag:$0x4], $0x80, $0x38;
	[tilespmem:$0x168C0] =	vst v63  }
0x19c: {  	s15 =	simm.s32 $0xAC00;
	s16 =	sld [smem:$0x7CA]  }
0x19d: {  	[spmem:s14] =	stream.linear.scatter [tilespmem:s15], [sflag:$0x4], $0x80, $0x38;
	[tilespmem:$0x168C0] =	vst v63  }
0x19e: {  	s18 =	simm.s32 $0xB000;
	s4 =	sld [smem:$0x7CB]  }
0x19f: {  	[spmem:s16] =	stream.linear.scatter [tilespmem:s18], [sflag:$0x4], $0x80, $0x38;
	[tilespmem:$0x168C0] =	vst v63  }
0x1a0: {  	s13 =	simm.s32 $0xB400;
	s14 =	sld [smem:$0x7CC]  }
0x1a1: {  	[spmem:s4] =	stream.linear.scatter [tilespmem:s13], [sflag:$0x4], $0x80, $0x38;
	[tilespmem:$0x168C0] =	vst v63  }
0x1a2: {  	s15 =	simm.s32 $0xB800;
	s16 =	sld [smem:$0x7CD]  }
0x1a3: {  	[spmem:s14] =	stream.linear.scatter [tilespmem:s15], [sflag:$0x4], $0x80, $0x38;
	[tilespmem:$0x168C0] =	vst v63  }
0x1a4: {  	s18 =	simm.s32 $0xBC00;
	s13 =	sld [smem:$0x7CE]  }
0x1a5: {  	[spmem:s16] =	stream.linear.scatter [tilespmem:s18], [sflag:$0x4], $0x80, $0x38;
	[tilespmem:$0x168C0] =	vst v63  }
0x1a6: {  	s14 =	simm.s32 $0xC000;
	s15 =	sld [smem:$0x7CF]  }
0x1a7: {  	[spmem:s13] =	stream.linear.scatter [tilespmem:s14], [sflag:$0x4], $0x80, $0x38;
	[tilespmem:$0x168C0] =	vst v63  }
0x1a8: {  	s16 =	simm.s32 $0xC400  }
0x1a9: {  	[spmem:s15] =	stream.linear.scatter [tilespmem:s16], [sflag:$0x4], $0x80, $0x38;
	[tilespmem:$0x168C0] =	vst v63  }
0x1aa: {  	_ =	swait.ge [sflag:s24], $0xC00  }
0x1ab: {  	[sflag:s24] =	ssyncset.done $0x0  }
0x1ac: {  	s18 =	simm.s32 $0x6880;
	s4 =	sld [smem:$0x7D0];
	[sflag:s24] =	ssyncadd.s32 $0xFFFFF400  }
0x1ad: {  	[spmem:s11] =	stream.linear.scatter [tilespmem:s18], [sflag:$0x4], $0x80, $0x38;
	[tilespmem:$0x168C0] =	vst v63  }
0x1ae: {  	s13 =	simm.s32 $0x6C80;
	s14 =	sld [smem:$0x7D1]  }
0x1af: {  	[spmem:s4] =	stream.linear.scatter [tilespmem:s13], [sflag:$0x4], $0x80, $0x38;
	[tilespmem:$0x168C0] =	vst v63  }
0x1b0: {  	s15 =	simm.s32 $0x7080;
	s16 =	sld [smem:$0x7D2]  }
0x1b1: {  	[spmem:s14] =	stream.linear.scatter [tilespmem:s15], [sflag:$0x4], $0x80, $0x38;
	[tilespmem:$0x168C0] =	vst v63  }
0x1b2: {  	s18 =	simm.s32 $0x7480;
	s4 =	sld [smem:$0x7D3]  }
0x1b3: {  	[spmem:s16] =	stream.linear.scatter [tilespmem:s18], [sflag:$0x4], $0x80, $0x38;
	[tilespmem:$0x168C0] =	vst v63  }
0x1b4: {  	s13 =	simm.s32 $0x7880;
	s14 =	sld [smem:$0x7D4]  }
0x1b5: {  	[spmem:s4] =	stream.linear.scatter [tilespmem:s13], [sflag:$0x4], $0x80, $0x38;
	[tilespmem:$0x168C0] =	vst v63  }
0x1b6: {  	s15 =	simm.s32 $0x7C80;
	s16 =	sld [smem:$0x7D5]  }
0x1b7: {  	[spmem:s14] =	stream.linear.scatter [tilespmem:s15], [sflag:$0x4], $0x80, $0x38;
	[tilespmem:$0x168C0] =	vst v63  }
0x1b8: {  	s18 =	simm.s32 $0x8080;
	s4 =	sld [smem:$0x7D6]  }
0x1b9: {  	[spmem:s16] =	stream.linear.scatter [tilespmem:s18], [sflag:$0x4], $0x80, $0x38;
	[tilespmem:$0x168C0] =	vst v63  }
0x1ba: {  	s13 =	simm.s32 $0x8480;
	s14 =	sld [smem:$0x7D7]  }
0x1bb: {  	[spmem:s4] =	stream.linear.scatter [tilespmem:s13], [sflag:$0x4], $0x80, $0x38;
	[tilespmem:$0x168C0] =	vst v63  }
0x1bc: {  	s15 =	simm.s32 $0x8880;
	s16 =	sld [smem:$0x7D8]  }
0x1bd: {  	[spmem:s14] =	stream.linear.scatter [tilespmem:s15], [sflag:$0x4], $0x80, $0x38;
	[tilespmem:$0x168C0] =	vst v63  }
0x1be: {  	s18 =	simm.s32 $0x8C80;
	s4 =	sld [smem:$0x7D9]  }
0x1bf: {  	[spmem:s16] =	stream.linear.scatter [tilespmem:s18], [sflag:$0x4], $0x80, $0x38;
	[tilespmem:$0x168C0] =	vst v63  }
0x1c0: {  	s13 =	simm.s32 $0x9080;
	s14 =	sld [smem:$0x7DA]  }
0x1c1: {  	[spmem:s4] =	stream.linear.scatter [tilespmem:s13], [sflag:$0x4], $0x80, $0x38;
	[tilespmem:$0x168C0] =	vst v63  }
0x1c2: {  	s15 =	simm.s32 $0x9480;
	s16 =	sld [smem:$0x7DB]  }
0x1c3: {  	[spmem:s14] =	stream.linear.scatter [tilespmem:s15], [sflag:$0x4], $0x80, $0x38;
	[tilespmem:$0x168C0] =	vst v63  }
0x1c4: {  	s18 =	simm.s32 $0x9880;
	s4 =	sld [smem:$0x7DC]  }
0x1c5: {  	[spmem:s16] =	stream.linear.scatter [tilespmem:s18], [sflag:$0x4], $0x80, $0x38;
	[tilespmem:$0x168C0] =	vst v63  }
0x1c6: {  	s13 =	simm.s32 $0x9C80;
	s14 =	sld [smem:$0x7DD]  }
0x1c7: {  	[spmem:s4] =	stream.linear.scatter [tilespmem:s13], [sflag:$0x4], $0x80, $0x38;
	[tilespmem:$0x168C0] =	vst v63  }
0x1c8: {  	s15 =	simm.s32 $0xA080;
	s16 =	sld [smem:$0x7DE]  }
0x1c9: {  	[spmem:s14] =	stream.linear.scatter [tilespmem:s15], [sflag:$0x4], $0x80, $0x38;
	[tilespmem:$0x168C0] =	vst v63  }
0x1ca: {  	s18 =	simm.s32 $0xA480;
	s4 =	sld [smem:$0x7DF]  }
0x1cb: {  	[spmem:s16] =	stream.linear.scatter [tilespmem:s18], [sflag:$0x4], $0x80, $0x38;
	[tilespmem:$0x168C0] =	vst v63  }
0x1cc: {  	s13 =	simm.s32 $0xA880;
	s14 =	sld [smem:$0x7E0]  }
0x1cd: {  	[spmem:s4] =	stream.linear.scatter [tilespmem:s13], [sflag:$0x4], $0x80, $0x38;
	[tilespmem:$0x168C0] =	vst v63  }
0x1ce: {  	s15 =	simm.s32 $0xAC80;
	s16 =	sld [smem:$0x7E1]  }
0x1cf: {  	[spmem:s14] =	stream.linear.scatter [tilespmem:s15], [sflag:$0x4], $0x80, $0x38;
	[tilespmem:$0x168C0] =	vst v63  }
0x1d0: {  	s18 =	simm.s32 $0xB080;
	s4 =	sld [smem:$0x7E2]  }
0x1d1: {  	[spmem:s16] =	stream.linear.scatter [tilespmem:s18], [sflag:$0x4], $0x80, $0x38;
	[tilespmem:$0x168C0] =	vst v63  }
0x1d2: {  	s13 =	simm.s32 $0xB480;
	s14 =	sld [smem:$0x7E3]  }
0x1d3: {  	[spmem:s4] =	stream.linear.scatter [tilespmem:s13], [sflag:$0x4], $0x80, $0x38;
	[tilespmem:$0x168C0] =	vst v63  }
0x1d4: {  	s15 =	simm.s32 $0xB880;
	s16 =	sld [smem:$0x7E4]  }
0x1d5: {  	[spmem:s14] =	stream.linear.scatter [tilespmem:s15], [sflag:$0x4], $0x80, $0x38;
	[tilespmem:$0x168C0] =	vst v63  }
0x1d6: {  	s18 =	simm.s32 $0xBC80;
	s13 =	sld [smem:$0x7E5]  }
0x1d7: {  	[spmem:s16] =	stream.linear.scatter [tilespmem:s18], [sflag:$0x4], $0x80, $0x38;
	[tilespmem:$0x168C0] =	vst v63  }
0x1d8: {  	s14 =	simm.s32 $0xC080;
	s15 =	sld [smem:$0x7E6]  }
0x1d9: {  	[spmem:s13] =	stream.linear.scatter [tilespmem:s14], [sflag:$0x4], $0x80, $0x38;
	[tilespmem:$0x168C0] =	vst v63  }
0x1da: {  	s16 =	simm.s32 $0xC480  }
0x1db: {  	[spmem:s15] =	stream.linear.scatter [tilespmem:s16], [sflag:$0x4], $0x80, $0x38;
	[tilespmem:$0x168C0] =	vst v63  }
0x1dc: {  	_ =	swait.ge [sflag:s24], $0xC00  }
0x1dd: {  	[sflag:s24] =	ssyncset.done $0x0  }
0x1de: {  	s18 =	rddreg [dreg:$0x14];
	[sflag:s24] =	ssyncadd.s32 $0xFFFFF400  }
0x1df: {  	[tilespmem:s23], [sflag:$0x2] =	stream.linear.gather [hbm4b:s18+s5], $0x6000, $0x38;
	[tilespmem:$0x168C0] =	vst v63  }
.Ltmp12:
0x1e0: {  	_ = 	snop;
	(pc) =	sbr.rel @!p0 .LBB2_17-.Ltmp12, $4  }
0x1e1: {  	_ =	swait.ge [sflag:s26], s30  }
0x1e2: {  	s4 =	smov.u32 s25;
	[sflag:s26] =	ssyncset.done $0x0  }
0x1e3: {  	s13 =	simm.s32 $0x780;
	s14 =	sadd.s32 $0xFFFFFFFF, s29;
	[sflag:s26] =	ssyncadd.s32 s0  }
0x1e4: {  	[spmem:s25] =	stream.linear.scatter [tilespmem:s13], [sflag:$0x4], $0x80, $0x38;
	[tilespmem:$0x168C0] =	vst v63  }
.LBB2_16:
0x1e5: {  	p0 =	sne.s32 s14, $0x1  }
.Ltmp13:
0x1e6: {  	_ = 	snop;
	(pc) =	sbr.rel @p0 .LBB2_16-.Ltmp13, $4  }
0x1e7: {  	_ = 	snop  }
0x1e8: {  	s4 =	sadd.s32 $0x80, s4;
	s13 =	sadd.s32 $0x400, s13  }
0x1e9: {  	s14 =	sadd.s32 $0xFFFFFFFF, s14  }
0x1ea: {  	[spmem:s4] =	stream.linear.scatter [tilespmem:s13], [sflag:$0x4], $0x80, $0x38;
	[tilespmem:$0x168C0] =	vst v63  }
.LBB2_17:
0x1eb: {  	_ =	swait.ge [sflag:s24], s9  }
0x1ec: {  	[sflag:s24] =	ssyncset.done $0x0  }
0x1ed: {  	[sflag:s24] =	ssyncadd.s32 s7  }
0x1ee: {  	_ =	swait.ge [sflag:s28], $0x6000  }
0x1ef: {  	[sflag:s28] =	ssyncset.done $0x0  }
0x1f0: {  	s3 =	simm.s32 $0x6B80;
	s18 =	sld [smem:$0x7E7];
	[sflag:s28] =	ssyncadd.s32 $0xFFFFA000  }
0x1f1: {  	[spmem:s12] =	stream.linear.scatter [tilespmem:s3], [sflag:$0x4], $0x80, $0x38;
	[tilespmem:$0x168C0] =	vst v63  }
0x1f2: {  	s4 =	simm.s32 $0x6F80  }
0x1f3: {  	[spmem:s18] =	stream.linear.scatter [tilespmem:s4], [sflag:$0x4], $0x80, $0x38;
	[tilespmem:$0x168C0] =	vst v63  }
0x1f4: {  	s4 =	sld [smem:$0x7E8];
	_ =	sdelay $0x1  }
0x1f5: {  	s13 =	simm.s32 $0x7380;
	s14 =	sld [smem:$0x7E9]  }
0x1f6: {  	[spmem:s4] =	stream.linear.scatter [tilespmem:s13], [sflag:$0x4], $0x80, $0x38;
	[tilespmem:$0x168C0] =	vst v63  }
0x1f7: {  	s15 =	simm.s32 $0x7780;
	s16 =	sld [smem:$0x7EA]  }
0x1f8: {  	[spmem:s14] =	stream.linear.scatter [tilespmem:s15], [sflag:$0x4], $0x80, $0x38;
	[tilespmem:$0x168C0] =	vst v63  }
0x1f9: {  	s18 =	simm.s32 $0x7B80;
	s4 =	sld [smem:$0x7EB]  }
0x1fa: {  	[spmem:s16] =	stream.linear.scatter [tilespmem:s18], [sflag:$0x4], $0x80, $0x38;
	[tilespmem:$0x168C0] =	vst v63  }
0x1fb: {  	s13 =	simm.s32 $0x7F80;
	s14 =	sld [smem:$0x7EC]  }
0x1fc: {  	[spmem:s4] =	stream.linear.scatter [tilespmem:s13], [sflag:$0x4], $0x80, $0x38;
	[tilespmem:$0x168C0] =	vst v63  }
0x1fd: {  	s15 =	simm.s32 $0x8380;
	s16 =	sld [smem:$0x7ED]  }
0x1fe: {  	[spmem:s14] =	stream.linear.scatter [tilespmem:s15], [sflag:$0x4], $0x80, $0x38;
	[tilespmem:$0x168C0] =	vst v63  }
0x1ff: {  	s18 =	simm.s32 $0x8780;
	s4 =	sld [smem:$0x7EE]  }
0x200: {  	[spmem:s16] =	stream.linear.scatter [tilespmem:s18], [sflag:$0x4], $0x80, $0x38;
	[tilespmem:$0x168C0] =	vst v63  }
0x201: {  	s13 =	simm.s32 $0x8B80;
	s14 =	sld [smem:$0x7EF]  }
0x202: {  	[spmem:s4] =	stream.linear.scatter [tilespmem:s13], [sflag:$0x4], $0x80, $0x38;
	[tilespmem:$0x168C0] =	vst v63  }
0x203: {  	s15 =	simm.s32 $0x8F80;
	s16 =	sld [smem:$0x7F0]  }
0x204: {  	[spmem:s14] =	stream.linear.scatter [tilespmem:s15], [sflag:$0x4], $0x80, $0x38;
	[tilespmem:$0x168C0] =	vst v63  }
0x205: {  	s18 =	simm.s32 $0x9380;
	s4 =	sld [smem:$0x7F1]  }
0x206: {  	[spmem:s16] =	stream.linear.scatter [tilespmem:s18], [sflag:$0x4], $0x80, $0x38;
	[tilespmem:$0x168C0] =	vst v63  }
0x207: {  	s13 =	simm.s32 $0x9780;
	s14 =	sld [smem:$0x7F2]  }
0x208: {  	[spmem:s4] =	stream.linear.scatter [tilespmem:s13], [sflag:$0x4], $0x80, $0x38;
	[tilespmem:$0x168C0] =	vst v63  }
0x209: {  	s15 =	simm.s32 $0x9B80;
	s16 =	sld [smem:$0x7F3]  }
0x20a: {  	[spmem:s14] =	stream.linear.scatter [tilespmem:s15], [sflag:$0x4], $0x80, $0x38;
	[tilespmem:$0x168C0] =	vst v63  }
0x20b: {  	s18 =	simm.s32 $0x9F80;
	s4 =	sld [smem:$0x7F4]  }
0x20c: {  	[spmem:s16] =	stream.linear.scatter [tilespmem:s18], [sflag:$0x4], $0x80, $0x38;
	[tilespmem:$0x168C0] =	vst v63  }
0x20d: {  	s13 =	simm.s32 $0xA380;
	s14 =	sld [smem:$0x7F5]  }
0x20e: {  	[spmem:s4] =	stream.linear.scatter [tilespmem:s13], [sflag:$0x4], $0x80, $0x38;
	[tilespmem:$0x168C0] =	vst v63  }
0x20f: {  	s15 =	simm.s32 $0xA780;
	s16 =	sld [smem:$0x7F6]  }
0x210: {  	[spmem:s14] =	stream.linear.scatter [tilespmem:s15], [sflag:$0x4], $0x80, $0x38;
	[tilespmem:$0x168C0] =	vst v63  }
0x211: {  	s18 =	simm.s32 $0xAB80;
	s4 =	sld [smem:$0x7F7]  }
0x212: {  	[spmem:s16] =	stream.linear.scatter [tilespmem:s18], [sflag:$0x4], $0x80, $0x38;
	[tilespmem:$0x168C0] =	vst v63  }
0x213: {  	s13 =	simm.s32 $0xAF80;
	s14 =	sld [smem:$0x7F8]  }
0x214: {  	[spmem:s4] =	stream.linear.scatter [tilespmem:s13], [sflag:$0x4], $0x80, $0x38;
	[tilespmem:$0x168C0] =	vst v63  }
0x215: {  	s15 =	simm.s32 $0xB380;
	s16 =	sld [smem:$0x7F9]  }
0x216: {  	[spmem:s14] =	stream.linear.scatter [tilespmem:s15], [sflag:$0x4], $0x80, $0x38;
	[tilespmem:$0x168C0] =	vst v63  }
0x217: {  	s18 =	simm.s32 $0xB780;
	s4 =	sld [smem:$0x7FA]  }
0x218: {  	[spmem:s16] =	stream.linear.scatter [tilespmem:s18], [sflag:$0x4], $0x80, $0x38;
	[tilespmem:$0x168C0] =	vst v63  }
0x219: {  	s13 =	simm.s32 $0xBB80;
	s14 =	sld [smem:$0x7FB]  }
0x21a: {  	[spmem:s4] =	stream.linear.scatter [tilespmem:s13], [sflag:$0x4], $0x80, $0x38;
	[tilespmem:$0x168C0] =	vst v63  }
0x21b: {  	s15 =	simm.s32 $0xBF80;
	s16 =	sld [smem:$0x7FC]  }
0x21c: {  	[spmem:s14] =	stream.linear.scatter [tilespmem:s15], [sflag:$0x4], $0x80, $0x38;
	[tilespmem:$0x168C0] =	vst v63  }
0x21d: {  	s18 =	simm.s32 $0xC380;
	s4 =	sld [smem:$0x7FD]  }
0x21e: {  	[spmem:s16] =	stream.linear.scatter [tilespmem:s18], [sflag:$0x4], $0x80, $0x38;
	[tilespmem:$0x168C0] =	vst v63  }
0x21f: {  	s13 =	simm.s32 $0xC780  }
0x220: {  	[spmem:s4] =	stream.linear.scatter [tilespmem:s13], [sflag:$0x4], $0x80, $0x38;
	[tilespmem:$0x168C0] =	vst v63  }
0x221: {  	_ =	swait.ge [sflag:s24], $0xC00  }
0x222: {  	[sflag:s24] =	ssyncset.done $0x0  }
0x223: {  	[sflag:s24] =	ssyncadd.s32 $0xFFFFF400  }
0x224: {  	s15 =	simm.s32 $0xE600;
	s14 =	rddreg [dreg:$0x15];
	[tilespmem:$0xE600] =	vst v1  }
0x225: {  	[spmem:s14] =	stream.linear.scatter [tilespmem:s15], [sflag:$0x4], $0x80, $0x38;
	[tilespmem:$0x168C0] =	vst v63  }
0x226: {  	_ =	swait.ge [sflag:s24], $0x80  }
0x227: {  	[sflag:s24] =	ssyncset.done $0x0  }
0x228: {  	[sflag:s24] =	ssyncadd.s32 $0xFFFFFF80  }
0x229: {  	[bflag:$0x0] =	sbarrier.arrive $0xFFFF  }
0x22a: {  	s18 =	simm.s32 $0xE680;
	s16 =	rddreg [dreg:$0x5]  }
0x22b: {  	[tilespmem:s18], [sflag:$0x4] =	stream.linear.gather [spmem:s16], $0x800, $0x38;
	[tilespmem:$0x168C0] =	vst v63  }
0x22c: {  	_ =	swait.ge [sflag:s24], $0x800  }
0x22d: {  	[sflag:s24] =	ssyncset.done $0x0  }
0x22e: {  	[sflag:s24] =	ssyncadd.s32 $0xFFFFF800  }
0x22f: {  	v1 =	vld [tilespmem:$0xE680]  }
0x230: {  	v2 =	vld [tilespmem:$0xE700];
	_ =	sdelay $0x1  }
0x231: {  	v3 =	vld [tilespmem:$0xE780];
	_ =	sdelay $0x1  }
0x232: {  	v4 =	vld [tilespmem:$0xE800]  }
0x233: {  	v1 =	vadd.f32 v2, v1  }
0x234: {  	v2 =	vld [tilespmem:$0xE880]  }
0x235: {  	v1 =	vadd.f32 v3, v1  }
0x236: {  	v3 =	vld [tilespmem:$0xE900]  }
0x237: {  	v1 =	vadd.f32 v4, v1  }
0x238: {  	v4 =	vld [tilespmem:$0xE980]  }
0x239: {  	v1 =	vadd.f32 v2, v1  }
0x23a: {  	v2 =	vld [tilespmem:$0xEA00]  }
0x23b: {  	v1 =	vadd.f32 v3, v1  }
0x23c: {  	v3 =	vld [tilespmem:$0xEA80]  }
0x23d: {  	v1 =	vadd.f32 v4, v1  }
0x23e: {  	v4 =	vld [tilespmem:$0xEB00]  }
0x23f: {  	v1 =	vadd.f32 v2, v1  }
0x240: {  	v2 =	vld [tilespmem:$0xEB80]  }
0x241: {  	v1 =	vadd.f32 v3, v1  }
0x242: {  	v3 =	vld [tilespmem:$0xEC00]  }
0x243: {  	v1 =	vadd.f32 v4, v1  }
0x244: {  	v4 =	vld [tilespmem:$0xEC80]  }
0x245: {  	v1 =	vadd.f32 v2, v1  }
0x246: {  	v2 =	vld [tilespmem:$0xED00]  }
0x247: {  	v1 =	vadd.f32 v3, v1  }
0x248: {  	v3 =	vld [tilespmem:$0xED80]  }
0x249: {  	v1 =	vadd.f32 v4, v1  }
0x24a: {  	v4 =	vld [tilespmem:$0xEE00]  }
0x24b: {  	v1 =	vadd.f32 v2, v1;
	_ =	sdelay $0x1  }
0x24c: {  	v1 =	vadd.f32 v3, v1;
	_ =	sdelay $0x1  }
0x24d: {  	v1 =	vadd.f32 v4, v1;
	_ =	sdelay $0x1  }
0x24e: {  	(v2sf) =	vpush v1, $0x0  }
0x24f: {  	(v2sf) =	vpush v1, $0x1;
	_ =	sdelay $0x1  }
0x250: {  	(v2sf) =	vpush v1, $0x2;
	_ =	sdelay $0x1  }
0x251: {  	(v2sf) =	vpush v1, $0x3;
	_ =	sdelay $0x1  }
0x252: {  	(v2sf) =	vpush v1, $0x4;
	_ =	sdelay $0x1  }
0x253: {  	(v2sf) =	vpush v1, $0x5;
	_ =	sdelay $0x1  }
0x254: {  	(v2sf) =	vpush v1, $0x6;
	_ =	sdelay $0x1  }
0x255: {  	(v2sf) =	vpush v1, $0x7;
	_ =	sdelay $0x1  }
0x256: {  	s4 =	spop (v2sf);
	(v2sf) =	vpush v1, $0x8  }
0x257: {  	s13 =	spop (v2sf)  }
0x258: {  	(v2sf) =	vpush v1, $0x9;
	s3 =	sadd.f32 s13, s4  }
0x259: {  	s14 =	spop (v2sf)  }
0x25a: {  	(v2sf) =	vpush v1, $0xA;
	s3 =	sadd.f32 s3, s14  }
0x25b: {  	s15 =	spop (v2sf)  }
0x25c: {  	(v2sf) =	vpush v1, $0xB;
	s3 =	sadd.f32 s3, s15  }
0x25d: {  	s16 =	spop (v2sf)  }
0x25e: {  	(v2sf) =	vpush v1, $0xC;
	s3 =	sadd.f32 s3, s16  }
0x25f: {  	s18 =	spop (v2sf)  }
0x260: {  	(v2sf) =	vpush v1, $0xD;
	s3 =	sadd.f32 s3, s18  }
0x261: {  	s13 =	spop (v2sf)  }
0x262: {  	(v2sf) =	vpush v1, $0xE;
	s3 =	sadd.f32 s3, s13  }
0x263: {  	s14 =	spop (v2sf)  }
0x264: {  	(v2sf) =	vpush v1, $0xF;
	s3 =	sadd.f32 s3, s14  }
0x265: {  	s15 =	spop (v2sf)  }
0x266: {  	s3 =	sadd.f32 s3, s15  }
0x267: {  	s16 =	spop (v2sf)  }
0x268: {  	s3 =	sadd.f32 s3, s16  }
0x269: {  	s18 =	spop (v2sf)  }
0x26a: {  	s3 =	sadd.f32 s3, s18  }
0x26b: {  	s13 =	spop (v2sf)  }
0x26c: {  	s3 =	sadd.f32 s3, s13  }
0x26d: {  	s14 =	spop (v2sf)  }
0x26e: {  	s3 =	sadd.f32 s3, s14  }
0x26f: {  	s15 =	spop (v2sf)  }
0x270: {  	s3 =	sadd.f32 s3, s15  }
0x271: {  	s16 =	spop (v2sf)  }
0x272: {  	s3 =	sadd.f32 s3, s16  }
0x273: {  	s18 =	spop (v2sf)  }
0x274: {  	s3 =	sadd.f32 s3, s18;
	_ =	sdelay $0x1  }
0x275: {  	v1 =	vmov s3  }
0x276: {  	(erf) = vrcp.f32 v1  }
0x277: {  	s4 =	rddreg [dreg:$0x6]  }
0x278: {  	s13 =	simm.s32 $0xCC00;
	s14 =	simm.s32 $0xD600;
	s15 =	simm.s32 $0xA00  }
0x279: {  	[tilespmem:s14], [sflag:$0x3] =	stream.indirect.gather [spmem:s4], $0x1, s13, s15, $0xb8;
	[tilespmem:$0x168C0] =	vst v63  }
0x27a: {  	v5 =	vld [tilespmem:$0x0]  }
0x27b: {  	v6 =	vld [tilespmem:$0x80]  }
0x27c: {  	v7 =	vld [tilespmem:$0x100]  }
0x27d: {  	v4 =	vld [tilespmem:$0x180]  }
0x27e: {  	v3 =	vld [tilespmem:$0x200]  }
0x27f: {  	v2 =	vld [tilespmem:$0x300];
	v8 =	vpop (erf)  }
0x280: {  	v1 =	vld [tilespmem:$0x280];
	_ =	swait.ge [sflag:s19], $0xA00  }
0x281: {  	s16 =	simm.s32 $0x0;
	[sflag:s19] =	ssyncset.done $0x0  }
0x282: {  	s3 =	sand.u32 $0x1F0, s16;
	[sflag:s19] =	ssyncadd.s32 $0xFFFFF600  }
0x283: {  	v9 =	vld [tilespmem:s3+$0xD800];
	_ =	sdelay $0x1  }
0x284: {  	v10 =	vld [tilespmem:s14+$0x0]  }
0x285: {  	v8 =	vmul.f32 $1.000000000e+05, v8;
	_ =	sdelay $0x1  }
0x286: {  	v9 =	vmul.f32 v9, v8;
	_ =	sdelay $0x1  }
0x287: {  	v11 =	vadd.f32 v10, v6;
	v9 =	vmul.f32 v9, v7;
	_ =	sdelay $0x1  }
0x288: {  	v9 =	vadd.f32 v9, v11;
	_ =	sdelay $0x1  }
0x289: {  	(erf) = vrcp.f32 v9;
	_ =	sdelay $0x4  }
0x28a: {  	v9 =	vld [tilespmem:s3+$0xDA00];
	_ =	sdelay $0x1  }
0x28b: {  	v11 =	vld [tilespmem:s3+$0xDC00]  }
0x28c: {  	v10 =	vmul.f32 v10, v5  }
0x28d: {  	v12 =	vld [tilespmem:s3+$0xDE00];
	v13 =	vpop (erf)  }
0x28e: {  	s16 =	simm.s32 $0xE200;
	v9 =	vmul.f32 v9, v4;
	v10 =	vmul.f32 v13, v10  }
0x28f: {  	v63 =	vld [tilespmem:s16+$0x0]  }
0x290: {  	v9 =	vadd.f32 v10, v9;
	v10 =	vmul.f32 v11, v3;
	_ =	sdelay $0x1  }
0x291: {  	v9 =	vadd.f32 v9, v10;
	v10 =	vmul.f32 v12, v1;
	_ =	sdelay $0x1  }
0x292: {  	v9 =	vadd.f32 v9, v10;
	v10 =	vmul.f32 v63, v2;
	_ =	sdelay $0x1  }
0x293: {  	v9 =	vadd.f32 v9, v10  }
0x294: {  	s13 =	simm.s32 $0xE400;
	s18 =	simm.s32 $0x10  }
0x295: {  	s15 =	sand.u32 $0x1F0, s18;
	s18 =	simm.s32 $0x20;
	[tilespmem:s13+$0x0] =	vst v9  }
.LBB2_18:
0x296: {  	p0 =	sne.s32 s18, $0x1F0;
	v9 =	vld [tilespmem:s15+$0xD800]  }
0x297: {  	s14 =	sadd.s32 $0x10, s14  }
0x298: {  	v10 =	vld [tilespmem:s14+$0x0];
	_ =	sdelay $0x2  }
0x299: {  	v9 =	vmul.f32 v9, v8;
	_ =	sdelay $0x1  }
0x29a: {  	v11 =	vadd.f32 v10, v6;
	v9 =	vmul.f32 v9, v7;
	_ =	sdelay $0x1  }
0x29b: {  	v9 =	vadd.f32 v9, v11;
	_ =	sdelay $0x1  }
0x29c: {  	(erf) = vrcp.f32 v9;
	_ =	sdelay $0x4  }
0x29d: {  	v9 =	vld [tilespmem:s15+$0xDA00];
	_ =	sdelay $0x1  }
0x29e: {  	v11 =	vld [tilespmem:s15+$0xDC00]  }
0x29f: {  	v10 =	vmul.f32 v10, v5  }
0x2a0: {  	v12 =	vld [tilespmem:s15+$0xDE00];
	v13 =	vpop (erf)  }
0x2a1: {  	s16 =	sadd.s32 $0x10, s16;
	v10 =	vmul.f32 v13, v10;
	v9 =	vmul.f32 v9, v4  }
0x2a2: {  	v13 =	vld [tilespmem:s16+$0x0]  }
0x2a3: {  	v9 =	vadd.f32 v10, v9;
	v10 =	vmul.f32 v11, v3;
	_ =	sdelay $0x1  }
0x2a4: {  	v9 =	vadd.f32 v9, v10;
	v10 =	vmul.f32 v12, v1;
	_ =	sdelay $0x1  }
.Ltmp14:
0x2a5: {  	v9 =	vadd.f32 v9, v10;
	v10 =	vmul.f32 v13, v2;
	(pc) =	sbr.rel @p0 .LBB2_18-.Ltmp14, $4  }
0x2a6: {  	_ = 	snop  }
0x2a7: {  	v9 =	vadd.f32 v9, v10  }
0x2a8: {  	s13 =	sadd.s32 $0x10, s13  }
0x2a9: {  	s15 =	sand.u32 $0x1F0, s18;
	s18 =	sadd.s32 $0x10, s18;
	[tilespmem:s13+$0x0] =	vst v9  }
0x2aa: {  	v9 =	vld [tilespmem:s15+$0xD800]  }
0x2ab: {  	s3 =	sadd.s32 $0x10, s14  }
0x2ac: {  	v10 =	vld [tilespmem:s3+$0x0];
	_ =	sdelay $0x2  }
0x2ad: {  	v8 =	vmul.f32 v9, v8;
	_ =	sdelay $0x1  }
0x2ae: {  	v6 =	vadd.f32 v10, v6;
	v7 =	vmul.f32 v8, v7;
	_ =	sdelay $0x1  }
0x2af: {  	v6 =	vadd.f32 v7, v6;
	_ =	sdelay $0x1  }
0x2b0: {  	(erf) = vrcp.f32 v6;
	_ =	sdelay $0x4  }
0x2b1: {  	v59 =	vld [tilespmem:s15+$0xDA00];
	_ =	sdelay $0x1  }
0x2b2: {  	v60 =	vld [tilespmem:s15+$0xDC00]  }
0x2b3: {  	v5 =	vmul.f32 v10, v5  }
0x2b4: {  	v61 =	vld [tilespmem:s15+$0xDE00];
	v62 =	vpop (erf)  }
0x2b5: {  	s14 =	sadd.s32 $0x10, s16;
	v4 =	vmul.f32 v59, v4;
	v5 =	vmul.f32 v62, v5  }
0x2b6: {  	v63 =	vld [tilespmem:s14+$0x0]  }
0x2b7: {  	v3 =	vmul.f32 v60, v3;
	v4 =	vadd.f32 v5, v4;
	_ =	sdelay $0x1  }
0x2b8: {  	v1 =	vmul.f32 v61, v1;
	v3 =	vadd.f32 v4, v3;
	_ =	sdelay $0x1  }
0x2b9: {  	v2 =	vmul.f32 v63, v2;
	v1 =	vadd.f32 v3, v1;
	_ =	sdelay $0x1  }
0x2ba: {  	v1 =	vadd.f32 v1, v2  }
0x2bb: {  	s15 =	sadd.s32 $0x10, s13  }
0x2bc: {  	s16 =	rddreg [dreg:$0xf];
	s4 =	simm.s32 $0xE400;
	[tilespmem:s15+$0x0] =	vst v1  }
0x2bd: {  	[hbm4b:s16+s5] =	stream.linear.scatter [tilespmem:s4], [sflag:$0x4], $0x200, $0x38;
	[tilespmem:$0x168C0] =	vst v63  }
0x2be: {  	_ =	swait.ge [sflag:s24], $0x200  }
0x2bf: {  	s20 =	sadd.s32 $0x1, s20;
	s18 =	rddreg [dreg:$0x16]  }
0x2c0: {  	p0 =	sne.s32 s20, s18  }
.Ltmp15:
0x2c1: {  	_ = 	snop;
	(pc) =	sbr.rel @p0 .LBB2_1-.Ltmp15, $3  }
0x2c2: {  	_ =	sdelay $0x1  }
0x2c3: {  	[sflag:s24] =	ssyncset.done $0x0  }
0x2c4: {  	[sflag:s24] =	ssyncadd.s32 $0xFFFFFE00  }
0x2c5: {  	_ =	sfence.sel $0x180000  }
0x2c6: {  	[bflag:$0x0] =	sbarrier.arrive $0xFFFF  }
0x2c7: {  	_ =	strace $0x90000047  }
0x2c8: {  	s0 =	stileid.u32;
	[bflag:$0x2] =	sbarrier.arrive $0xFFFF  }
0x2c9: {  	p0 =	sne.s32 s0, $0x0;
	s0 =	rddreg [dreg:$0x7]  }
0x2ca: {  	s0 =	sadd.s32 @!p0 $0x100000, s0  }
0x2cb: {  	[sflag:s0] =	ssyncadd.tile.s32 @!p0 $0x1;
	_ =	shalt  }
.Lfunc_end2:
_tile_overlayer_lowered:
.L_overlay_start_2:
0x2cc: {  	(tag) =	ssettag $0x2  }
0x2cd: {  	s0 =	rddreg [dreg:$0x0];
	s2 =	stileid.u32  }
0x2ce: {  	s1 =	rddreg [dreg:$0x1];
	p0 =	sne.s32 s2, $0x0  }
0x2cf: {  	s3 =	rddreg [dreg:$0x2];
	[bflag:$0x3] =	sbarrier.arrive $0xFFFF;
	s2 =	simm.s32 @!p0 $0x1C04  }
0x2d0: {  	[timem:s3], [sflag:s2] =	dma.local @!p0 [hbm:s0], s1  }
0x2d1: {  	s0 =	simm.s32 @!p0 $0x4  }
0x2d2: {  	_ =	swait.ge @!p0 [sflag:s0], s1  }
0x2d3: {  	s1 =	ssub.s32 @!p0 $0x0, s1;
	[sflag:s0] =	ssyncset.done @!p0 $0x0  }
0x2d4: {  	[sflag:s0] =	ssyncadd.s32 @!p0 s1  }
0x2d5: {  	[bflag:$0x3] =	sbarrier.arrive $0xFFFF  }
0x2d6: {  	_ =	shalt  }

</sc_bundles>
